<compile_context>
chip_gen: v7x
topology: tpu7x:2x2x1
jax: 0.10.2.dev20260603
libtpu: 0.0.44.dev20260713+nightly
codegen_flags: <defaults>
</compile_context>

<pallas_src>
import functools

import jax
import jax.numpy as jnp
from jax import lax
from jax.experimental import pallas as pl
from jax.experimental.pallas import tpu as pltpu
from jax.experimental.pallas import tpu_sc as plsc

BATCH = 16384
EMBED = 64
NC = 2
NS = 16
NW = NC * NS
BPW = BATCH // NW

BLK = 2048


CHUNK = 256


def _gather_body(uids_hbm, iids_hbm, utab_hbm, itab_hbm, u_out, i_out,
                 uids_v, iids_v, buf_a, buf_b, buf_c,
                 sem_a, sem_b, sem_c):
    wid = lax.axis_index("s") * NC + lax.axis_index("c")
    base = wid * BPW
    pltpu.sync_copy(uids_hbm.at[pl.ds(base, BPW)], uids_v)
    pltpu.sync_copy(iids_hbm.at[pl.ds(base, BPW)], iids_v)

    def fire(ids_v, tab, buf, sem, off):
        def body(g, _):
            vec = ids_v[pl.ds(off + g * 16, 16)]
            for lane in range(16):
                r = vec[lane]
                pltpu.make_async_copy(tab.at[r], buf.at[g * 16 + lane],
                                      sem).start()
            return 0
        lax.fori_loop(0, CHUNK // 16, body, 0)

    def drain(buf, sem):
        pltpu.make_async_copy(utab_hbm.at[pl.ds(0, CHUNK)], buf, sem).wait()

    def copyout(buf, out, off):
        pltpu.sync_copy(buf, out.at[pl.ds(base + off, CHUNK)])

    fire(uids_v, utab_hbm, buf_a, sem_a, 0)
    fire(uids_v, utab_hbm, buf_b, sem_b, CHUNK)
    fire(iids_v, itab_hbm, buf_c, sem_c, 0)
    drain(buf_a, sem_a)
    copyout(buf_a, u_out, 0)
    fire(iids_v, itab_hbm, buf_a, sem_a, CHUNK)
    drain(buf_b, sem_b)
    copyout(buf_b, u_out, CHUNK)
    drain(buf_c, sem_c)
    copyout(buf_c, i_out, 0)
    drain(buf_a, sem_a)
    copyout(buf_a, i_out, CHUNK)


@functools.cache
def _sc_gather():
    return pl.kernel(
        _gather_body,
        mesh=plsc.VectorSubcoreMesh(core_axis_name="c", subcore_axis_name="s"),
        out_type=(
            jax.ShapeDtypeStruct((BATCH, EMBED), jnp.float32),
            jax.ShapeDtypeStruct((BATCH, EMBED), jnp.float32),
        ),
        scratch_types=[
            pltpu.VMEM((BPW,), jnp.int32),
            pltpu.VMEM((BPW,), jnp.int32),
            pltpu.VMEM((CHUNK, EMBED), jnp.float32),
            pltpu.VMEM((CHUNK, EMBED), jnp.float32),
            pltpu.VMEM((CHUNK, EMBED), jnp.float32),
            pltpu.SemaphoreType.DMA,
            pltpu.SemaphoreType.DMA,
            pltpu.SemaphoreType.DMA,
        ],
    )


def _mlp_body(u_ref, i_ref, w1u_ref, w1i_ref, b1_ref, w2_ref, b2_ref,
              w3t_ref, b3_ref, out_ref):
    h = jnp.dot(u_ref[...], w1u_ref[...], preferred_element_type=jnp.float32)
    h = h + jnp.dot(i_ref[...], w1i_ref[...], preferred_element_type=jnp.float32)
    h = jnp.maximum(h + b1_ref[...], 0.0)
    h2 = jnp.dot(h, w2_ref[...], preferred_element_type=jnp.float32)
    h2 = jnp.maximum(h2 + b2_ref[...], 0.0)
    o = jnp.sum(h2 * w3t_ref[...], axis=1)
    out_ref[...] = o + b3_ref[0]


def _mlp(u, i, w1u, w1i, b1, w2, b2, w3t, b3):
    grid = (BATCH // BLK,)
    return pl.pallas_call(
        _mlp_body,
        grid=grid,
        in_specs=[
            pl.BlockSpec((BLK, EMBED), lambda g: (g, 0)),
            pl.BlockSpec((BLK, EMBED), lambda g: (g, 0)),
            pl.BlockSpec((EMBED, 512), lambda g: (0, 0)),
            pl.BlockSpec((EMBED, 512), lambda g: (0, 0)),
            pl.BlockSpec((1, 512), lambda g: (0, 0)),
            pl.BlockSpec((512, 256), lambda g: (0, 0)),
            pl.BlockSpec((1, 256), lambda g: (0, 0)),
            pl.BlockSpec((1, 256), lambda g: (0, 0)),
            pl.BlockSpec(memory_space=pltpu.SMEM),
        ],
        out_specs=pl.BlockSpec((BLK,), lambda g: (g,)),
        out_shape=jax.ShapeDtypeStruct((BATCH,), jnp.float32),
    )(u, i, w1u, w1i, b1, w2, b2, w3t, b3)


def kernel(user_ids, item_ids, user_table, item_table, W1, b1, W2, b2, W3, b3):
    u, i = _sc_gather()(user_ids.astype(jnp.int32), item_ids.astype(jnp.int32),
                        user_table, item_table)
    return _mlp(u, i, W1[:EMBED], W1[EMBED:], b1.reshape(1, 512),
                W2, b2.reshape(1, 256), W3.reshape(1, 256), b3)

# --- scband reference (transcript-rebuilt; emitter-appended) ---
"""Pipeline reference for scband-recommendation-model-27049704030726 (READ-ONLY COPY).

The authoritative reference and input builder live on the scoring server;
editing this copy changes nothing except your own understanding.
"""

import jax, jax.numpy as jnp
import numpy as np

NUM_USERS = 1000000
NUM_ITEMS = 1000000
EMBED_DIM = 64
BATCH = 16384

def setup_inputs(seed: int = 0) -> dict:
    key = jax.random.key(seed)
    ks = jax.random.split(key, 12)
    user_ids = jax.random.randint(ks[0], (BATCH,), 0, NUM_USERS, dtype=jnp.int64) if jax.config.jax_enable_x64 else jax.random.randint(ks[0], (BATCH,), 0, NUM_USERS, dtype=jnp.int32)
    item_ids = jax.random.randint(ks[1], (BATCH,), 0, NUM_ITEMS, dtype=jnp.int32)
    user_table = jax.random.normal(ks[2], (NUM_USERS, EMBED_DIM), dtype=jnp.float32) * 0.01
    item_table = jax.random.normal(ks[3], (NUM_ITEMS, EMBED_DIM), dtype=jnp.float32) * 0.01
    # Linear layers: PyTorch default init (kaiming uniform-ish); use uniform bounds 1/sqrt(fan_in)
    def lin(k, fan_in, fan_out):
        k1, k2 = jax.random.split(k)
        bound = 1.0 / np.sqrt(fan_in)
        W = jax.random.uniform(k1, (fan_in, fan_out), minval=-bound, maxval=bound, dtype=jnp.float32)
        b = jax.random.uniform(k2, (fan_out,), minval=-bound, maxval=bound, dtype=jnp.float32)
        return W, b
    W1, b1 = lin(ks[4], EMBED_DIM * 2, 512)
    W2, b2 = lin(ks[5], 512, 256)
    W3, b3 = lin(ks[6], 256, 1)
    return {
        "user_ids": user_ids,
        "item_ids": item_ids,
        "user_table": user_table,
        "item_table": item_table,
        "W1": W1, "b1": b1,
        "W2": W2, "b2": b2,
        "W3": W3, "b3": b3,
    }

def reference(user_ids, item_ids, user_table, item_table, W1, b1, W2, b2, W3, b3):
    # Embedding lookups (gather)
    user_embeds = jnp.take(user_table, user_ids, axis=0)
    item_embeds = jnp.take(item_table, item_ids, axis=0)
    x = jnp.concatenate([user_embeds, item_embeds], axis=1)
    # MLP (dropout is identity in eval mode)
    h = jax.nn.relu(x @ W1 + b1)
    h = jax.nn.relu(h @ W2 + b2)
    out = h @ W3 + b3
    return out.squeeze(1)

if __name__ == "__main__":
    import jax
    _d = setup_inputs()
    print(jax.jit(kernel)(*tuple(_d.values())))

</pallas_src>

<mosaic_0001>
#map = affine_map<(d0, d1) -> (0)>
#map1 = affine_map<(d0, d1) -> (0, 0)>
module attributes {stable_mosaic.version = 14 : i64} {
  func.func @_gather_body(%arg0: i32, %arg1: i32, %arg2: memref<16384xi32, #tpu.memory_space<hbm>>, %arg3: memref<16384xi32, #tpu.memory_space<hbm>>, %arg4: memref<1000000x64xf32, #tpu.memory_space<hbm>>, %arg5: memref<1000000x64xf32, #tpu.memory_space<hbm>>, %arg6: memref<16384x64xf32, #tpu.memory_space<hbm>>, %arg7: memref<16384x64xf32, #tpu.memory_space<hbm>>, %arg8: memref<512xi32, #tpu.memory_space<vmem>>, %arg9: memref<512xi32, #tpu.memory_space<vmem>>, %arg10: memref<256x64xf32, #tpu.memory_space<vmem>>, %arg11: memref<256x64xf32, #tpu.memory_space<vmem>>, %arg12: memref<256x64xf32, #tpu.memory_space<vmem>>, %arg13: memref<!tpu.dma_semaphore, #tpu.memory_space<semaphore_mem>>, %arg14: memref<!tpu.dma_semaphore, #tpu.memory_space<semaphore_mem>>, %arg15: memref<!tpu.dma_semaphore, #tpu.memory_space<semaphore_mem>>) attributes {dimension_semantics = [#tpu.dimension_semantics<core_parallel>, #tpu.dimension_semantics<subcore_parallel>], iteration_bounds = array<i64: 2, 16>, scalar_prefetch = 0 : i64, scratch_operands = 8 : i64, tpu.core_type = #tpu.core_type<sc_vector_subcore>, window_params = [{transform_indices = #map}, {transform_indices = #map}, {transform_indices = #map1}, {transform_indices = #map1}, {transform_indices = #map1}, {transform_indices = #map1}]} {
    %mul3A = arith.constant 2 : i32
    %mul3A_0 = arith.muli %arg1, %mul3A : i32
    %add3A = arith.addi %mul3A_0, %arg0 : i32
    %mul3A_1 = arith.constant 512 : i32
    %mul3A_2 = arith.muli %add3A, %mul3A_1 : i32
    "tpu.region"() ({
      %run_scoped3A = tpu.sem_alloc : memref<!tpu.dma_semaphore, #tpu.memory_space<semaphore_mem>>
      %dma_start3A = tpu.memref_slice %arg2[%mul3A_2] : memref<16384xi32, #tpu.memory_space<hbm>> -> memref<512xi32, #tpu.memory_space<hbm>>
      %dma_start3A_61 = tpu.memref_slice %arg2[%mul3A_2] : memref<16384xi32, #tpu.memory_space<hbm>> -> memref<512xi32, #tpu.memory_space<hbm>>
      tpu.enqueue_dma source(%dma_start3A_61 : memref<512xi32, #tpu.memory_space<hbm>>) target(%arg8 : memref<512xi32, #tpu.memory_space<vmem>>) target_semaphore(%run_scoped3A : memref<!tpu.dma_semaphore, #tpu.memory_space<semaphore_mem>>)
      %dma_wait3A_62 = tpu.memref_slice %arg2[%mul3A_2] : memref<16384xi32, #tpu.memory_space<hbm>> -> memref<512xi32, #tpu.memory_space<hbm>>
      %dma_wait3A_63 = tpu.memref_slice %arg2[%mul3A_2] : memref<16384xi32, #tpu.memory_space<hbm>> -> memref<512xi32, #tpu.memory_space<hbm>>
      tpu.wait_dma2 semaphore(%run_scoped3A : memref<!tpu.dma_semaphore, #tpu.memory_space<semaphore_mem>>) src(%dma_wait3A_63 : memref<512xi32, #tpu.memory_space<hbm>>) dst(%arg8 : memref<512xi32, #tpu.memory_space<vmem>>)
      tpu.yield
    }) : () -> ()
    "tpu.region"() ({
      %run_scoped3A = tpu.sem_alloc : memref<!tpu.dma_semaphore, #tpu.memory_space<semaphore_mem>>
      %dma_start3A = tpu.memref_slice %arg3[%mul3A_2] : memref<16384xi32, #tpu.memory_space<hbm>> -> memref<512xi32, #tpu.memory_space<hbm>>
      %dma_start3A_61 = tpu.memref_slice %arg3[%mul3A_2] : memref<16384xi32, #tpu.memory_space<hbm>> -> memref<512xi32, #tpu.memory_space<hbm>>
      tpu.enqueue_dma source(%dma_start3A_61 : memref<512xi32, #tpu.memory_space<hbm>>) target(%arg9 : memref<512xi32, #tpu.memory_space<vmem>>) target_semaphore(%run_scoped3A : memref<!tpu.dma_semaphore, #tpu.memory_space<semaphore_mem>>)
      %dma_wait3A_62 = tpu.memref_slice %arg3[%mul3A_2] : memref<16384xi32, #tpu.memory_space<hbm>> -> memref<512xi32, #tpu.memory_space<hbm>>
      %dma_wait3A_63 = tpu.memref_slice %arg3[%mul3A_2] : memref<16384xi32, #tpu.memory_space<hbm>> -> memref<512xi32, #tpu.memory_space<hbm>>
      tpu.wait_dma2 semaphore(%run_scoped3A : memref<!tpu.dma_semaphore, #tpu.memory_space<semaphore_mem>>) src(%dma_wait3A_63 : memref<512xi32, #tpu.memory_space<hbm>>) dst(%arg9 : memref<512xi32, #tpu.memory_space<vmem>>)
      tpu.yield
    }) : () -> ()
    %scan3A = arith.constant 0 : i32
    %scan3A_3 = arith.constant 0 : i32
    %scan3A_4 = arith.constant 16 : i32
    %scan3A_5 = arith.addi %scan3A_3, %scan3A_4 : i32
    %scan3A_6 = arith.constant 1 : i32
    %scan3A_7 = scf.for %scan3A_61 = %scan3A_3 to %scan3A_5 step %scan3A_6 iter_args(%scan3A_62 = %scan3A) -> (i32)  : i32 {
      %mul3A_63 = arith.constant 16 : i32
      %mul3A_64 = arith.muli %scan3A_61, %mul3A_63 : i32
      %add3A_65 = arith.constant 0 : i32
      %add3A_66 = arith.addi %add3A_65, %mul3A_64 : i32
      %get3A = arith.index_cast %add3A_66 : i32 to index
      %get3A_67 = tpu.vector_load %arg8[%get3A] {strides = array<i32>} : memref<512xi32, #tpu.memory_space<vmem>>, vector<16xi32>,
      %get3A_68 = vector.shape_cast %get3A_67 : vector<16xi32> to vector<16xi32>
      %slice3A = vector.extract_strided_slice %get3A_68 {offsets = [0], sizes = [1], strides = [1]} : vector<16xi32> to vector<1xi32>
      %squeeze3A = vector.extract %slice3A[0] : i32 from vector<1xi32>
      %mul3A_69 = arith.constant 16 : i32
      %mul3A_70 = arith.muli %scan3A_61, %mul3A_69 : i32
      %add3A_71 = arith.constant 0 : i32
      %add3A_72 = arith.addi %mul3A_70, %add3A_71 : i32
      %dma_start3A = arith.constant 0 : i32
      %dma_start3A_73 = tpu.memref_slice %arg10[%add3A_72, %dma_start3A] : memref<256x64xf32, #tpu.memory_space<vmem>> -> memref<1x64xf32, #tpu.memory_space<vmem>>
      %dma_start3A_74 = tpu.memref_squeeze %dma_start3A_73 : memref<1x64xf32, #tpu.memory_space<vmem>> -> memref<64xf32, #tpu.memory_space<vmem>>
      %dma_start3A_75 = arith.constant 0 : i32
      %dma_start3A_76 = tpu.memref_slice %arg4[%squeeze3A, %dma_start3A_75] : memref<1000000x64xf32, #tpu.memory_space<hbm>> -> memref<1x64xf32, #tpu.memory_space<hbm>>
      %dma_start3A_77 = tpu.memref_squeeze %dma_start3A_76 : memref<1x64xf32, #tpu.memory_space<hbm>> -> memref<64xf32, #tpu.memory_space<hbm>>
      %dma_start3A_78 = arith.constant 0 : i32
      %dma_start3A_79 = tpu.memref_slice %arg10[%add3A_72, %dma_start3A_78] : memref<256x64xf32, #tpu.memory_space<vmem>> -> memref<1x64xf32, #tpu.memory_space<vmem>>
      %dma_start3A_80 = tpu.memref_squeeze %dma_start3A_79 : memref<1x64xf32, #tpu.memory_space<vmem>> -> memref<64xf32, #tpu.memory_space<vmem>>
      %dma_start3A_81 = arith.constant 0 : i32
      %dma_start3A_82 = tpu.memref_slice %arg4[%squeeze3A, %dma_start3A_81] : memref<1000000x64xf32, #tpu.memory_space<hbm>> -> memref<1x64xf32, #tpu.memory_space<hbm>>
      %dma_start3A_83 = tpu.memref_squeeze %dma_start3A_82 : memref<1x64xf32, #tpu.memory_space<hbm>> -> memref<64xf32, #tpu.memory_space<hbm>>
      tpu.enqueue_dma source(%dma_start3A_83 : memref<64xf32, #tpu.memory_space<hbm>>) target(%dma_start3A_80 : memref<64xf32, #tpu.memory_space<vmem>>) target_semaphore(%arg13 : memref<!tpu.dma_semaphore, #tpu.memory_space<semaphore_mem>>)
      %slice3A_84 = vector.extract_strided_slice %get3A_68 {offsets = [1], sizes = [1], strides = [1]} : vector<16xi32> to vector<1xi32>
      %squeeze3A_85 = vector.extract %slice3A_84[0] : i32 from vector<1xi32>
      %mul3A_86 = arith.constant 16 : i32
      %mul3A_87 = arith.muli %scan3A_61, %mul3A_86 : i32
      %add3A_88 = arith.constant 1 : i32
      %add3A_89 = arith.addi %mul3A_87, %add3A_88 : i32
      %dma_start3A_90 = arith.constant 0 : i32
      %dma_start3A_91 = tpu.memref_slice %arg10[%add3A_89, %dma_start3A_90] : memref<256x64xf32, #tpu.memory_space<vmem>> -> memref<1x64xf32, #tpu.memory_space<vmem>>
      %dma_start3A_92 = tpu.memref_squeeze %dma_start3A_91 : memref<1x64xf32, #tpu.memory_space<vmem>> -> memref<64xf32, #tpu.memory_space<vmem>>
      %dma_start3A_93 = arith.constant 0 : i32
      %dma_start3A_94 = tpu.memref_slice %arg4[%squeeze3A_85, %dma_start3A_93] : memref<1000000x64xf32, #tpu.memory_space<hbm>> -> memref<1x64xf32, #tpu.memory_space<hbm>>
      %dma_start3A_95 = tpu.memref_squeeze %dma_start3A_94 : memref<1x64xf32, #tpu.memory_space<hbm>> -> memref<64xf32, #tpu.memory_space<hbm>>
      %dma_start3A_96 = arith.constant 0 : i32
      %dma_start3A_97 = tpu.memref_slice %arg10[%add3A_89, %dma_start3A_96] : memref<256x64xf32, #tpu.memory_space<vmem>> -> memref<1x64xf32, #tpu.memory_space<vmem>>
      %dma_start3A_98 = tpu.memref_squeeze %dma_start3A_97 : memref<1x64xf32, #tpu.memory_space<vmem>> -> memref<64xf32, #tpu.memory_space<vmem>>
      %dma_start3A_99 = arith.constant 0 : i32
      %dma_start3A_100 = tpu.memref_slice %arg4[%squeeze3A_85, %dma_start3A_99] : memref<1000000x64xf32, #tpu.memory_space<hbm>> -> memref<1x64xf32, #tpu.memory_space<hbm>>
      %dma_start3A_101 = tpu.memref_squeeze %dma_start3A_100 : memref<1x64xf32, #tpu.memory_space<hbm>> -> memref<64xf32, #tpu.memory_space<hbm>>
      tpu.enqueue_dma source(%dma_start3A_101 : memref<64xf32, #tpu.memory_space<hbm>>) target(%dma_start3A_98 : memref<64xf32, #tpu.memory_space<vmem>>) target_semaphore(%arg13 : memref<!tpu.dma_semaphore, #tpu.memory_space<semaphore_mem>>)
      %slice3A_102 = vector.extract_strided_slice %get3A_68 {offsets = [2], sizes = [1], strides = [1]} : vector<16xi32> to vector<1xi32>
      %squeeze3A_103 = vector.extract %slice3A_102[0] : i32 from vector<1xi32>
      %mul3A_104 = arith.constant 16 : i32
      %mul3A_105 = arith.muli %scan3A_61, %mul3A_104 : i32
      %add3A_106 = arith.constant 2 : i32
      %add3A_107 = arith.addi %mul3A_105, %add3A_106 : i32
      %dma_start3A_108 = arith.constant 0 : i32
      %dma_start3A_109 = tpu.memref_slice %arg10[%add3A_107, %dma_start3A_108] : memref<256x64xf32, #tpu.memory_space<vmem>> -> memref<1x64xf32, #tpu.memory_space<vmem>>
      %dma_start3A_110 = tpu.memref_squeeze %dma_start3A_109 : memref<1x64xf32, #tpu.memory_space<vmem>> -> memref<64xf32, #tpu.memory_space<vmem>>
      %dma_start3A_111 = arith.constant 0 : i32
      %dma_start3A_112 = tpu.memref_slice %arg4[%squeeze3A_103, %dma_start3A_111] : memref<1000000x64xf32, #tpu.memory_space<hbm>> -> memref<1x64xf32, #tpu.memory_space<hbm>>
      %dma_start3A_113 = tpu.memref_squeeze %dma_start3A_112 : memref<1x64xf32, #tpu.memory_space<hbm>> -> memref<64xf32, #tpu.memory_space<hbm>>
      %dma_start3A_114 = arith.constant 0 : i32
      %dma_start3A_115 = tpu.memref_slice %arg10[%add3A_107, %dma_start3A_114] : memref<256x64xf32, #tpu.memory_space<vmem>> -> memref<1x64xf32, #tpu.memory_space<vmem>>
      %dma_start3A_116 = tpu.memref_squeeze %dma_start3A_115 : memref<1x64xf32, #tpu.memory_space<vmem>> -> memref<64xf32, #tpu.memory_space<vmem>>
      %dma_start3A_117 = arith.constant 0 : i32
      %dma_start3A_118 = tpu.memref_slice %arg4[%squeeze3A_103, %dma_start3A_117] : memref<1000000x64xf32, #tpu.memory_space<hbm>> -> memref<1x64xf32, #tpu.memory_space<hbm>>
      %dma_start3A_119 = tpu.memref_squeeze %dma_start3A_118 : memref<1x64xf32, #tpu.memory_space<hbm>> -> memref<64xf32, #tpu.memory_space<hbm>>
      tpu.enqueue_dma source(%dma_start3A_119 : memref<64xf32, #tpu.memory_space<hbm>>) target(%dma_start3A_116 : memref<64xf32, #tpu.memory_space<vmem>>) target_semaphore(%arg13 : memref<!tpu.dma_semaphore, #tpu.memory_space<semaphore_mem>>)
      %slice3A_120 = vector.extract_strided_slice %get3A_68 {offsets = [3], sizes = [1], strides = [1]} : vector<16xi32> to vector<1xi32>
      %squeeze3A_121 = vector.extract %slice3A_120[0] : i32 from vector<1xi32>
      %mul3A_122 = arith.constant 16 : i32
      %mul3A_123 = arith.muli %scan3A_61, %mul3A_122 : i32
      %add3A_124 = arith.constant 3 : i32
      %add3A_125 = arith.addi %mul3A_123, %add3A_124 : i32
      %dma_start3A_126 = arith.constant 0 : i32
      %dma_start3A_127 = tpu.memref_slice %arg10[%add3A_125, %dma_start3A_126] : memref<256x64xf32, #tpu.memory_space<vmem>> -> memref<1x64xf32, #tpu.memory_space<vmem>>
      %dma_start3A_128 = tpu.memref_squeeze %dma_start3A_127 : memref<1x64xf32, #tpu.memory_space<vmem>> -> memref<64xf32, #tpu.memory_space<vmem>>
      %dma_start3A_129 = arith.constant 0 : i32
      %dma_start3A_130 = tpu.memref_slice %arg4[%squeeze3A_121, %dma_start3A_129] : memref<1000000x64xf32, #tpu.memory_space<hbm>> -> memref<1x64xf32, #tpu.memory_space<hbm>>
      %dma_start3A_131 = tpu.memref_squeeze %dma_start3A_130 : memref<1x64xf32, #tpu.memory_space<hbm>> -> memref<64xf32, #tpu.memory_space<hbm>>
      %dma_start3A_132 = arith.constant 0 : i32
      %dma_start3A_133 = tpu.memref_slice %arg10[%add3A_125, %dma_start3A_132] : memref<256x64xf32, #tpu.memory_space<vmem>> -> memref<1x64xf32, #tpu.memory_space<vmem>>
      %dma_start3A_134 = tpu.memref_squeeze %dma_start3A_133 : memref<1x64xf32, #tpu.memory_space<vmem>> -> memref<64xf32, #tpu.memory_space<vmem>>
      %dma_start3A_135 = arith.constant 0 : i32
      %dma_start3A_136 = tpu.memref_slice %arg4[%squeeze3A_121, %dma_start3A_135] : memref<1000000x64xf32, #tpu.memory_space<hbm>> -> memref<1x64xf32, #tpu.memory_space<hbm>>
      %dma_start3A_137 = tpu.memref_squeeze %dma_start3A_136 : memref<1x64xf32, #tpu.memory_space<hbm>> -> memref<64xf32, #tpu.memory_space<hbm>>
      tpu.enqueue_dma source(%dma_start3A_137 : memref<64xf32, #tpu.memory_space<hbm>>) target(%dma_start3A_134 : memref<64xf32, #tpu.memory_space<vmem>>) target_semaphore(%arg13 : memref<!tpu.dma_semaphore, #tpu.memory_space<semaphore_mem>>)
      %slice3A_138 = vector.extract_strided_slice %get3A_68 {offsets = [4], sizes = [1], strides = [1]} : vector<16xi32> to vector<1xi32>
      %squeeze3A_139 = vector.extract %slice3A_138[0] : i32 from vector<1xi32>
      %mul3A_140 = arith.constant 16 : i32
      %mul3A_141 = arith.muli %scan3A_61, %mul3A_140 : i32
      %add3A_142 = arith.constant 4 : i32
      %add3A_143 = arith.addi %mul3A_141, %add3A_142 : i32
      %dma_start3A_144 = arith.constant 0 : i32
      %dma_start3A_145 = tpu.memref_slice %arg10[%add3A_143, %dma_start3A_144] : memref<256x64xf32, #tpu.memory_space<vmem>> -> memref<1x64xf32, #tpu.memory_space<vmem>>
      %dma_start3A_146 = tpu.memref_squeeze %dma_start3A_145 : memref<1x64xf32, #tpu.memory_space<vmem>> -> memref<64xf32, #tpu.memory_space<vmem>>
      %dma_start3A_147 = arith.constant 0 : i32
      %dma_start3A_148 = tpu.memref_slice %arg4[%squeeze3A_139, %dma_start3A_147] : memref<1000000x64xf32, #tpu.memory_space<hbm>> -> memref<1x64xf32, #tpu.memory_space<hbm>>
      %dma_start3A_149 = tpu.memref_squeeze %dma_start3A_148 : memref<1x64xf32, #tpu.memory_space<hbm>> -> memref<64xf32, #tpu.memory_space<hbm>>
      %dma_start3A_150 = arith.constant 0 : i32
      %dma_start3A_151 = tpu.memref_slice %arg10[%add3A_143, %dma_start3A_150] : memref<256x64xf32, #tpu.memory_space<vmem>> -> memref<1x64xf32, #tpu.memory_space<vmem>>
      %dma_start3A_152 = tpu.memref_squeeze %dma_start3A_151 : memref<1x64xf32, #tpu.memory_space<vmem>> -> memref<64xf32, #tpu.memory_space<vmem>>
      %dma_start3A_153 = arith.constant 0 : i32
      %dma_start3A_154 = tpu.memref_slice %arg4[%squeeze3A_139, %dma_start3A_153] : memref<1000000x64xf32, #tpu.memory_space<hbm>> -> memref<1x64xf32, #tpu.memory_space<hbm>>
      %dma_start3A_155 = tpu.memref_squeeze %dma_start3A_154 : memref<1x64xf32, #tpu.memory_space<hbm>> -> memref<64xf32, #tpu.memory_space<hbm>>
      tpu.enqueue_dma source(%dma_start3A_155 : memref<64xf32, #tpu.memory_space<hbm>>) target(%dma_start3A_152 : memref<64xf32, #tpu.memory_space<vmem>>) target_semaphore(%arg13 : memref<!tpu.dma_semaphore, #tpu.memory_space<semaphore_mem>>)
      %slice3A_156 = vector.extract_strided_slice %get3A_68 {offsets = [5], sizes = [1], strides = [1]} : vector<16xi32> to vector<1xi32>
      %squeeze3A_157 = vector.extract %slice3A_156[0] : i32 from vector<1xi32>
      %mul3A_158 = arith.constant 16 : i32
      %mul3A_159 = arith.muli %scan3A_61, %mul3A_158 : i32
      %add3A_160 = arith.constant 5 : i32
      %add3A_161 = arith.addi %mul3A_159, %add3A_160 : i32
      %dma_start3A_162 = arith.constant 0 : i32
      %dma_start3A_163 = tpu.memref_slice %arg10[%add3A_161, %dma_start3A_162] : memref<256x64xf32, #tpu.memory_space<vmem>> -> memref<1x64xf32, #tpu.memory_space<vmem>>
      %dma_start3A_164 = tpu.memref_squeeze %dma_start3A_163 : memref<1x64xf32, #tpu.memory_space<vmem>> -> memref<64xf32, #tpu.memory_space<vmem>>
      %dma_start3A_165 = arith.constant 0 : i32
      %dma_start3A_166 = tpu.memref_slice %arg4[%squeeze3A_157, %dma_start3A_165] : memref<1000000x64xf32, #tpu.memory_space<hbm>> -> memref<1x64xf32, #tpu.memory_space<hbm>>
      %dma_start3A_167 = tpu.memref_squeeze %dma_start3A_166 : memref<1x64xf32, #tpu.memory_space<hbm>> -> memref<64xf32, #tpu.memory_space<hbm>>
      %dma_start3A_168 = arith.constant 0 : i32
      %dma_start3A_169 = tpu.memref_slice %arg10[%add3A_161, %dma_start3A_168] : memref<256x64xf32, #tpu.memory_space<vmem>> -> memref<1x64xf32, #tpu.memory_space<vmem>>
      %dma_start3A_170 = tpu.memref_squeeze %dma_start3A_169 : memref<1x64xf32, #tpu.memory_space<vmem>> -> memref<64xf32, #tpu.memory_space<vmem>>
      %dma_start3A_171 = arith.constant 0 : i32
      %dma_start3A_172 = tpu.memref_slice %arg4[%squeeze3A_157, %dma_start3A_171] : memref<1000000x64xf32, #tpu.memory_space<hbm>> -> memref<1x64xf32, #tpu.memory_space<hbm>>
      %dma_start3A_173 = tpu.memref_squeeze %dma_start3A_172 : memref<1x64xf32, #tpu.memory_space<hbm>> -> memref<64xf32, #tpu.memory_space<hbm>>
      tpu.enqueue_dma source(%dma_start3A_173 : memref<64xf32, #tpu.memory_space<hbm>>) target(%dma_start3A_170 : memref<64xf32, #tpu.memory_space<vmem>>) target_semaphore(%arg13 : memref<!tpu.dma_semaphore, #tpu.memory_space<semaphore_mem>>)
      %slice3A_174 = vector.extract_strided_slice %get3A_68 {offsets = [6], sizes = [1], strides = [1]} : vector<16xi32> to vector<1xi32>
      %squeeze3A_175 = vector.extract %slice3A_174[0] : i32 from vector<1xi32>
      %mul3A_176 = arith.constant 16 : i32
      %mul3A_177 = arith.muli %scan3A_61, %mul3A_176 : i32
      %add3A_178 = arith.constant 6 : i32
      %add3A_179 = arith.addi %mul3A_177, %add3A_178 : i32
      %dma_start3A_180 = arith.constant 0 : i32
      %dma_start3A_181 = tpu.memref_slice %arg10[%add3A_179, %dma_start3A_180] : memref<256x64xf32, #tpu.memory_space<vmem>> -> memref<1x64xf32, #tpu.memory_space<vmem>>
      %dma_start3A_182 = tpu.memref_squeeze %dma_start3A_181 : memref<1x64xf32, #tpu.memory_space<vmem>> -> memref<64xf32, #tpu.memory_space<vmem>>
      %dma_start3A_183 = arith.constant 0 : i32
      %dma_start3A_184 = tpu.memref_slice %arg4[%squeeze3A_175, %dma_start3A_183] : memref<1000000x64xf32, #tpu.memory_space<hbm>> -> memref<1x64xf32, #tpu.memory_space<hbm>>
      %dma_start3A_185 = tpu.memref_squeeze %dma_start3A_184 : memref<1x64xf32, #tpu.memory_space<hbm>> -> memref<64xf32, #tpu.memory_space<hbm>>
      %dma_start3A_186 = arith.constant 0 : i32
      %dma_start3A_187 = tpu.memref_slice %arg10[%add3A_179, %dma_start3A_186] : memref<256x64xf32, #tpu.memory_space<vmem>> -> memref<1x64xf32, #tpu.memory_space<vmem>>
      %dma_start3A_188 = tpu.memref_squeeze %dma_start3A_187 : memref<1x64xf32, #tpu.memory_space<vmem>> -> memref<64xf32, #tpu.memory_space<vmem>>
      %dma_start3A_189 = arith.constant 0 : i32
      %dma_start3A_190 = tpu.memref_slice %arg4[%squeeze3A_175, %dma_start3A_189] : memref<1000000x64xf32, #tpu.memory_space<hbm>> -> memref<1x64xf32, #tpu.memory_space<hbm>>
      %dma_start3A_191 = tpu.memref_squeeze %dma_start3A_190 : memref<1x64xf32, #tpu.memory_space<hbm>> -> memref<64xf32, #tpu.memory_space<hbm>>
      tpu.enqueue_dma source(%dma_start3A_191 : memref<64xf32, #tpu.memory_space<hbm>>) target(%dma_start3A_188 : memref<64xf32, #tpu.memory_space<vmem>>) target_semaphore(%arg13 : memref<!tpu.dma_semaphore, #tpu.memory_space<semaphore_mem>>)
      %slice3A_192 = vector.extract_strided_slice %get3A_68 {offsets = [7], sizes = [1], strides = [1]} : vector<16xi32> to vector<1xi32>
      %squeeze3A_193 = vector.extract %slice3A_192[0] : i32 from vector<1xi32>
      %mul3A_194 = arith.constant 16 : i32
      %mul3A_195 = arith.muli %scan3A_61, %mul3A_194 : i32
      %add3A_196 = arith.constant 7 : i32
      %add3A_197 = arith.addi %mul3A_195, %add3A_196 : i32
      %dma_start3A_198 = arith.constant 0 : i32
      %dma_start3A_199 = tpu.memref_slice %arg10[%add3A_197, %dma_start3A_198] : memref<256x64xf32, #tpu.memory_space<vmem>> -> memref<1x64xf32, #tpu.memory_space<vmem>>
      %dma_start3A_200 = tpu.memref_squeeze %dma_start3A_199 : memref<1x64xf32, #tpu.memory_space<vmem>> -> memref<64xf32, #tpu.memory_space<vmem>>
      %dma_start3A_201 = arith.constant 0 : i32
      %dma_start3A_202 = tpu.memref_slice %arg4[%squeeze3A_193, %dma_start3A_201] : memref<1000000x64xf32, #tpu.memory_space<hbm>> -> memref<1x64xf32, #tpu.memory_space<hbm>>
      %dma_start3A_203 = tpu.memref_squeeze %dma_start3A_202 : memref<1x64xf32, #tpu.memory_space<hbm>> -> memref<64xf32, #tpu.memory_space<hbm>>
      %dma_start3A_204 = arith.constant 0 : i32
      %dma_start3A_205 = tpu.memref_slice %arg10[%add3A_197, %dma_start3A_204] : memref<256x64xf32, #tpu.memory_space<vmem>> -> memref<1x64xf32, #tpu.memory_space<vmem>>
      %dma_start3A_206 = tpu.memref_squeeze %dma_start3A_205 : memref<1x64xf32, #tpu.memory_space<vmem>> -> memref<64xf32, #tpu.memory_space<vmem>>
      %dma_start3A_207 = arith.constant 0 : i32
      %dma_start3A_208 = tpu.memref_slice %arg4[%squeeze3A_193, %dma_start3A_207] : memref<1000000x64xf32, #tpu.memory_space<hbm>> -> memref<1x64xf32, #tpu.memory_space<hbm>>
      %dma_start3A_209 = tpu.memref_squeeze %dma_start3A_208 : memref<1x64xf32, #tpu.memory_space<hbm>> -> memref<64xf32, #tpu.memory_space<hbm>>
      tpu.enqueue_dma source(%dma_start3A_209 : memref<64xf32, #tpu.memory_space<hbm>>) target(%dma_start3A_206 : memref<64xf32, #tpu.memory_space<vmem>>) target_semaphore(%arg13 : memref<!tpu.dma_semaphore, #tpu.memory_space<semaphore_mem>>)
      %slice3A_210 = vector.extract_strided_slice %get3A_68 {offsets = [8], sizes = [1], strides = [1]} : vector<16xi32> to vector<1xi32>
      %squeeze3A_211 = vector.extract %slice3A_210[0] : i32 from vector<1xi32>
      %mul3A_212 = arith.constant 16 : i32
      %mul3A_213 = arith.muli %scan3A_61, %mul3A_212 : i32
      %add3A_214 = arith.constant 8 : i32
      %add3A_215 = arith.addi %mul3A_213, %add3A_214 : i32
      %dma_start3A_216 = arith.constant 0 : i32
      %dma_start3A_217 = tpu.memref_slice %arg10[%add3A_215, %dma_start3A_216] : memref<256x64xf32, #tpu.memory_space<vmem>> -> memref<1x64xf32, #tpu.memory_space<vmem>>
      %dma_start3A_218 = tpu.memref_squeeze %dma_start3A_217 : memref<1x64xf32, #tpu.memory_space<vmem>> -> memref<64xf32, #tpu.memory_space<vmem>>
      %dma_start3A_219 = arith.constant 0 : i32
      %dma_start3A_220 = tpu.memref_slice %arg4[%squeeze3A_211, %dma_start3A_219] : memref<1000000x64xf32, #tpu.memory_space<hbm>> -> memref<1x64xf32, #tpu.memory_space<hbm>>
      %dma_start3A_221 = tpu.memref_squeeze %dma_start3A_220 : memref<1x64xf32, #tpu.memory_space<hbm>> -> memref<64xf32, #tpu.memory_space<hbm>>
      %dma_start3A_222 = arith.constant 0 : i32
      %dma_start3A_223 = tpu.memref_slice %arg10[%add3A_215, %dma_start3A_222] : memref<256x64xf32, #tpu.memory_space<vmem>> -> memref<1x64xf32, #tpu.memory_space<vmem>>
      %dma_start3A_224 = tpu.memref_squeeze %dma_start3A_223 : memref<1x64xf32, #tpu.memory_space<vmem>> -> memref<64xf32, #tpu.memory_space<vmem>>
      %dma_start3A_225 = arith.constant 0 : i32
      %dma_start3A_226 = tpu.memref_slice %arg4[%squeeze3A_211, %dma_start3A_225] : memref<1000000x64xf32, #tpu.memory_space<hbm>> -> memref<1x64xf32, #tpu.memory_space<hbm>>
      %dma_start3A_227 = tpu.memref_squeeze %dma_start3A_226 : memref<1x64xf32, #tpu.memory_space<hbm>> -> memref<64xf32, #tpu.memory_space<hbm>>
      tpu.enqueue_dma source(%dma_start3A_227 : memref<64xf32, #tpu.memory_space<hbm>>) target(%dma_start3A_224 : memref<64xf32, #tpu.memory_space<vmem>>) target_semaphore(%arg13 : memref<!tpu.dma_semaphore, #tpu.memory_space<semaphore_mem>>)
      %slice3A_228 = vector.extract_strided_slice %get3A_68 {offsets = [9], sizes = [1], strides = [1]} : vector<16xi32> to vector<1xi32>
      %squeeze3A_229 = vector.extract %slice3A_228[0] : i32 from vector<1xi32>
      %mul3A_230 = arith.constant 16 : i32
      %mul3A_231 = arith.muli %scan3A_61, %mul3A_230 : i32
      %add3A_232 = arith.constant 9 : i32
      %add3A_233 = arith.addi %mul3A_231, %add3A_232 : i32
      %dma_start3A_234 = arith.constant 0 : i32
      %dma_start3A_235 = tpu.memref_slice %arg10[%add3A_233, %dma_start3A_234] : memref<256x64xf32, #tpu.memory_space<vmem>> -> memref<1x64xf32, #tpu.memory_space<vmem>>
      %dma_start3A_236 = tpu.memref_squeeze %dma_start3A_235 : memref<1x64xf32, #tpu.memory_space<vmem>> -> memref<64xf32, #tpu.memory_space<vmem>>
      %dma_start3A_237 = arith.constant 0 : i32
      %dma_start3A_238 = tpu.memref_slice %arg4[%squeeze3A_229, %dma_start3A_237] : memref<1000000x64xf32, #tpu.memory_space<hbm>> -> memref<1x64xf32, #tpu.memory_space<hbm>>
      %dma_start3A_239 = tpu.memref_squeeze %dma_start3A_238 : memref<1x64xf32, #tpu.memory_space<hbm>> -> memref<64xf32, #tpu.memory_space<hbm>>
      %dma_start3A_240 = arith.constant 0 : i32
      %dma_start3A_241 = tpu.memref_slice %arg10[%add3A_233, %dma_start3A_240] : memref<256x64xf32, #tpu.memory_space<vmem>> -> memref<1x64xf32, #tpu.memory_space<vmem>>
      %dma_start3A_242 = tpu.memref_squeeze %dma_start3A_241 : memref<1x64xf32, #tpu.memory_space<vmem>> -> memref<64xf32, #tpu.memory_space<vmem>>
      %dma_start3A_243 = arith.constant 0 : i32
      %dma_start3A_244 = tpu.memref_slice %arg4[%squeeze3A_229, %dma_start3A_243] : memref<1000000x64xf32, #tpu.memory_space<hbm>> -> memref<1x64xf32, #tpu.memory_space<hbm>>
      %dma_start3A_245 = tpu.memref_squeeze %dma_start3A_244 : memref<1x64xf32, #tpu.memory_space<hbm>> -> memref<64xf32, #tpu.memory_space<hbm>>
      tpu.enqueue_dma source(%dma_start3A_245 : memref<64xf32, #tpu.memory_space<hbm>>) target(%dma_start3A_242 : memref<64xf32, #tpu.memory_space<vmem>>) target_semaphore(%arg13 : memref<!tpu.dma_semaphore, #tpu.memory_space<semaphore_mem>>)
      %slice3A_246 = vector.extract_strided_slice %get3A_68 {offsets = [10], sizes = [1], strides = [1]} : vector<16xi32> to vector<1xi32>
      %squeeze3A_247 = vector.extract %slice3A_246[0] : i32 from vector<1xi32>
      %mul3A_248 = arith.constant 16 : i32
      %mul3A_249 = arith.muli %scan3A_61, %mul3A_248 : i32
      %add3A_250 = arith.constant 10 : i32
      %add3A_251 = arith.addi %mul3A_249, %add3A_250 : i32
      %dma_start3A_252 = arith.constant 0 : i32
      %dma_start3A_253 = tpu.memref_slice %arg10[%add3A_251, %dma_start3A_252] : memref<256x64xf32, #tpu.memory_space<vmem>> -> memref<1x64xf32, #tpu.memory_space<vmem>>
      %dma_start3A_254 = tpu.memref_squeeze %dma_start3A_253 : memref<1x64xf32, #tpu.memory_space<vmem>> -> memref<64xf32, #tpu.memory_space<vmem>>
      %dma_start3A_255 = arith.constant 0 : i32
      %dma_start3A_256 = tpu.memref_slice %arg4[%squeeze3A_247, %dma_start3A_255] : memref<1000000x64xf32, #tpu.memory_space<hbm>> -> memref<1x64xf32, #tpu.memory_space<hbm>>
      %dma_start3A_257 = tpu.memref_squeeze %dma_start3A_256 : memref<1x64xf32, #tpu.memory_space<hbm>> -> memref<64xf32, #tpu.memory_space<hbm>>
      %dma_start3A_258 = arith.constant 0 : i32
      %dma_start3A_259 = tpu.memref_slice %arg10[%add3A_251, %dma_start3A_258] : memref<256x64xf32, #tpu.memory_space<vmem>> -> memref<1x64xf32, #tpu.memory_space<vmem>>
      %dma_start3A_260 = tpu.memref_squeeze %dma_start3A_259 : memref<1x64xf32, #tpu.memory_space<vmem>> -> memref<64xf32, #tpu.memory_space<vmem>>
      %dma_start3A_261 = arith.constant 0 : i32
      %dma_start3A_262 = tpu.memref_slice %arg4[%squeeze3A_247, %dma_start3A_261] : memref<1000000x64xf32, #tpu.memory_space<hbm>> -> memref<1x64xf32, #tpu.memory_space<hbm>>
      %dma_start3A_263 = tpu.memref_squeeze %dma_start3A_262 : memref<1x64xf32, #tpu.memory_space<hbm>> -> memref<64xf32, #tpu.memory_space<hbm>>
      tpu.enqueue_dma source(%dma_start3A_263 : memref<64xf32, #tpu.memory_space<hbm>>) target(%dma_start3A_260 : memref<64xf32, #tpu.memory_space<vmem>>) target_semaphore(%arg13 : memref<!tpu.dma_semaphore, #tpu.memory_space<semaphore_mem>>)
      %slice3A_264 = vector.extract_strided_slice %get3A_68 {offsets = [11], sizes = [1], strides = [1]} : vector<16xi32> to vector<1xi32>
      %squeeze3A_265 = vector.extract %slice3A_264[0] : i32 from vector<1xi32>
      %mul3A_266 = arith.constant 16 : i32
      %mul3A_267 = arith.muli %scan3A_61, %mul3A_266 : i32
      %add3A_268 = arith.constant 11 : i32
      %add3A_269 = arith.addi %mul3A_267, %add3A_268 : i32
      %dma_start3A_270 = arith.constant 0 : i32
      %dma_start3A_271 = tpu.memref_slice %arg10[%add3A_269, %dma_start3A_270] : memref<256x64xf32, #tpu.memory_space<vmem>> -> memref<1x64xf32, #tpu.memory_space<vmem>>
      %dma_start3A_272 = tpu.memref_squeeze %dma_start3A_271 : memref<1x64xf32, #tpu.memory_space<vmem>> -> memref<64xf32, #tpu.memory_space<vmem>>
      %dma_start3A_273 = arith.constant 0 : i32
      %dma_start3A_274 = tpu.memref_slice %arg4[%squeeze3A_265, %dma_start3A_273] : memref<1000000x64xf32, #tpu.memory_space<hbm>> -> memref<1x64xf32, #tpu.memory_space<hbm>>
      %dma_start3A_275 = tpu.memref_squeeze %dma_start3A_274 : memref<1x64xf32, #tpu.memory_space<hbm>> -> memref<64xf32, #tpu.memory_space<hbm>>
      %dma_start3A_276 = arith.constant 0 : i32
      %dma_start3A_277 = tpu.memref_slice %arg10[%add3A_269, %dma_start3A_276] : memref<256x64xf32, #tpu.memory_space<vmem>> -> memref<1x64xf32, #tpu.memory_space<vmem>>
      %dma_start3A_278 = tpu.memref_squeeze %dma_start3A_277 : memref<1x64xf32, #tpu.memory_space<vmem>> -> memref<64xf32, #tpu.memory_space<vmem>>
      %dma_start3A_279 = arith.constant 0 : i32
      %dma_start3A_280 = tpu.memref_slice %arg4[%squeeze3A_265, %dma_start3A_279] : memref<1000000x64xf32, #tpu.memory_space<hbm>> -> memref<1x64xf32, #tpu.memory_space<hbm>>
      %dma_start3A_281 = tpu.memref_squeeze %dma_start3A_280 : memref<1x64xf32, #tpu.memory_space<hbm>> -> memref<64xf32, #tpu.memory_space<hbm>>
      tpu.enqueue_dma source(%dma_start3A_281 : memref<64xf32, #tpu.memory_space<hbm>>) target(%dma_start3A_278 : memref<64xf32, #tpu.memory_space<vmem>>) target_semaphore(%arg13 : memref<!tpu.dma_semaphore, #tpu.memory_space<semaphore_mem>>)
      %slice3A_282 = vector.extract_strided_slice %get3A_68 {offsets = [12], sizes = [1], strides = [1]} : vector<16xi32> to vector<1xi32>
      %squeeze3A_283 = vector.extract %slice3A_282[0] : i32 from vector<1xi32>
      %mul3A_284 = arith.constant 16 : i32
      %mul3A_285 = arith.muli %scan3A_61, %mul3A_284 : i32
      %add3A_286 = arith.constant 12 : i32
      %add3A_287 = arith.addi %mul3A_285, %add3A_286 : i32
      %dma_start3A_288 = arith.constant 0 : i32
      %dma_start3A_289 = tpu.memref_slice %arg10[%add3A_287, %dma_start3A_288] : memref<256x64xf32, #tpu.memory_space<vmem>> -> memref<1x64xf32, #tpu.memory_space<vmem>>
      %dma_start3A_290 = tpu.memref_squeeze %dma_start3A_289 : memref<1x64xf32, #tpu.memory_space<vmem>> -> memref<64xf32, #tpu.memory_space<vmem>>
      %dma_start3A_291 = arith.constant 0 : i32
      %dma_start3A_292 = tpu.memref_slice %arg4[%squeeze3A_283, %dma_start3A_291] : memref<1000000x64xf32, #tpu.memory_space<hbm>> -> memref<1x64xf32, #tpu.memory_space<hbm>>
      %dma_start3A_293 = tpu.memref_squeeze %dma_start3A_292 : memref<1x64xf32, #tpu.memory_space<hbm>> -> memref<64xf32, #tpu.memory_space<hbm>>
      %dma_start3A_294 = arith.constant 0 : i32
      %dma_start3A_295 = tpu.memref_slice %arg10[%add3A_287, %dma_start3A_294] : memref<256x64xf32, #tpu.memory_space<vmem>> -> memref<1x64xf32, #tpu.memory_space<vmem>>
      %dma_start3A_296 = tpu.memref_squeeze %dma_start3A_295 : memref<1x64xf32, #tpu.memory_space<vmem>> -> memref<64xf32, #tpu.memory_space<vmem>>
      %dma_start3A_297 = arith.constant 0 : i32
      %dma_start3A_298 = tpu.memref_slice %arg4[%squeeze3A_283, %dma_start3A_297] : memref<1000000x64xf32, #tpu.memory_space<hbm>> -> memref<1x64xf32, #tpu.memory_space<hbm>>
      %dma_start3A_299 = tpu.memref_squeeze %dma_start3A_298 : memref<1x64xf32, #tpu.memory_space<hbm>> -> memref<64xf32, #tpu.memory_space<hbm>>
      tpu.enqueue_dma source(%dma_start3A_299 : memref<64xf32, #tpu.memory_space<hbm>>) target(%dma_start3A_296 : memref<64xf32, #tpu.memory_space<vmem>>) target_semaphore(%arg13 : memref<!tpu.dma_semaphore, #tpu.memory_space<semaphore_mem>>)
      %slice3A_300 = vector.extract_strided_slice %get3A_68 {offsets = [13], sizes = [1], strides = [1]} : vector<16xi32> to vector<1xi32>
      %squeeze3A_301 = vector.extract %slice3A_300[0] : i32 from vector<1xi32>
      %mul3A_302 = arith.constant 16 : i32
      %mul3A_303 = arith.muli %scan3A_61, %mul3A_302 : i32
      %add3A_304 = arith.constant 13 : i32
      %add3A_305 = arith.addi %mul3A_303, %add3A_304 : i32
      %dma_start3A_306 = arith.constant 0 : i32
      %dma_start3A_307 = tpu.memref_slice %arg10[%add3A_305, %dma_start3A_306] : memref<256x64xf32, #tpu.memory_space<vmem>> -> memref<1x64xf32, #tpu.memory_space<vmem>>
      %dma_start3A_308 = tpu.memref_squeeze %dma_start3A_307 : memref<1x64xf32, #tpu.memory_space<vmem>> -> memref<64xf32, #tpu.memory_space<vmem>>
      %dma_start3A_309 = arith.constant 0 : i32
      %dma_start3A_310 = tpu.memref_slice %arg4[%squeeze3A_301, %dma_start3A_309] : memref<1000000x64xf32, #tpu.memory_space<hbm>> -> memref<1x64xf32, #tpu.memory_space<hbm>>
      %dma_start3A_311 = tpu.memref_squeeze %dma_start3A_310 : memref<1x64xf32, #tpu.memory_space<hbm>> -> memref<64xf32, #tpu.memory_space<hbm>>
      %dma_start3A_312 = arith.constant 0 : i32
      %dma_start3A_313 = tpu.memref_slice %arg10[%add3A_305, %dma_start3A_312] : memref<256x64xf32, #tpu.memory_space<vmem>> -> memref<1x64xf32, #tpu.memory_space<vmem>>
      %dma_start3A_314 = tpu.memref_squeeze %dma_start3A_313 : memref<1x64xf32, #tpu.memory_space<vmem>> -> memref<64xf32, #tpu.memory_space<vmem>>
      %dma_start3A_315 = arith.constant 0 : i32
      %dma_start3A_316 = tpu.memref_slice %arg4[%squeeze3A_301, %dma_start3A_315] : memref<1000000x64xf32, #tpu.memory_space<hbm>> -> memref<1x64xf32, #tpu.memory_space<hbm>>
      %dma_start3A_317 = tpu.memref_squeeze %dma_start3A_316 : memref<1x64xf32, #tpu.memory_space<hbm>> -> memref<64xf32, #tpu.memory_space<hbm>>
      tpu.enqueue_dma source(%dma_start3A_317 : memref<64xf32, #tpu.memory_space<hbm>>) target(%dma_start3A_314 : memref<64xf32, #tpu.memory_space<vmem>>) target_semaphore(%arg13 : memref<!tpu.dma_semaphore, #tpu.memory_space<semaphore_mem>>)
      %slice3A_318 = vector.extract_strided_slice %get3A_68 {offsets = [14], sizes = [1], strides = [1]} : vector<16xi32> to vector<1xi32>
      %squeeze3A_319 = vector.extract %slice3A_318[0] : i32 from vector<1xi32>
      %mul3A_320 = arith.constant 16 : i32
      %mul3A_321 = arith.muli %scan3A_61, %mul3A_320 : i32
      %add3A_322 = arith.constant 14 : i32
      %add3A_323 = arith.addi %mul3A_321, %add3A_322 : i32
      %dma_start3A_324 = arith.constant 0 : i32
      %dma_start3A_325 = tpu.memref_slice %arg10[%add3A_323, %dma_start3A_324] : memref<256x64xf32, #tpu.memory_space<vmem>> -> memref<1x64xf32, #tpu.memory_space<vmem>>
      %dma_start3A_326 = tpu.memref_squeeze %dma_start3A_325 : memref<1x64xf32, #tpu.memory_space<vmem>> -> memref<64xf32, #tpu.memory_space<vmem>>
      %dma_start3A_327 = arith.constant 0 : i32
      %dma_start3A_328 = tpu.memref_slice %arg4[%squeeze3A_319, %dma_start3A_327] : memref<1000000x64xf32, #tpu.memory_space<hbm>> -> memref<1x64xf32, #tpu.memory_space<hbm>>
      %dma_start3A_329 = tpu.memref_squeeze %dma_start3A_328 : memref<1x64xf32, #tpu.memory_space<hbm>> -> memref<64xf32, #tpu.memory_space<hbm>>
      %dma_start3A_330 = arith.constant 0 : i32
      %dma_start3A_331 = tpu.memref_slice %arg10[%add3A_323, %dma_start3A_330] : memref<256x64xf32, #tpu.memory_space<vmem>> -> memref<1x64xf32, #tpu.memory_space<vmem>>
      %dma_start3A_332 = tpu.memref_squeeze %dma_start3A_331 : memref<1x64xf32, #tpu.memory_space<vmem>> -> memref<64xf32, #tpu.memory_space<vmem>>
      %dma_start3A_333 = arith.constant 0 : i32
      %dma_start3A_334 = tpu.memref_slice %arg4[%squeeze3A_319, %dma_start3A_333] : memref<1000000x64xf32, #tpu.memory_space<hbm>> -> memref<1x64xf32, #tpu.memory_space<hbm>>
      %dma_start3A_335 = tpu.memref_squeeze %dma_start3A_334 : memref<1x64xf32, #tpu.memory_space<hbm>> -> memref<64xf32, #tpu.memory_space<hbm>>
      tpu.enqueue_dma source(%dma_start3A_335 : memref<64xf32, #tpu.memory_space<hbm>>) target(%dma_start3A_332 : memref<64xf32, #tpu.memory_space<vmem>>) target_semaphore(%arg13 : memref<!tpu.dma_semaphore, #tpu.memory_space<semaphore_mem>>)
      %slice3A_336 = vector.extract_strided_slice %get3A_68 {offsets = [15], sizes = [1], strides = [1]} : vector<16xi32> to vector<1xi32>
      %squeeze3A_337 = vector.extract %slice3A_336[0] : i32 from vector<1xi32>
      %mul3A_338 = arith.constant 16 : i32
      %mul3A_339 = arith.muli %scan3A_61, %mul3A_338 : i32
      %add3A_340 = arith.constant 15 : i32
      %add3A_341 = arith.addi %mul3A_339, %add3A_340 : i32
      %dma_start3A_342 = arith.constant 0 : i32
      %dma_start3A_343 = tpu.memref_slice %arg10[%add3A_341, %dma_start3A_342] : memref<256x64xf32, #tpu.memory_space<vmem>> -> memref<1x64xf32, #tpu.memory_space<vmem>>
      %dma_start3A_344 = tpu.memref_squeeze %dma_start3A_343 : memref<1x64xf32, #tpu.memory_space<vmem>> -> memref<64xf32, #tpu.memory_space<vmem>>
      %dma_start3A_345 = arith.constant 0 : i32
      %dma_start3A_346 = tpu.memref_slice %arg4[%squeeze3A_337, %dma_start3A_345] : memref<1000000x64xf32, #tpu.memory_space<hbm>> -> memref<1x64xf32, #tpu.memory_space<hbm>>
      %dma_start3A_347 = tpu.memref_squeeze %dma_start3A_346 : memref<1x64xf32, #tpu.memory_space<hbm>> -> memref<64xf32, #tpu.memory_space<hbm>>
      %dma_start3A_348 = arith.constant 0 : i32
      %dma_start3A_349 = tpu.memref_slice %arg10[%add3A_341, %dma_start3A_348] : memref<256x64xf32, #tpu.memory_space<vmem>> -> memref<1x64xf32, #tpu.memory_space<vmem>>
      %dma_start3A_350 = tpu.memref_squeeze %dma_start3A_349 : memref<1x64xf32, #tpu.memory_space<vmem>> -> memref<64xf32, #tpu.memory_space<vmem>>
      %dma_start3A_351 = arith.constant 0 : i32
      %dma_start3A_352 = tpu.memref_slice %arg4[%squeeze3A_337, %dma_start3A_351] : memref<1000000x64xf32, #tpu.memory_space<hbm>> -> memref<1x64xf32, #tpu.memory_space<hbm>>
      %dma_start3A_353 = tpu.memref_squeeze %dma_start3A_352 : memref<1x64xf32, #tpu.memory_space<hbm>> -> memref<64xf32, #tpu.memory_space<hbm>>
      tpu.enqueue_dma source(%dma_start3A_353 : memref<64xf32, #tpu.memory_space<hbm>>) target(%dma_start3A_350 : memref<64xf32, #tpu.memory_space<vmem>>) target_semaphore(%arg13 : memref<!tpu.dma_semaphore, #tpu.memory_space<semaphore_mem>>)
      %scan3A_354 = arith.constant 0 : i32
      scf.yield %scan3A_354 : i32
    }
    %scan3A_8 = arith.constant 16 : i32
    %scan3A_9 = arith.constant 0 : i32
    %scan3A_10 = arith.constant 0 : i32
    %scan3A_11 = arith.constant 16 : i32
    %scan3A_12 = arith.addi %scan3A_10, %scan3A_11 : i32
    %scan3A_13 = arith.constant 1 : i32
    %scan3A_14 = scf.for %scan3A_61 = %scan3A_10 to %scan3A_12 step %scan3A_13 iter_args(%scan3A_62 = %scan3A_9) -> (i32)  : i32 {
      %mul3A_63 = arith.constant 16 : i32
      %mul3A_64 = arith.muli %scan3A_61, %mul3A_63 : i32
      %add3A_65 = arith.constant 256 : i32
      %add3A_66 = arith.addi %add3A_65, %mul3A_64 : i32
      %get3A = arith.index_cast %add3A_66 : i32 to index
      %get3A_67 = tpu.vector_load %arg8[%get3A] {strides = array<i32>} : memref<512xi32, #tpu.memory_space<vmem>>, vector<16xi32>,
      %get3A_68 = vector.shape_cast %get3A_67 : vector<16xi32> to vector<16xi32>
      %slice3A = vector.extract_strided_slice %get3A_68 {offsets = [0], sizes = [1], strides = [1]} : vector<16xi32> to vector<1xi32>
      %squeeze3A = vector.extract %slice3A[0] : i32 from vector<1xi32>
      %mul3A_69 = arith.constant 16 : i32
      %mul3A_70 = arith.muli %scan3A_61, %mul3A_69 : i32
      %add3A_71 = arith.constant 0 : i32
      %add3A_72 = arith.addi %mul3A_70, %add3A_71 : i32
      %dma_start3A = arith.constant 0 : i32
      %dma_start3A_73 = tpu.memref_slice %arg11[%add3A_72, %dma_start3A] : memref<256x64xf32, #tpu.memory_space<vmem>> -> memref<1x64xf32, #tpu.memory_space<vmem>>
      %dma_start3A_74 = tpu.memref_squeeze %dma_start3A_73 : memref<1x64xf32, #tpu.memory_space<vmem>> -> memref<64xf32, #tpu.memory_space<vmem>>
      %dma_start3A_75 = arith.constant 0 : i32
      %dma_start3A_76 = tpu.memref_slice %arg4[%squeeze3A, %dma_start3A_75] : memref<1000000x64xf32, #tpu.memory_space<hbm>> -> memref<1x64xf32, #tpu.memory_space<hbm>>
      %dma_start3A_77 = tpu.memref_squeeze %dma_start3A_76 : memref<1x64xf32, #tpu.memory_space<hbm>> -> memref<64xf32, #tpu.memory_space<hbm>>
      %dma_start3A_78 = arith.constant 0 : i32
      %dma_start3A_79 = tpu.memref_slice %arg11[%add3A_72, %dma_start3A_78] : memref<256x64xf32, #tpu.memory_space<vmem>> -> memref<1x64xf32, #tpu.memory_space<vmem>>
      %dma_start3A_80 = tpu.memref_squeeze %dma_start3A_79 : memref<1x64xf32, #tpu.memory_space<vmem>> -> memref<64xf32, #tpu.memory_space<vmem>>
      %dma_start3A_81 = arith.constant 0 : i32
      %dma_start3A_82 = tpu.memref_slice %arg4[%squeeze3A, %dma_start3A_81] : memref<1000000x64xf32, #tpu.memory_space<hbm>> -> memref<1x64xf32, #tpu.memory_space<hbm>>
      %dma_start3A_83 = tpu.memref_squeeze %dma_start3A_82 : memref<1x64xf32, #tpu.memory_space<hbm>> -> memref<64xf32, #tpu.memory_space<hbm>>
      tpu.enqueue_dma source(%dma_start3A_83 : memref<64xf32, #tpu.memory_space<hbm>>) target(%dma_start3A_80 : memref<64xf32, #tpu.memory_space<vmem>>) target_semaphore(%arg14 : memref<!tpu.dma_semaphore, #tpu.memory_space<semaphore_mem>>)
      %slice3A_84 = vector.extract_strided_slice %get3A_68 {offsets = [1], sizes = [1], strides = [1]} : vector<16xi32> to vector<1xi32>
      %squeeze3A_85 = vector.extract %slice3A_84[0] : i32 from vector<1xi32>
      %mul3A_86 = arith.constant 16 : i32
      %mul3A_87 = arith.muli %scan3A_61, %mul3A_86 : i32
      %add3A_88 = arith.constant 1 : i32
      %add3A_89 = arith.addi %mul3A_87, %add3A_88 : i32
      %dma_start3A_90 = arith.constant 0 : i32
      %dma_start3A_91 = tpu.memref_slice %arg11[%add3A_89, %dma_start3A_90] : memref<256x64xf32, #tpu.memory_space<vmem>> -> memref<1x64xf32, #tpu.memory_space<vmem>>
      %dma_start3A_92 = tpu.memref_squeeze %dma_start3A_91 : memref<1x64xf32, #tpu.memory_space<vmem>> -> memref<64xf32, #tpu.memory_space<vmem>>
      %dma_start3A_93 = arith.constant 0 : i32
      %dma_start3A_94 = tpu.memref_slice %arg4[%squeeze3A_85, %dma_start3A_93] : memref<1000000x64xf32, #tpu.memory_space<hbm>> -> memref<1x64xf32, #tpu.memory_space<hbm>>
      %dma_start3A_95 = tpu.memref_squeeze %dma_start3A_94 : memref<1x64xf32, #tpu.memory_space<hbm>> -> memref<64xf32, #tpu.memory_space<hbm>>
      %dma_start3A_96 = arith.constant 0 : i32
      %dma_start3A_97 = tpu.memref_slice %arg11[%add3A_89, %dma_start3A_96] : memref<256x64xf32, #tpu.memory_space<vmem>> -> memref<1x64xf32, #tpu.memory_space<vmem>>
      %dma_start3A_98 = tpu.memref_squeeze %dma_start3A_97 : memref<1x64xf32, #tpu.memory_space<vmem>> -> memref<64xf32, #tpu.memory_space<vmem>>
      %dma_start3A_99 = arith.constant 0 : i32
      %dma_start3A_100 = tpu.memref_slice %arg4[%squeeze3A_85, %dma_start3A_99] : memref<1000000x64xf32, #tpu.memory_space<hbm>> -> memref<1x64xf32, #tpu.memory_space<hbm>>
      %dma_start3A_101 = tpu.memref_squeeze %dma_start3A_100 : memref<1x64xf32, #tpu.memory_space<hbm>> -> memref<64xf32, #tpu.memory_space<hbm>>
      tpu.enqueue_dma source(%dma_start3A_101 : memref<64xf32, #tpu.memory_space<hbm>>) target(%dma_start3A_98 : memref<64xf32, #tpu.memory_space<vmem>>) target_semaphore(%arg14 : memref<!tpu.dma_semaphore, #tpu.memory_space<semaphore_mem>>)
      %slice3A_102 = vector.extract_strided_slice %get3A_68 {offsets = [2], sizes = [1], strides = [1]} : vector<16xi32> to vector<1xi32>
      %squeeze3A_103 = vector.extract %slice3A_102[0] : i32 from vector<1xi32>
      %mul3A_104 = arith.constant 16 : i32
      %mul3A_105 = arith.muli %scan3A_61, %mul3A_104 : i32
      %add3A_106 = arith.constant 2 : i32
      %add3A_107 = arith.addi %mul3A_105, %add3A_106 : i32
      %dma_start3A_108 = arith.constant 0 : i32
      %dma_start3A_109 = tpu.memref_slice %arg11[%add3A_107, %dma_start3A_108] : memref<256x64xf32, #tpu.memory_space<vmem>> -> memref<1x64xf32, #tpu.memory_space<vmem>>
      %dma_start3A_110 = tpu.memref_squeeze %dma_start3A_109 : memref<1x64xf32, #tpu.memory_space<vmem>> -> memref<64xf32, #tpu.memory_space<vmem>>
      %dma_start3A_111 = arith.constant 0 : i32
      %dma_start3A_112 = tpu.memref_slice %arg4[%squeeze3A_103, %dma_start3A_111] : memref<1000000x64xf32, #tpu.memory_space<hbm>> -> memref<1x64xf32, #tpu.memory_space<hbm>>
      %dma_start3A_113 = tpu.memref_squeeze %dma_start3A_112 : memref<1x64xf32, #tpu.memory_space<hbm>> -> memref<64xf32, #tpu.memory_space<hbm>>
      %dma_start3A_114 = arith.constant 0 : i32
      %dma_start3A_115 = tpu.memref_slice %arg11[%add3A_107, %dma_start3A_114] : memref<256x64xf32, #tpu.memory_space<vmem>> -> memref<1x64xf32, #tpu.memory_space<vmem>>
      %dma_start3A_116 = tpu.memref_squeeze %dma_start3A_115 : memref<1x64xf32, #tpu.memory_space<vmem>> -> memref<64xf32, #tpu.memory_space<vmem>>
      %dma_start3A_117 = arith.constant 0 : i32
      %dma_start3A_118 = tpu.memref_slice %arg4[%squeeze3A_103, %dma_start3A_117] : memref<1000000x64xf32, #tpu.memory_space<hbm>> -> memref<1x64xf32, #tpu.memory_space<hbm>>
      %dma_start3A_119 = tpu.memref_squeeze %dma_start3A_118 : memref<1x64xf32, #tpu.memory_space<hbm>> -> memref<64xf32, #tpu.memory_space<hbm>>
      tpu.enqueue_dma source(%dma_start3A_119 : memref<64xf32, #tpu.memory_space<hbm>>) target(%dma_start3A_116 : memref<64xf32, #tpu.memory_space<vmem>>) target_semaphore(%arg14 : memref<!tpu.dma_semaphore, #tpu.memory_space<semaphore_mem>>)
      %slice3A_120 = vector.extract_strided_slice %get3A_68 {offsets = [3], sizes = [1], strides = [1]} : vector<16xi32> to vector<1xi32>
      %squeeze3A_121 = vector.extract %slice3A_120[0] : i32 from vector<1xi32>
      %mul3A_122 = arith.constant 16 : i32
      %mul3A_123 = arith.muli %scan3A_61, %mul3A_122 : i32
      %add3A_124 = arith.constant 3 : i32
      %add3A_125 = arith.addi %mul3A_123, %add3A_124 : i32
      %dma_start3A_126 = arith.constant 0 : i32
      %dma_start3A_127 = tpu.memref_slice %arg11[%add3A_125, %dma_start3A_126] : memref<256x64xf32, #tpu.memory_space<vmem>> -> memref<1x64xf32, #tpu.memory_space<vmem>>
      %dma_start3A_128 = tpu.memref_squeeze %dma_start3A_127 : memref<1x64xf32, #tpu.memory_space<vmem>> -> memref<64xf32, #tpu.memory_space<vmem>>
      %dma_start3A_129 = arith.constant 0 : i32
      %dma_start3A_130 = tpu.memref_slice %arg4[%squeeze3A_121, %dma_start3A_129] : memref<1000000x64xf32, #tpu.memory_space<hbm>> -> memref<1x64xf32, #tpu.memory_space<hbm>>
      %dma_start3A_131 = tpu.memref_squeeze %dma_start3A_130 : memref<1x64xf32, #tpu.memory_space<hbm>> -> memref<64xf32, #tpu.memory_space<hbm>>
      %dma_start3A_132 = arith.constant 0 : i32
      %dma_start3A_133 = tpu.memref_slice %arg11[%add3A_125, %dma_start3A_132] : memref<256x64xf32, #tpu.memory_space<vmem>> -> memref<1x64xf32, #tpu.memory_space<vmem>>
      %dma_start3A_134 = tpu.memref_squeeze %dma_start3A_133 : memref<1x64xf32, #tpu.memory_space<vmem>> -> memref<64xf32, #tpu.memory_space<vmem>>
      %dma_start3A_135 = arith.constant 0 : i32
      %dma_start3A_136 = tpu.memref_slice %arg4[%squeeze3A_121, %dma_start3A_135] : memref<1000000x64xf32, #tpu.memory_space<hbm>> -> memref<1x64xf32, #tpu.memory_space<hbm>>
      %dma_start3A_137 = tpu.memref_squeeze %dma_start3A_136 : memref<1x64xf32, #tpu.memory_space<hbm>> -> memref<64xf32, #tpu.memory_space<hbm>>
      tpu.enqueue_dma source(%dma_start3A_137 : memref<64xf32, #tpu.memory_space<hbm>>) target(%dma_start3A_134 : memref<64xf32, #tpu.memory_space<vmem>>) target_semaphore(%arg14 : memref<!tpu.dma_semaphore, #tpu.memory_space<semaphore_mem>>)
      %slice3A_138 = vector.extract_strided_slice %get3A_68 {offsets = [4], sizes = [1], strides = [1]} : vector<16xi32> to vector<1xi32>
      %squeeze3A_139 = vector.extract %slice3A_138[0] : i32 from vector<1xi32>
      %mul3A_140 = arith.constant 16 : i32
      %mul3A_141 = arith.muli %scan3A_61, %mul3A_140 : i32
      %add3A_142 = arith.constant 4 : i32
      %add3A_143 = arith.addi %mul3A_141, %add3A_142 : i32
      %dma_start3A_144 = arith.constant 0 : i32
      %dma_start3A_145 = tpu.memref_slice %arg11[%add3A_143, %dma_start3A_144] : memref<256x64xf32, #tpu.memory_space<vmem>> -> memref<1x64xf32, #tpu.memory_space<vmem>>
      %dma_start3A_146 = tpu.memref_squeeze %dma_start3A_145 : memref<1x64xf32, #tpu.memory_space<vmem>> -> memref<64xf32, #tpu.memory_space<vmem>>
      %dma_start3A_147 = arith.constant 0 : i32
      %dma_start3A_148 = tpu.memref_slice %arg4[%squeeze3A_139, %dma_start3A_147] : memref<1000000x64xf32, #tpu.memory_space<hbm>> -> memref<1x64xf32, #tpu.memory_space<hbm>>
      %dma_start3A_149 = tpu.memref_squeeze %dma_start3A_148 : memref<1x64xf32, #tpu.memory_space<hbm>> -> memref<64xf32, #tpu.memory_space<hbm>>
      %dma_start3A_150 = arith.constant 0 : i32
      %dma_start3A_151 = tpu.memref_slice %arg11[%add3A_143, %dma_start3A_150] : memref<256x64xf32, #tpu.memory_space<vmem>> -> memref<1x64xf32, #tpu.memory_space<vmem>>
      %dma_start3A_152 = tpu.memref_squeeze %dma_start3A_151 : memref<1x64xf32, #tpu.memory_space<vmem>> -> memref<64xf32, #tpu.memory_space<vmem>>
      %dma_start3A_153 = arith.constant 0 : i32
      %dma_start3A_154 = tpu.memref_slice %arg4[%squeeze3A_139, %dma_start3A_153] : memref<1000000x64xf32, #tpu.memory_space<hbm>> -> memref<1x64xf32, #tpu.memory_space<hbm>>
      %dma_start3A_155 = tpu.memref_squeeze %dma_start3A_154 : memref<1x64xf32, #tpu.memory_space<hbm>> -> memref<64xf32, #tpu.memory_space<hbm>>
      tpu.enqueue_dma source(%dma_start3A_155 : memref<64xf32, #tpu.memory_space<hbm>>) target(%dma_start3A_152 : memref<64xf32, #tpu.memory_space<vmem>>) target_semaphore(%arg14 : memref<!tpu.dma_semaphore, #tpu.memory_space<semaphore_mem>>)
      %slice3A_156 = vector.extract_strided_slice %get3A_68 {offsets = [5], sizes = [1], strides = [1]} : vector<16xi32> to vector<1xi32>
      %squeeze3A_157 = vector.extract %slice3A_156[0] : i32 from vector<1xi32>
      %mul3A_158 = arith.constant 16 : i32
      %mul3A_159 = arith.muli %scan3A_61, %mul3A_158 : i32
      %add3A_160 = arith.constant 5 : i32
      %add3A_161 = arith.addi %mul3A_159, %add3A_160 : i32
      %dma_start3A_162 = arith.constant 0 : i32
      %dma_start3A_163 = tpu.memref_slice %arg11[%add3A_161, %dma_start3A_162] : memref<256x64xf32, #tpu.memory_space<vmem>> -> memref<1x64xf32, #tpu.memory_space<vmem>>
      %dma_start3A_164 = tpu.memref_squeeze %dma_start3A_163 : memref<1x64xf32, #tpu.memory_space<vmem>> -> memref<64xf32, #tpu.memory_space<vmem>>
      %dma_start3A_165 = arith.constant 0 : i32
      %dma_start3A_166 = tpu.memref_slice %arg4[%squeeze3A_157, %dma_start3A_165] : memref<1000000x64xf32, #tpu.memory_space<hbm>> -> memref<1x64xf32, #tpu.memory_space<hbm>>
      %dma_start3A_167 = tpu.memref_squeeze %dma_start3A_166 : memref<1x64xf32, #tpu.memory_space<hbm>> -> memref<64xf32, #tpu.memory_space<hbm>>
      %dma_start3A_168 = arith.constant 0 : i32
      %dma_start3A_169 = tpu.memref_slice %arg11[%add3A_161, %dma_start3A_168] : memref<256x64xf32, #tpu.memory_space<vmem>> -> memref<1x64xf32, #tpu.memory_space<vmem>>
      %dma_start3A_170 = tpu.memref_squeeze %dma_start3A_169 : memref<1x64xf32, #tpu.memory_space<vmem>> -> memref<64xf32, #tpu.memory_space<vmem>>
      %dma_start3A_171 = arith.constant 0 : i32
      %dma_start3A_172 = tpu.memref_slice %arg4[%squeeze3A_157, %dma_start3A_171] : memref<1000000x64xf32, #tpu.memory_space<hbm>> -> memref<1x64xf32, #tpu.memory_space<hbm>>
      %dma_start3A_173 = tpu.memref_squeeze %dma_start3A_172 : memref<1x64xf32, #tpu.memory_space<hbm>> -> memref<64xf32, #tpu.memory_space<hbm>>
      tpu.enqueue_dma source(%dma_start3A_173 : memref<64xf32, #tpu.memory_space<hbm>>) target(%dma_start3A_170 : memref<64xf32, #tpu.memory_space<vmem>>) target_semaphore(%arg14 : memref<!tpu.dma_semaphore, #tpu.memory_space<semaphore_mem>>)
      %slice3A_174 = vector.extract_strided_slice %get3A_68 {offsets = [6], sizes = [1], strides = [1]} : vector<16xi32> to vector<1xi32>
      %squeeze3A_175 = vector.extract %slice3A_174[0] : i32 from vector<1xi32>
      %mul3A_176 = arith.constant 16 : i32
      %mul3A_177 = arith.muli %scan3A_61, %mul3A_176 : i32
      %add3A_178 = arith.constant 6 : i32
      %add3A_179 = arith.addi %mul3A_177, %add3A_178 : i32
      %dma_start3A_180 = arith.constant 0 : i32
      %dma_start3A_181 = tpu.memref_slice %arg11[%add3A_179, %dma_start3A_180] : memref<256x64xf32, #tpu.memory_space<vmem>> -> memref<1x64xf32, #tpu.memory_space<vmem>>
      %dma_start3A_182 = tpu.memref_squeeze %dma_start3A_181 : memref<1x64xf32, #tpu.memory_space<vmem>> -> memref<64xf32, #tpu.memory_space<vmem>>
      %dma_start3A_183 = arith.constant 0 : i32
      %dma_start3A_184 = tpu.memref_slice %arg4[%squeeze3A_175, %dma_start3A_183] : memref<1000000x64xf32, #tpu.memory_space<hbm>> -> memref<1x64xf32, #tpu.memory_space<hbm>>
      %dma_start3A_185 = tpu.memref_squeeze %dma_start3A_184 : memref<1x64xf32, #tpu.memory_space<hbm>> -> memref<64xf32, #tpu.memory_space<hbm>>
      %dma_start3A_186 = arith.constant 0 : i32
      %dma_start3A_187 = tpu.memref_slice %arg11[%add3A_179, %dma_start3A_186] : memref<256x64xf32, #tpu.memory_space<vmem>> -> memref<1x64xf32, #tpu.memory_space<vmem>>
      %dma_start3A_188 = tpu.memref_squeeze %dma_start3A_187 : memref<1x64xf32, #tpu.memory_space<vmem>> -> memref<64xf32, #tpu.memory_space<vmem>>
      %dma_start3A_189 = arith.constant 0 : i32
      %dma_start3A_190 = tpu.memref_slice %arg4[%squeeze3A_175, %dma_start3A_189] : memref<1000000x64xf32, #tpu.memory_space<hbm>> -> memref<1x64xf32, #tpu.memory_space<hbm>>
      %dma_start3A_191 = tpu.memref_squeeze %dma_start3A_190 : memref<1x64xf32, #tpu.memory_space<hbm>> -> memref<64xf32, #tpu.memory_space<hbm>>
      tpu.enqueue_dma source(%dma_start3A_191 : memref<64xf32, #tpu.memory_space<hbm>>) target(%dma_start3A_188 : memref<64xf32, #tpu.memory_space<vmem>>) target_semaphore(%arg14 : memref<!tpu.dma_semaphore, #tpu.memory_space<semaphore_mem>>)
      %slice3A_192 = vector.extract_strided_slice %get3A_68 {offsets = [7], sizes = [1], strides = [1]} : vector<16xi32> to vector<1xi32>
      %squeeze3A_193 = vector.extract %slice3A_192[0] : i32 from vector<1xi32>
      %mul3A_194 = arith.constant 16 : i32
      %mul3A_195 = arith.muli %scan3A_61, %mul3A_194 : i32
      %add3A_196 = arith.constant 7 : i32
      %add3A_197 = arith.addi %mul3A_195, %add3A_196 : i32
      %dma_start3A_198 = arith.constant 0 : i32
      %dma_start3A_199 = tpu.memref_slice %arg11[%add3A_197, %dma_start3A_198] : memref<256x64xf32, #tpu.memory_space<vmem>> -> memref<1x64xf32, #tpu.memory_space<vmem>>
      %dma_start3A_200 = tpu.memref_squeeze %dma_start3A_199 : memref<1x64xf32, #tpu.memory_space<vmem>> -> memref<64xf32, #tpu.memory_space<vmem>>
      %dma_start3A_201 = arith.constant 0 : i32
      %dma_start3A_202 = tpu.memref_slice %arg4[%squeeze3A_193, %dma_start3A_201] : memref<1000000x64xf32, #tpu.memory_space<hbm>> -> memref<1x64xf32, #tpu.memory_space<hbm>>
      %dma_start3A_203 = tpu.memref_squeeze %dma_start3A_202 : memref<1x64xf32, #tpu.memory_space<hbm>> -> memref<64xf32, #tpu.memory_space<hbm>>
      %dma_start3A_204 = arith.constant 0 : i32
      %dma_start3A_205 = tpu.memref_slice %arg11[%add3A_197, %dma_start3A_204] : memref<256x64xf32, #tpu.memory_space<vmem>> -> memref<1x64xf32, #tpu.memory_space<vmem>>
      %dma_start3A_206 = tpu.memref_squeeze %dma_start3A_205 : memref<1x64xf32, #tpu.memory_space<vmem>> -> memref<64xf32, #tpu.memory_space<vmem>>
      %dma_start3A_207 = arith.constant 0 : i32
      %dma_start3A_208 = tpu.memref_slice %arg4[%squeeze3A_193, %dma_start3A_207] : memref<1000000x64xf32, #tpu.memory_space<hbm>> -> memref<1x64xf32, #tpu.memory_space<hbm>>
      %dma_start3A_209 = tpu.memref_squeeze %dma_start3A_208 : memref<1x64xf32, #tpu.memory_space<hbm>> -> memref<64xf32, #tpu.memory_space<hbm>>
      tpu.enqueue_dma source(%dma_start3A_209 : memref<64xf32, #tpu.memory_space<hbm>>) target(%dma_start3A_206 : memref<64xf32, #tpu.memory_space<vmem>>) target_semaphore(%arg14 : memref<!tpu.dma_semaphore, #tpu.memory_space<semaphore_mem>>)
      %slice3A_210 = vector.extract_strided_slice %get3A_68 {offsets = [8], sizes = [1], strides = [1]} : vector<16xi32> to vector<1xi32>
      %squeeze3A_211 = vector.extract %slice3A_210[0] : i32 from vector<1xi32>
      %mul3A_212 = arith.constant 16 : i32
      %mul3A_213 = arith.muli %scan3A_61, %mul3A_212 : i32
      %add3A_214 = arith.constant 8 : i32
      %add3A_215 = arith.addi %mul3A_213, %add3A_214 : i32
      %dma_start3A_216 = arith.constant 0 : i32
      %dma_start3A_217 = tpu.memref_slice %arg11[%add3A_215, %dma_start3A_216] : memref<256x64xf32, #tpu.memory_space<vmem>> -> memref<1x64xf32, #tpu.memory_space<vmem>>
      %dma_start3A_218 = tpu.memref_squeeze %dma_start3A_217 : memref<1x64xf32, #tpu.memory_space<vmem>> -> memref<64xf32, #tpu.memory_space<vmem>>
      %dma_start3A_219 = arith.constant 0 : i32
      %dma_start3A_220 = tpu.memref_slice %arg4[%squeeze3A_211, %dma_start3A_219] : memref<1000000x64xf32, #tpu.memory_space<hbm>> -> memref<1x64xf32, #tpu.memory_space<hbm>>
      %dma_start3A_221 = tpu.memref_squeeze %dma_start3A_220 : memref<1x64xf32, #tpu.memory_space<hbm>> -> memref<64xf32, #tpu.memory_space<hbm>>
      %dma_start3A_222 = arith.constant 0 : i32
      %dma_start3A_223 = tpu.memref_slice %arg11[%add3A_215, %dma_start3A_222] : memref<256x64xf32, #tpu.memory_space<vmem>> -> memref<1x64xf32, #tpu.memory_space<vmem>>
      %dma_start3A_224 = tpu.memref_squeeze %dma_start3A_223 : memref<1x64xf32, #tpu.memory_space<vmem>> -> memref<64xf32, #tpu.memory_space<vmem>>
      %dma_start3A_225 = arith.constant 0 : i32
      %dma_start3A_226 = tpu.memref_slice %arg4[%squeeze3A_211, %dma_start3A_225] : memref<1000000x64xf32, #tpu.memory_space<hbm>> -> memref<1x64xf32, #tpu.memory_space<hbm>>
      %dma_start3A_227 = tpu.memref_squeeze %dma_start3A_226 : memref<1x64xf32, #tpu.memory_space<hbm>> -> memref<64xf32, #tpu.memory_space<hbm>>
      tpu.enqueue_dma source(%dma_start3A_227 : memref<64xf32, #tpu.memory_space<hbm>>) target(%dma_start3A_224 : memref<64xf32, #tpu.memory_space<vmem>>) target_semaphore(%arg14 : memref<!tpu.dma_semaphore, #tpu.memory_space<semaphore_mem>>)
      %slice3A_228 = vector.extract_strided_slice %get3A_68 {offsets = [9], sizes = [1], strides = [1]} : vector<16xi32> to vector<1xi32>
      %squeeze3A_229 = vector.extract %slice3A_228[0] : i32 from vector<1xi32>
      %mul3A_230 = arith.constant 16 : i32
      %mul3A_231 = arith.muli %scan3A_61, %mul3A_230 : i32
      %add3A_232 = arith.constant 9 : i32
      %add3A_233 = arith.addi %mul3A_231, %add3A_232 : i32
      %dma_start3A_234 = arith.constant 0 : i32
      %dma_start3A_235 = tpu.memref_slice %arg11[%add3A_233, %dma_start3A_234] : memref<256x64xf32, #tpu.memory_space<vmem>> -> memref<1x64xf32, #tpu.memory_space<vmem>>
      %dma_start3A_236 = tpu.memref_squeeze %dma_start3A_235 : memref<1x64xf32, #tpu.memory_space<vmem>> -> memref<64xf32, #tpu.memory_space<vmem>>
      %dma_start3A_237 = arith.constant 0 : i32
      %dma_start3A_238 = tpu.memref_slice %arg4[%squeeze3A_229, %dma_start3A_237] : memref<1000000x64xf32, #tpu.memory_space<hbm>> -> memref<1x64xf32, #tpu.memory_space<hbm>>
      %dma_start3A_239 = tpu.memref_squeeze %dma_start3A_238 : memref<1x64xf32, #tpu.memory_space<hbm>> -> memref<64xf32, #tpu.memory_space<hbm>>
      %dma_start3A_240 = arith.constant 0 : i32
      %dma_start3A_241 = tpu.memref_slice %arg11[%add3A_233, %dma_start3A_240] : memref<256x64xf32, #tpu.memory_space<vmem>> -> memref<1x64xf32, #tpu.memory_space<vmem>>
      %dma_start3A_242 = tpu.memref_squeeze %dma_start3A_241 : memref<1x64xf32, #tpu.memory_space<vmem>> -> memref<64xf32, #tpu.memory_space<vmem>>
      %dma_start3A_243 = arith.constant 0 : i32
      %dma_start3A_244 = tpu.memref_slice %arg4[%squeeze3A_229, %dma_start3A_243] : memref<1000000x64xf32, #tpu.memory_space<hbm>> -> memref<1x64xf32, #tpu.memory_space<hbm>>
      %dma_start3A_245 = tpu.memref_squeeze %dma_start3A_244 : memref<1x64xf32, #tpu.memory_space<hbm>> -> memref<64xf32, #tpu.memory_space<hbm>>
      tpu.enqueue_dma source(%dma_start3A_245 : memref<64xf32, #tpu.memory_space<hbm>>) target(%dma_start3A_242 : memref<64xf32, #tpu.memory_space<vmem>>) target_semaphore(%arg14 : memref<!tpu.dma_semaphore, #tpu.memory_space<semaphore_mem>>)
      %slice3A_246 = vector.extract_strided_slice %get3A_68 {offsets = [10], sizes = [1], strides = [1]} : vector<16xi32> to vector<1xi32>
      %squeeze3A_247 = vector.extract %slice3A_246[0] : i32 from vector<1xi32>
      %mul3A_248 = arith.constant 16 : i32
      %mul3A_249 = arith.muli %scan3A_61, %mul3A_248 : i32
      %add3A_250 = arith.constant 10 : i32
      %add3A_251 = arith.addi %mul3A_249, %add3A_250 : i32
      %dma_start3A_252 = arith.constant 0 : i32
      %dma_start3A_253 = tpu.memref_slice %arg11[%add3A_251, %dma_start3A_252] : memref<256x64xf32, #tpu.memory_space<vmem>> -> memref<1x64xf32, #tpu.memory_space<vmem>>
      %dma_start3A_254 = tpu.memref_squeeze %dma_start3A_253 : memref<1x64xf32, #tpu.memory_space<vmem>> -> memref<64xf32, #tpu.memory_space<vmem>>
      %dma_start3A_255 = arith.constant 0 : i32
      %dma_start3A_256 = tpu.memref_slice %arg4[%squeeze3A_247, %dma_start3A_255] : memref<1000000x64xf32, #tpu.memory_space<hbm>> -> memref<1x64xf32, #tpu.memory_space<hbm>>
      %dma_start3A_257 = tpu.memref_squeeze %dma_start3A_256 : memref<1x64xf32, #tpu.memory_space<hbm>> -> memref<64xf32, #tpu.memory_space<hbm>>
      %dma_start3A_258 = arith.constant 0 : i32
      %dma_start3A_259 = tpu.memref_slice %arg11[%add3A_251, %dma_start3A_258] : memref<256x64xf32, #tpu.memory_space<vmem>> -> memref<1x64xf32, #tpu.memory_space<vmem>>
      %dma_start3A_260 = tpu.memref_squeeze %dma_start3A_259 : memref<1x64xf32, #tpu.memory_space<vmem>> -> memref<64xf32, #tpu.memory_space<vmem>>
      %dma_start3A_261 = arith.constant 0 : i32
      %dma_start3A_262 = tpu.memref_slice %arg4[%squeeze3A_247, %dma_start3A_261] : memref<1000000x64xf32, #tpu.memory_space<hbm>> -> memref<1x64xf32, #tpu.memory_space<hbm>>
      %dma_start3A_263 = tpu.memref_squeeze %dma_start3A_262 : memref<1x64xf32, #tpu.memory_space<hbm>> -> memref<64xf32, #tpu.memory_space<hbm>>
      tpu.enqueue_dma source(%dma_start3A_263 : memref<64xf32, #tpu.memory_space<hbm>>) target(%dma_start3A_260 : memref<64xf32, #tpu.memory_space<vmem>>) target_semaphore(%arg14 : memref<!tpu.dma_semaphore, #tpu.memory_space<semaphore_mem>>)
      %slice3A_264 = vector.extract_strided_slice %get3A_68 {offsets = [11], sizes = [1], strides = [1]} : vector<16xi32> to vector<1xi32>
      %squeeze3A_265 = vector.extract %slice3A_264[0] : i32 from vector<1xi32>
      %mul3A_266 = arith.constant 16 : i32
      %mul3A_267 = arith.muli %scan3A_61, %mul3A_266 : i32
      %add3A_268 = arith.constant 11 : i32
      %add3A_269 = arith.addi %mul3A_267, %add3A_268 : i32
      %dma_start3A_270 = arith.constant 0 : i32
      %dma_start3A_271 = tpu.memref_slice %arg11[%add3A_269, %dma_start3A_270] : memref<256x64xf32, #tpu.memory_space<vmem>> -> memref<1x64xf32, #tpu.memory_space<vmem>>
      %dma_start3A_272 = tpu.memref_squeeze %dma_start3A_271 : memref<1x64xf32, #tpu.memory_space<vmem>> -> memref<64xf32, #tpu.memory_space<vmem>>
      %dma_start3A_273 = arith.constant 0 : i32
      %dma_start3A_274 = tpu.memref_slice %arg4[%squeeze3A_265, %dma_start3A_273] : memref<1000000x64xf32, #tpu.memory_space<hbm>> -> memref<1x64xf32, #tpu.memory_space<hbm>>
      %dma_start3A_275 = tpu.memref_squeeze %dma_start3A_274 : memref<1x64xf32, #tpu.memory_space<hbm>> -> memref<64xf32, #tpu.memory_space<hbm>>
      %dma_start3A_276 = arith.constant 0 : i32
      %dma_start3A_277 = tpu.memref_slice %arg11[%add3A_269, %dma_start3A_276] : memref<256x64xf32, #tpu.memory_space<vmem>> -> memref<1x64xf32, #tpu.memory_space<vmem>>
      %dma_start3A_278 = tpu.memref_squeeze %dma_start3A_277 : memref<1x64xf32, #tpu.memory_space<vmem>> -> memref<64xf32, #tpu.memory_space<vmem>>
      %dma_start3A_279 = arith.constant 0 : i32
      %dma_start3A_280 = tpu.memref_slice %arg4[%squeeze3A_265, %dma_start3A_279] : memref<1000000x64xf32, #tpu.memory_space<hbm>> -> memref<1x64xf32, #tpu.memory_space<hbm>>
      %dma_start3A_281 = tpu.memref_squeeze %dma_start3A_280 : memref<1x64xf32, #tpu.memory_space<hbm>> -> memref<64xf32, #tpu.memory_space<hbm>>
      tpu.enqueue_dma source(%dma_start3A_281 : memref<64xf32, #tpu.memory_space<hbm>>) target(%dma_start3A_278 : memref<64xf32, #tpu.memory_space<vmem>>) target_semaphore(%arg14 : memref<!tpu.dma_semaphore, #tpu.memory_space<semaphore_mem>>)
      %slice3A_282 = vector.extract_strided_slice %get3A_68 {offsets = [12], sizes = [1], strides = [1]} : vector<16xi32> to vector<1xi32>
      %squeeze3A_283 = vector.extract %slice3A_282[0] : i32 from vector<1xi32>
      %mul3A_284 = arith.constant 16 : i32
      %mul3A_285 = arith.muli %scan3A_61, %mul3A_284 : i32
      %add3A_286 = arith.constant 12 : i32
      %add3A_287 = arith.addi %mul3A_285, %add3A_286 : i32
      %dma_start3A_288 = arith.constant 0 : i32
      %dma_start3A_289 = tpu.memref_slice %arg11[%add3A_287, %dma_start3A_288] : memref<256x64xf32, #tpu.memory_space<vmem>> -> memref<1x64xf32, #tpu.memory_space<vmem>>
      %dma_start3A_290 = tpu.memref_squeeze %dma_start3A_289 : memref<1x64xf32, #tpu.memory_space<vmem>> -> memref<64xf32, #tpu.memory_space<vmem>>
      %dma_start3A_291 = arith.constant 0 : i32
      %dma_start3A_292 = tpu.memref_slice %arg4[%squeeze3A_283, %dma_start3A_291] : memref<1000000x64xf32, #tpu.memory_space<hbm>> -> memref<1x64xf32, #tpu.memory_space<hbm>>
      %dma_start3A_293 = tpu.memref_squeeze %dma_start3A_292 : memref<1x64xf32, #tpu.memory_space<hbm>> -> memref<64xf32, #tpu.memory_space<hbm>>
      %dma_start3A_294 = arith.constant 0 : i32
      %dma_start3A_295 = tpu.memref_slice %arg11[%add3A_287, %dma_start3A_294] : memref<256x64xf32, #tpu.memory_space<vmem>> -> memref<1x64xf32, #tpu.memory_space<vmem>>
      %dma_start3A_296 = tpu.memref_squeeze %dma_start3A_295 : memref<1x64xf32, #tpu.memory_space<vmem>> -> memref<64xf32, #tpu.memory_space<vmem>>
      %dma_start3A_297 = arith.constant 0 : i32
      %dma_start3A_298 = tpu.memref_slice %arg4[%squeeze3A_283, %dma_start3A_297] : memref<1000000x64xf32, #tpu.memory_space<hbm>> -> memref<1x64xf32, #tpu.memory_space<hbm>>
      %dma_start3A_299 = tpu.memref_squeeze %dma_start3A_298 : memref<1x64xf32, #tpu.memory_space<hbm>> -> memref<64xf32, #tpu.memory_space<hbm>>
      tpu.enqueue_dma source(%dma_start3A_299 : memref<64xf32, #tpu.memory_space<hbm>>) target(%dma_start3A_296 : memref<64xf32, #tpu.memory_space<vmem>>) target_semaphore(%arg14 : memref<!tpu.dma_semaphore, #tpu.memory_space<semaphore_mem>>)
      %slice3A_300 = vector.extract_strided_slice %get3A_68 {offsets = [13], sizes = [1], strides = [1]} : vector<16xi32> to vector<1xi32>
      %squeeze3A_301 = vector.extract %slice3A_300[0] : i32 from vector<1xi32>
      %mul3A_302 = arith.constant 16 : i32
      %mul3A_303 = arith.muli %scan3A_61, %mul3A_302 : i32
      %add3A_304 = arith.constant 13 : i32
      %add3A_305 = arith.addi %mul3A_303, %add3A_304 : i32
      %dma_start3A_306 = arith.constant 0 : i32
      %dma_start3A_307 = tpu.memref_slice %arg11[%add3A_305, %dma_start3A_306] : memref<256x64xf32, #tpu.memory_space<vmem>> -> memref<1x64xf32, #tpu.memory_space<vmem>>
      %dma_start3A_308 = tpu.memref_squeeze %dma_start3A_307 : memref<1x64xf32, #tpu.memory_space<vmem>> -> memref<64xf32, #tpu.memory_space<vmem>>
      %dma_start3A_309 = arith.constant 0 : i32
      %dma_start3A_310 = tpu.memref_slice %arg4[%squeeze3A_301, %dma_start3A_309] : memref<1000000x64xf32, #tpu.memory_space<hbm>> -> memref<1x64xf32, #tpu.memory_space<hbm>>
      %dma_start3A_311 = tpu.memref_squeeze %dma_start3A_310 : memref<1x64xf32, #tpu.memory_space<hbm>> -> memref<64xf32, #tpu.memory_space<hbm>>
      %dma_start3A_312 = arith.constant 0 : i32
      %dma_start3A_313 = tpu.memref_slice %arg11[%add3A_305, %dma_start3A_312] : memref<256x64xf32, #tpu.memory_space<vmem>> -> memref<1x64xf32, #tpu.memory_space<vmem>>
      %dma_start3A_314 = tpu.memref_squeeze %dma_start3A_313 : memref<1x64xf32, #tpu.memory_space<vmem>> -> memref<64xf32, #tpu.memory_space<vmem>>
      %dma_start3A_315 = arith.constant 0 : i32
      %dma_start3A_316 = tpu.memref_slice %arg4[%squeeze3A_301, %dma_start3A_315] : memref<1000000x64xf32, #tpu.memory_space<hbm>> -> memref<1x64xf32, #tpu.memory_space<hbm>>
      %dma_start3A_317 = tpu.memref_squeeze %dma_start3A_316 : memref<1x64xf32, #tpu.memory_space<hbm>> -> memref<64xf32, #tpu.memory_space<hbm>>
      tpu.enqueue_dma source(%dma_start3A_317 : memref<64xf32, #tpu.memory_space<hbm>>) target(%dma_start3A_314 : memref<64xf32, #tpu.memory_space<vmem>>) target_semaphore(%arg14 : memref<!tpu.dma_semaphore, #tpu.memory_space<semaphore_mem>>)
      %slice3A_318 = vector.extract_strided_slice %get3A_68 {offsets = [14], sizes = [1], strides = [1]} : vector<16xi32> to vector<1xi32>
      %squeeze3A_319 = vector.extract %slice3A_318[0] : i32 from vector<1xi32>
      %mul3A_320 = arith.constant 16 : i32
      %mul3A_321 = arith.muli %scan3A_61, %mul3A_320 : i32
      %add3A_322 = arith.constant 14 : i32
      %add3A_323 = arith.addi %mul3A_321, %add3A_322 : i32
      %dma_start3A_324 = arith.constant 0 : i32
      %dma_start3A_325 = tpu.memref_slice %arg11[%add3A_323, %dma_start3A_324] : memref<256x64xf32, #tpu.memory_space<vmem>> -> memref<1x64xf32, #tpu.memory_space<vmem>>
      %dma_start3A_326 = tpu.memref_squeeze %dma_start3A_325 : memref<1x64xf32, #tpu.memory_space<vmem>> -> memref<64xf32, #tpu.memory_space<vmem>>
      %dma_start3A_327 = arith.constant 0 : i32
      %dma_start3A_328 = tpu.memref_slice %arg4[%squeeze3A_319, %dma_start3A_327] : memref<1000000x64xf32, #tpu.memory_space<hbm>> -> memref<1x64xf32, #tpu.memory_space<hbm>>
      %dma_start3A_329 = tpu.memref_squeeze %dma_start3A_328 : memref<1x64xf32, #tpu.memory_space<hbm>> -> memref<64xf32, #tpu.memory_space<hbm>>
      %dma_start3A_330 = arith.constant 0 : i32
      %dma_start3A_331 = tpu.memref_slice %arg11[%add3A_323, %dma_start3A_330] : memref<256x64xf32, #tpu.memory_space<vmem>> -> memref<1x64xf32, #tpu.memory_space<vmem>>
      %dma_start3A_332 = tpu.memref_squeeze %dma_start3A_331 : memref<1x64xf32, #tpu.memory_space<vmem>> -> memref<64xf32, #tpu.memory_space<vmem>>
      %dma_start3A_333 = arith.constant 0 : i32
      %dma_start3A_334 = tpu.memref_slice %arg4[%squeeze3A_319, %dma_start3A_333] : memref<1000000x64xf32, #tpu.memory_space<hbm>> -> memref<1x64xf32, #tpu.memory_space<hbm>>
      %dma_start3A_335 = tpu.memref_squeeze %dma_start3A_334 : memref<1x64xf32, #tpu.memory_space<hbm>> -> memref<64xf32, #tpu.memory_space<hbm>>
      tpu.enqueue_dma source(%dma_start3A_335 : memref<64xf32, #tpu.memory_space<hbm>>) target(%dma_start3A_332 : memref<64xf32, #tpu.memory_space<vmem>>) target_semaphore(%arg14 : memref<!tpu.dma_semaphore, #tpu.memory_space<semaphore_mem>>)
      %slice3A_336 = vector.extract_strided_slice %get3A_68 {offsets = [15], sizes = [1], strides = [1]} : vector<16xi32> to vector<1xi32>
      %squeeze3A_337 = vector.extract %slice3A_336[0] : i32 from vector<1xi32>
      %mul3A_338 = arith.constant 16 : i32
      %mul3A_339 = arith.muli %scan3A_61, %mul3A_338 : i32
      %add3A_340 = arith.constant 15 : i32
      %add3A_341 = arith.addi %mul3A_339, %add3A_340 : i32
      %dma_start3A_342 = arith.constant 0 : i32
      %dma_start3A_343 = tpu.memref_slice %arg11[%add3A_341, %dma_start3A_342] : memref<256x64xf32, #tpu.memory_space<vmem>> -> memref<1x64xf32, #tpu.memory_space<vmem>>
      %dma_start3A_344 = tpu.memref_squeeze %dma_start3A_343 : memref<1x64xf32, #tpu.memory_space<vmem>> -> memref<64xf32, #tpu.memory_space<vmem>>
      %dma_start3A_345 = arith.constant 0 : i32
      %dma_start3A_346 = tpu.memref_slice %arg4[%squeeze3A_337, %dma_start3A_345] : memref<1000000x64xf32, #tpu.memory_space<hbm>> -> memref<1x64xf32, #tpu.memory_space<hbm>>
      %dma_start3A_347 = tpu.memref_squeeze %dma_start3A_346 : memref<1x64xf32, #tpu.memory_space<hbm>> -> memref<64xf32, #tpu.memory_space<hbm>>
      %dma_start3A_348 = arith.constant 0 : i32
      %dma_start3A_349 = tpu.memref_slice %arg11[%add3A_341, %dma_start3A_348] : memref<256x64xf32, #tpu.memory_space<vmem>> -> memref<1x64xf32, #tpu.memory_space<vmem>>
      %dma_start3A_350 = tpu.memref_squeeze %dma_start3A_349 : memref<1x64xf32, #tpu.memory_space<vmem>> -> memref<64xf32, #tpu.memory_space<vmem>>
      %dma_start3A_351 = arith.constant 0 : i32
      %dma_start3A_352 = tpu.memref_slice %arg4[%squeeze3A_337, %dma_start3A_351] : memref<1000000x64xf32, #tpu.memory_space<hbm>> -> memref<1x64xf32, #tpu.memory_space<hbm>>
      %dma_start3A_353 = tpu.memref_squeeze %dma_start3A_352 : memref<1x64xf32, #tpu.memory_space<hbm>> -> memref<64xf32, #tpu.memory_space<hbm>>
      tpu.enqueue_dma source(%dma_start3A_353 : memref<64xf32, #tpu.memory_space<hbm>>) target(%dma_start3A_350 : memref<64xf32, #tpu.memory_space<vmem>>) target_semaphore(%arg14 : memref<!tpu.dma_semaphore, #tpu.memory_space<semaphore_mem>>)
      %scan3A_354 = arith.constant 0 : i32
      scf.yield %scan3A_354 : i32
    }
    %scan3A_15 = arith.constant 16 : i32
    %scan3A_16 = arith.constant 0 : i32
    %scan3A_17 = arith.constant 0 : i32
    %scan3A_18 = arith.constant 16 : i32
    %scan3A_19 = arith.addi %scan3A_17, %scan3A_18 : i32
    %scan3A_20 = arith.constant 1 : i32
    %scan3A_21 = scf.for %scan3A_61 = %scan3A_17 to %scan3A_19 step %scan3A_20 iter_args(%scan3A_62 = %scan3A_16) -> (i32)  : i32 {
      %mul3A_63 = arith.constant 16 : i32
      %mul3A_64 = arith.muli %scan3A_61, %mul3A_63 : i32
      %add3A_65 = arith.constant 0 : i32
      %add3A_66 = arith.addi %add3A_65, %mul3A_64 : i32
      %get3A = arith.index_cast %add3A_66 : i32 to index
      %get3A_67 = tpu.vector_load %arg9[%get3A] {strides = array<i32>} : memref<512xi32, #tpu.memory_space<vmem>>, vector<16xi32>,
      %get3A_68 = vector.shape_cast %get3A_67 : vector<16xi32> to vector<16xi32>
      %slice3A = vector.extract_strided_slice %get3A_68 {offsets = [0], sizes = [1], strides = [1]} : vector<16xi32> to vector<1xi32>
      %squeeze3A = vector.extract %slice3A[0] : i32 from vector<1xi32>
      %mul3A_69 = arith.constant 16 : i32
      %mul3A_70 = arith.muli %scan3A_61, %mul3A_69 : i32
      %add3A_71 = arith.constant 0 : i32
      %add3A_72 = arith.addi %mul3A_70, %add3A_71 : i32
      %dma_start3A = arith.constant 0 : i32
      %dma_start3A_73 = tpu.memref_slice %arg12[%add3A_72, %dma_start3A] : memref<256x64xf32, #tpu.memory_space<vmem>> -> memref<1x64xf32, #tpu.memory_space<vmem>>
      %dma_start3A_74 = tpu.memref_squeeze %dma_start3A_73 : memref<1x64xf32, #tpu.memory_space<vmem>> -> memref<64xf32, #tpu.memory_space<vmem>>
      %dma_start3A_75 = arith.constant 0 : i32
      %dma_start3A_76 = tpu.memref_slice %arg5[%squeeze3A, %dma_start3A_75] : memref<1000000x64xf32, #tpu.memory_space<hbm>> -> memref<1x64xf32, #tpu.memory_space<hbm>>
      %dma_start3A_77 = tpu.memref_squeeze %dma_start3A_76 : memref<1x64xf32, #tpu.memory_space<hbm>> -> memref<64xf32, #tpu.memory_space<hbm>>
      %dma_start3A_78 = arith.constant 0 : i32
      %dma_start3A_79 = tpu.memref_slice %arg12[%add3A_72, %dma_start3A_78] : memref<256x64xf32, #tpu.memory_space<vmem>> -> memref<1x64xf32, #tpu.memory_space<vmem>>
      %dma_start3A_80 = tpu.memref_squeeze %dma_start3A_79 : memref<1x64xf32, #tpu.memory_space<vmem>> -> memref<64xf32, #tpu.memory_space<vmem>>
      %dma_start3A_81 = arith.constant 0 : i32
      %dma_start3A_82 = tpu.memref_slice %arg5[%squeeze3A, %dma_start3A_81] : memref<1000000x64xf32, #tpu.memory_space<hbm>> -> memref<1x64xf32, #tpu.memory_space<hbm>>
      %dma_start3A_83 = tpu.memref_squeeze %dma_start3A_82 : memref<1x64xf32, #tpu.memory_space<hbm>> -> memref<64xf32, #tpu.memory_space<hbm>>
      tpu.enqueue_dma source(%dma_start3A_83 : memref<64xf32, #tpu.memory_space<hbm>>) target(%dma_start3A_80 : memref<64xf32, #tpu.memory_space<vmem>>) target_semaphore(%arg15 : memref<!tpu.dma_semaphore, #tpu.memory_space<semaphore_mem>>)
      %slice3A_84 = vector.extract_strided_slice %get3A_68 {offsets = [1], sizes = [1], strides = [1]} : vector<16xi32> to vector<1xi32>
      %squeeze3A_85 = vector.extract %slice3A_84[0] : i32 from vector<1xi32>
      %mul3A_86 = arith.constant 16 : i32
      %mul3A_87 = arith.muli %scan3A_61, %mul3A_86 : i32
      %add3A_88 = arith.constant 1 : i32
      %add3A_89 = arith.addi %mul3A_87, %add3A_88 : i32
      %dma_start3A_90 = arith.constant 0 : i32
      %dma_start3A_91 = tpu.memref_slice %arg12[%add3A_89, %dma_start3A_90] : memref<256x64xf32, #tpu.memory_space<vmem>> -> memref<1x64xf32, #tpu.memory_space<vmem>>
      %dma_start3A_92 = tpu.memref_squeeze %dma_start3A_91 : memref<1x64xf32, #tpu.memory_space<vmem>> -> memref<64xf32, #tpu.memory_space<vmem>>
      %dma_start3A_93 = arith.constant 0 : i32
      %dma_start3A_94 = tpu.memref_slice %arg5[%squeeze3A_85, %dma_start3A_93] : memref<1000000x64xf32, #tpu.memory_space<hbm>> -> memref<1x64xf32, #tpu.memory_space<hbm>>
      %dma_start3A_95 = tpu.memref_squeeze %dma_start3A_94 : memref<1x64xf32, #tpu.memory_space<hbm>> -> memref<64xf32, #tpu.memory_space<hbm>>
      %dma_start3A_96 = arith.constant 0 : i32
      %dma_start3A_97 = tpu.memref_slice %arg12[%add3A_89, %dma_start3A_96] : memref<256x64xf32, #tpu.memory_space<vmem>> -> memref<1x64xf32, #tpu.memory_space<vmem>>
      %dma_start3A_98 = tpu.memref_squeeze %dma_start3A_97 : memref<1x64xf32, #tpu.memory_space<vmem>> -> memref<64xf32, #tpu.memory_space<vmem>>
      %dma_start3A_99 = arith.constant 0 : i32
      %dma_start3A_100 = tpu.memref_slice %arg5[%squeeze3A_85, %dma_start3A_99] : memref<1000000x64xf32, #tpu.memory_space<hbm>> -> memref<1x64xf32, #tpu.memory_space<hbm>>
      %dma_start3A_101 = tpu.memref_squeeze %dma_start3A_100 : memref<1x64xf32, #tpu.memory_space<hbm>> -> memref<64xf32, #tpu.memory_space<hbm>>
      tpu.enqueue_dma source(%dma_start3A_101 : memref<64xf32, #tpu.memory_space<hbm>>) target(%dma_start3A_98 : memref<64xf32, #tpu.memory_space<vmem>>) target_semaphore(%arg15 : memref<!tpu.dma_semaphore, #tpu.memory_space<semaphore_mem>>)
      %slice3A_102 = vector.extract_strided_slice %get3A_68 {offsets = [2], sizes = [1], strides = [1]} : vector<16xi32> to vector<1xi32>
      %squeeze3A_103 = vector.extract %slice3A_102[0] : i32 from vector<1xi32>
      %mul3A_104 = arith.constant 16 : i32
      %mul3A_105 = arith.muli %scan3A_61, %mul3A_104 : i32
      %add3A_106 = arith.constant 2 : i32
      %add3A_107 = arith.addi %mul3A_105, %add3A_106 : i32
      %dma_start3A_108 = arith.constant 0 : i32
      %dma_start3A_109 = tpu.memref_slice %arg12[%add3A_107, %dma_start3A_108] : memref<256x64xf32, #tpu.memory_space<vmem>> -> memref<1x64xf32, #tpu.memory_space<vmem>>
      %dma_start3A_110 = tpu.memref_squeeze %dma_start3A_109 : memref<1x64xf32, #tpu.memory_space<vmem>> -> memref<64xf32, #tpu.memory_space<vmem>>
      %dma_start3A_111 = arith.constant 0 : i32
      %dma_start3A_112 = tpu.memref_slice %arg5[%squeeze3A_103, %dma_start3A_111] : memref<1000000x64xf32, #tpu.memory_space<hbm>> -> memref<1x64xf32, #tpu.memory_space<hbm>>
      %dma_start3A_113 = tpu.memref_squeeze %dma_start3A_112 : memref<1x64xf32, #tpu.memory_space<hbm>> -> memref<64xf32, #tpu.memory_space<hbm>>
      %dma_start3A_114 = arith.constant 0 : i32
      %dma_start3A_115 = tpu.memref_slice %arg12[%add3A_107, %dma_start3A_114] : memref<256x64xf32, #tpu.memory_space<vmem>> -> memref<1x64xf32, #tpu.memory_space<vmem>>
      %dma_start3A_116 = tpu.memref_squeeze %dma_start3A_115 : memref<1x64xf32, #tpu.memory_space<vmem>> -> memref<64xf32, #tpu.memory_space<vmem>>
      %dma_start3A_117 = arith.constant 0 : i32
      %dma_start3A_118 = tpu.memref_slice %arg5[%squeeze3A_103, %dma_start3A_117] : memref<1000000x64xf32, #tpu.memory_space<hbm>> -> memref<1x64xf32, #tpu.memory_space<hbm>>
      %dma_start3A_119 = tpu.memref_squeeze %dma_start3A_118 : memref<1x64xf32, #tpu.memory_space<hbm>> -> memref<64xf32, #tpu.memory_space<hbm>>
      tpu.enqueue_dma source(%dma_start3A_119 : memref<64xf32, #tpu.memory_space<hbm>>) target(%dma_start3A_116 : memref<64xf32, #tpu.memory_space<vmem>>) target_semaphore(%arg15 : memref<!tpu.dma_semaphore, #tpu.memory_space<semaphore_mem>>)
      %slice3A_120 = vector.extract_strided_slice %get3A_68 {offsets = [3], sizes = [1], strides = [1]} : vector<16xi32> to vector<1xi32>
      %squeeze3A_121 = vector.extract %slice3A_120[0] : i32 from vector<1xi32>
      %mul3A_122 = arith.constant 16 : i32
      %mul3A_123 = arith.muli %scan3A_61, %mul3A_122 : i32
      %add3A_124 = arith.constant 3 : i32
      %add3A_125 = arith.addi %mul3A_123, %add3A_124 : i32
      %dma_start3A_126 = arith.constant 0 : i32
      %dma_start3A_127 = tpu.memref_slice %arg12[%add3A_125, %dma_start3A_126] : memref<256x64xf32, #tpu.memory_space<vmem>> -> memref<1x64xf32, #tpu.memory_space<vmem>>
      %dma_start3A_128 = tpu.memref_squeeze %dma_start3A_127 : memref<1x64xf32, #tpu.memory_space<vmem>> -> memref<64xf32, #tpu.memory_space<vmem>>
      %dma_start3A_129 = arith.constant 0 : i32
      %dma_start3A_130 = tpu.memref_slice %arg5[%squeeze3A_121, %dma_start3A_129] : memref<1000000x64xf32, #tpu.memory_space<hbm>> -> memref<1x64xf32, #tpu.memory_space<hbm>>
      %dma_start3A_131 = tpu.memref_squeeze %dma_start3A_130 : memref<1x64xf32, #tpu.memory_space<hbm>> -> memref<64xf32, #tpu.memory_space<hbm>>
      %dma_start3A_132 = arith.constant 0 : i32
      %dma_start3A_133 = tpu.memref_slice %arg12[%add3A_125, %dma_start3A_132] : memref<256x64xf32, #tpu.memory_space<vmem>> -> memref<1x64xf32, #tpu.memory_space<vmem>>
      %dma_start3A_134 = tpu.memref_squeeze %dma_start3A_133 : memref<1x64xf32, #tpu.memory_space<vmem>> -> memref<64xf32, #tpu.memory_space<vmem>>
      %dma_start3A_135 = arith.constant 0 : i32
      %dma_start3A_136 = tpu.memref_slice %arg5[%squeeze3A_121, %dma_start3A_135] : memref<1000000x64xf32, #tpu.memory_space<hbm>> -> memref<1x64xf32, #tpu.memory_space<hbm>>
      %dma_start3A_137 = tpu.memref_squeeze %dma_start3A_136 : memref<1x64xf32, #tpu.memory_space<hbm>> -> memref<64xf32, #tpu.memory_space<hbm>>
      tpu.enqueue_dma source(%dma_start3A_137 : memref<64xf32, #tpu.memory_space<hbm>>) target(%dma_start3A_134 : memref<64xf32, #tpu.memory_space<vmem>>) target_semaphore(%arg15 : memref<!tpu.dma_semaphore, #tpu.memory_space<semaphore_mem>>)
      %slice3A_138 = vector.extract_strided_slice %get3A_68 {offsets = [4], sizes = [1], strides = [1]} : vector<16xi32> to vector<1xi32>
      %squeeze3A_139 = vector.extract %slice3A_138[0] : i32 from vector<1xi32>
      %mul3A_140 = arith.constant 16 : i32
      %mul3A_141 = arith.muli %scan3A_61, %mul3A_140 : i32
      %add3A_142 = arith.constant 4 : i32
      %add3A_143 = arith.addi %mul3A_141, %add3A_142 : i32
      %dma_start3A_144 = arith.constant 0 : i32
      %dma_start3A_145 = tpu.memref_slice %arg12[%add3A_143, %dma_start3A_144] : memref<256x64xf32, #tpu.memory_space<vmem>> -> memref<1x64xf32, #tpu.memory_space<vmem>>
      %dma_start3A_146 = tpu.memref_squeeze %dma_start3A_145 : memref<1x64xf32, #tpu.memory_space<vmem>> -> memref<64xf32, #tpu.memory_space<vmem>>
      %dma_start3A_147 = arith.constant 0 : i32
      %dma_start3A_148 = tpu.memref_slice %arg5[%squeeze3A_139, %dma_start3A_147] : memref<1000000x64xf32, #tpu.memory_space<hbm>> -> memref<1x64xf32, #tpu.memory_space<hbm>>
      %dma_start3A_149 = tpu.memref_squeeze %dma_start3A_148 : memref<1x64xf32, #tpu.memory_space<hbm>> -> memref<64xf32, #tpu.memory_space<hbm>>
      %dma_start3A_150 = arith.constant 0 : i32
      %dma_start3A_151 = tpu.memref_slice %arg12[%add3A_143, %dma_start3A_150] : memref<256x64xf32, #tpu.memory_space<vmem>> -> memref<1x64xf32, #tpu.memory_space<vmem>>
      %dma_start3A_152 = tpu.memref_squeeze %dma_start3A_151 : memref<1x64xf32, #tpu.memory_space<vmem>> -> memref<64xf32, #tpu.memory_space<vmem>>
      %dma_start3A_153 = arith.constant 0 : i32
      %dma_start3A_154 = tpu.memref_slice %arg5[%squeeze3A_139, %dma_start3A_153] : memref<1000000x64xf32, #tpu.memory_space<hbm>> -> memref<1x64xf32, #tpu.memory_space<hbm>>
      %dma_start3A_155 = tpu.memref_squeeze %dma_start3A_154 : memref<1x64xf32, #tpu.memory_space<hbm>> -> memref<64xf32, #tpu.memory_space<hbm>>
      tpu.enqueue_dma source(%dma_start3A_155 : memref<64xf32, #tpu.memory_space<hbm>>) target(%dma_start3A_152 : memref<64xf32, #tpu.memory_space<vmem>>) target_semaphore(%arg15 : memref<!tpu.dma_semaphore, #tpu.memory_space<semaphore_mem>>)
      %slice3A_156 = vector.extract_strided_slice %get3A_68 {offsets = [5], sizes = [1], strides = [1]} : vector<16xi32> to vector<1xi32>
      %squeeze3A_157 = vector.extract %slice3A_156[0] : i32 from vector<1xi32>
      %mul3A_158 = arith.constant 16 : i32
      %mul3A_159 = arith.muli %scan3A_61, %mul3A_158 : i32
      %add3A_160 = arith.constant 5 : i32
      %add3A_161 = arith.addi %mul3A_159, %add3A_160 : i32
      %dma_start3A_162 = arith.constant 0 : i32
      %dma_start3A_163 = tpu.memref_slice %arg12[%add3A_161, %dma_start3A_162] : memref<256x64xf32, #tpu.memory_space<vmem>> -> memref<1x64xf32, #tpu.memory_space<vmem>>
      %dma_start3A_164 = tpu.memref_squeeze %dma_start3A_163 : memref<1x64xf32, #tpu.memory_space<vmem>> -> memref<64xf32, #tpu.memory_space<vmem>>
      %dma_start3A_165 = arith.constant 0 : i32
      %dma_start3A_166 = tpu.memref_slice %arg5[%squeeze3A_157, %dma_start3A_165] : memref<1000000x64xf32, #tpu.memory_space<hbm>> -> memref<1x64xf32, #tpu.memory_space<hbm>>
      %dma_start3A_167 = tpu.memref_squeeze %dma_start3A_166 : memref<1x64xf32, #tpu.memory_space<hbm>> -> memref<64xf32, #tpu.memory_space<hbm>>
      %dma_start3A_168 = arith.constant 0 : i32
      %dma_start3A_169 = tpu.memref_slice %arg12[%add3A_161, %dma_start3A_168] : memref<256x64xf32, #tpu.memory_space<vmem>> -> memref<1x64xf32, #tpu.memory_space<vmem>>
      %dma_start3A_170 = tpu.memref_squeeze %dma_start3A_169 : memref<1x64xf32, #tpu.memory_space<vmem>> -> memref<64xf32, #tpu.memory_space<vmem>>
      %dma_start3A_171 = arith.constant 0 : i32
      %dma_start3A_172 = tpu.memref_slice %arg5[%squeeze3A_157, %dma_start3A_171] : memref<1000000x64xf32, #tpu.memory_space<hbm>> -> memref<1x64xf32, #tpu.memory_space<hbm>>
      %dma_start3A_173 = tpu.memref_squeeze %dma_start3A_172 : memref<1x64xf32, #tpu.memory_space<hbm>> -> memref<64xf32, #tpu.memory_space<hbm>>
      tpu.enqueue_dma source(%dma_start3A_173 : memref<64xf32, #tpu.memory_space<hbm>>) target(%dma_start3A_170 : memref<64xf32, #tpu.memory_space<vmem>>) target_semaphore(%arg15 : memref<!tpu.dma_semaphore, #tpu.memory_space<semaphore_mem>>)
      %slice3A_174 = vector.extract_strided_slice %get3A_68 {offsets = [6], sizes = [1], strides = [1]} : vector<16xi32> to vector<1xi32>
      %squeeze3A_175 = vector.extract %slice3A_174[0] : i32 from vector<1xi32>
      %mul3A_176 = arith.constant 16 : i32
      %mul3A_177 = arith.muli %scan3A_61, %mul3A_176 : i32
      %add3A_178 = arith.constant 6 : i32
      %add3A_179 = arith.addi %mul3A_177, %add3A_178 : i32
      %dma_start3A_180 = arith.constant 0 : i32
      %dma_start3A_181 = tpu.memref_slice %arg12[%add3A_179, %dma_start3A_180] : memref<256x64xf32, #tpu.memory_space<vmem>> -> memref<1x64xf32, #tpu.memory_space<vmem>>
      %dma_start3A_182 = tpu.memref_squeeze %dma_start3A_181 : memref<1x64xf32, #tpu.memory_space<vmem>> -> memref<64xf32, #tpu.memory_space<vmem>>
      %dma_start3A_183 = arith.constant 0 : i32
      %dma_start3A_184 = tpu.memref_slice %arg5[%squeeze3A_175, %dma_start3A_183] : memref<1000000x64xf32, #tpu.memory_space<hbm>> -> memref<1x64xf32, #tpu.memory_space<hbm>>
      %dma_start3A_185 = tpu.memref_squeeze %dma_start3A_184 : memref<1x64xf32, #tpu.memory_space<hbm>> -> memref<64xf32, #tpu.memory_space<hbm>>
      %dma_start3A_186 = arith.constant 0 : i32
      %dma_start3A_187 = tpu.memref_slice %arg12[%add3A_179, %dma_start3A_186] : memref<256x64xf32, #tpu.memory_space<vmem>> -> memref<1x64xf32, #tpu.memory_space<vmem>>
      %dma_start3A_188 = tpu.memref_squeeze %dma_start3A_187 : memref<1x64xf32, #tpu.memory_space<vmem>> -> memref<64xf32, #tpu.memory_space<vmem>>
      %dma_start3A_189 = arith.constant 0 : i32
      %dma_start3A_190 = tpu.memref_slice %arg5[%squeeze3A_175, %dma_start3A_189] : memref<1000000x64xf32, #tpu.memory_space<hbm>> -> memref<1x64xf32, #tpu.memory_space<hbm>>
      %dma_start3A_191 = tpu.memref_squeeze %dma_start3A_190 : memref<1x64xf32, #tpu.memory_space<hbm>> -> memref<64xf32, #tpu.memory_space<hbm>>
      tpu.enqueue_dma source(%dma_start3A_191 : memref<64xf32, #tpu.memory_space<hbm>>) target(%dma_start3A_188 : memref<64xf32, #tpu.memory_space<vmem>>) target_semaphore(%arg15 : memref<!tpu.dma_semaphore, #tpu.memory_space<semaphore_mem>>)
      %slice3A_192 = vector.extract_strided_slice %get3A_68 {offsets = [7], sizes = [1], strides = [1]} : vector<16xi32> to vector<1xi32>
      %squeeze3A_193 = vector.extract %slice3A_192[0] : i32 from vector<1xi32>
      %mul3A_194 = arith.constant 16 : i32
      %mul3A_195 = arith.muli %scan3A_61, %mul3A_194 : i32
      %add3A_196 = arith.constant 7 : i32
      %add3A_197 = arith.addi %mul3A_195, %add3A_196 : i32
      %dma_start3A_198 = arith.constant 0 : i32
      %dma_start3A_199 = tpu.memref_slice %arg12[%add3A_197, %dma_start3A_198] : memref<256x64xf32, #tpu.memory_space<vmem>> -> memref<1x64xf32, #tpu.memory_space<vmem>>
      %dma_start3A_200 = tpu.memref_squeeze %dma_start3A_199 : memref<1x64xf32, #tpu.memory_space<vmem>> -> memref<64xf32, #tpu.memory_space<vmem>>
      %dma_start3A_201 = arith.constant 0 : i32
      %dma_start3A_202 = tpu.memref_slice %arg5[%squeeze3A_193, %dma_start3A_201] : memref<1000000x64xf32, #tpu.memory_space<hbm>> -> memref<1x64xf32, #tpu.memory_space<hbm>>
      %dma_start3A_203 = tpu.memref_squeeze %dma_start3A_202 : memref<1x64xf32, #tpu.memory_space<hbm>> -> memref<64xf32, #tpu.memory_space<hbm>>
      %dma_start3A_204 = arith.constant 0 : i32
      %dma_start3A_205 = tpu.memref_slice %arg12[%add3A_197, %dma_start3A_204] : memref<256x64xf32, #tpu.memory_space<vmem>> -> memref<1x64xf32, #tpu.memory_space<vmem>>
      %dma_start3A_206 = tpu.memref_squeeze %dma_start3A_205 : memref<1x64xf32, #tpu.memory_space<vmem>> -> memref<64xf32, #tpu.memory_space<vmem>>
      %dma_start3A_207 = arith.constant 0 : i32
      %dma_start3A_208 = tpu.memref_slice %arg5[%squeeze3A_193, %dma_start3A_207] : memref<1000000x64xf32, #tpu.memory_space<hbm>> -> memref<1x64xf32, #tpu.memory_space<hbm>>
      %dma_start3A_209 = tpu.memref_squeeze %dma_start3A_208 : memref<1x64xf32, #tpu.memory_space<hbm>> -> memref<64xf32, #tpu.memory_space<hbm>>
      tpu.enqueue_dma source(%dma_start3A_209 : memref<64xf32, #tpu.memory_space<hbm>>) target(%dma_start3A_206 : memref<64xf32, #tpu.memory_space<vmem>>) target_semaphore(%arg15 : memref<!tpu.dma_semaphore, #tpu.memory_space<semaphore_mem>>)
      %slice3A_210 = vector.extract_strided_slice %get3A_68 {offsets = [8], sizes = [1], strides = [1]} : vector<16xi32> to vector<1xi32>
      %squeeze3A_211 = vector.extract %slice3A_210[0] : i32 from vector<1xi32>
      %mul3A_212 = arith.constant 16 : i32
      %mul3A_213 = arith.muli %scan3A_61, %mul3A_212 : i32
      %add3A_214 = arith.constant 8 : i32
      %add3A_215 = arith.addi %mul3A_213, %add3A_214 : i32
      %dma_start3A_216 = arith.constant 0 : i32
      %dma_start3A_217 = tpu.memref_slice %arg12[%add3A_215, %dma_start3A_216] : memref<256x64xf32, #tpu.memory_space<vmem>> -> memref<1x64xf32, #tpu.memory_space<vmem>>
      %dma_start3A_218 = tpu.memref_squeeze %dma_start3A_217 : memref<1x64xf32, #tpu.memory_space<vmem>> -> memref<64xf32, #tpu.memory_space<vmem>>
      %dma_start3A_219 = arith.constant 0 : i32
      %dma_start3A_220 = tpu.memref_slice %arg5[%squeeze3A_211, %dma_start3A_219] : memref<1000000x64xf32, #tpu.memory_space<hbm>> -> memref<1x64xf32, #tpu.memory_space<hbm>>
      %dma_start3A_221 = tpu.memref_squeeze %dma_start3A_220 : memref<1x64xf32, #tpu.memory_space<hbm>> -> memref<64xf32, #tpu.memory_space<hbm>>
      %dma_start3A_222 = arith.constant 0 : i32
      %dma_start3A_223 = tpu.memref_slice %arg12[%add3A_215, %dma_start3A_222] : memref<256x64xf32, #tpu.memory_space<vmem>> -> memref<1x64xf32, #tpu.memory_space<vmem>>
      %dma_start3A_224 = tpu.memref_squeeze %dma_start3A_223 : memref<1x64xf32, #tpu.memory_space<vmem>> -> memref<64xf32, #tpu.memory_space<vmem>>
      %dma_start3A_225 = arith.constant 0 : i32
      %dma_start3A_226 = tpu.memref_slice %arg5[%squeeze3A_211, %dma_start3A_225] : memref<1000000x64xf32, #tpu.memory_space<hbm>> -> memref<1x64xf32, #tpu.memory_space<hbm>>
      %dma_start3A_227 = tpu.memref_squeeze %dma_start3A_226 : memref<1x64xf32, #tpu.memory_space<hbm>> -> memref<64xf32, #tpu.memory_space<hbm>>
      tpu.enqueue_dma source(%dma_start3A_227 : memref<64xf32, #tpu.memory_space<hbm>>) target(%dma_start3A_224 : memref<64xf32, #tpu.memory_space<vmem>>) target_semaphore(%arg15 : memref<!tpu.dma_semaphore, #tpu.memory_space<semaphore_mem>>)
      %slice3A_228 = vector.extract_strided_slice %get3A_68 {offsets = [9], sizes = [1], strides = [1]} : vector<16xi32> to vector<1xi32>
      %squeeze3A_229 = vector.extract %slice3A_228[0] : i32 from vector<1xi32>
      %mul3A_230 = arith.constant 16 : i32
      %mul3A_231 = arith.muli %scan3A_61, %mul3A_230 : i32
      %add3A_232 = arith.constant 9 : i32
      %add3A_233 = arith.addi %mul3A_231, %add3A_232 : i32
      %dma_start3A_234 = arith.constant 0 : i32
      %dma_start3A_235 = tpu.memref_slice %arg12[%add3A_233, %dma_start3A_234] : memref<256x64xf32, #tpu.memory_space<vmem>> -> memref<1x64xf32, #tpu.memory_space<vmem>>
      %dma_start3A_236 = tpu.memref_squeeze %dma_start3A_235 : memref<1x64xf32, #tpu.memory_space<vmem>> -> memref<64xf32, #tpu.memory_space<vmem>>
      %dma_start3A_237 = arith.constant 0 : i32
      %dma_start3A_238 = tpu.memref_slice %arg5[%squeeze3A_229, %dma_start3A_237] : memref<1000000x64xf32, #tpu.memory_space<hbm>> -> memref<1x64xf32, #tpu.memory_space<hbm>>
      %dma_start3A_239 = tpu.memref_squeeze %dma_start3A_238 : memref<1x64xf32, #tpu.memory_space<hbm>> -> memref<64xf32, #tpu.memory_space<hbm>>
      %dma_start3A_240 = arith.constant 0 : i32
      %dma_start3A_241 = tpu.memref_slice %arg12[%add3A_233, %dma_start3A_240] : memref<256x64xf32, #tpu.memory_space<vmem>> -> memref<1x64xf32, #tpu.memory_space<vmem>>
      %dma_start3A_242 = tpu.memref_squeeze %dma_start3A_241 : memref<1x64xf32, #tpu.memory_space<vmem>> -> memref<64xf32, #tpu.memory_space<vmem>>
      %dma_start3A_243 = arith.constant 0 : i32
      %dma_start3A_244 = tpu.memref_slice %arg5[%squeeze3A_229, %dma_start3A_243] : memref<1000000x64xf32, #tpu.memory_space<hbm>> -> memref<1x64xf32, #tpu.memory_space<hbm>>
      %dma_start3A_245 = tpu.memref_squeeze %dma_start3A_244 : memref<1x64xf32, #tpu.memory_space<hbm>> -> memref<64xf32, #tpu.memory_space<hbm>>
      tpu.enqueue_dma source(%dma_start3A_245 : memref<64xf32, #tpu.memory_space<hbm>>) target(%dma_start3A_242 : memref<64xf32, #tpu.memory_space<vmem>>) target_semaphore(%arg15 : memref<!tpu.dma_semaphore, #tpu.memory_space<semaphore_mem>>)
      %slice3A_246 = vector.extract_strided_slice %get3A_68 {offsets = [10], sizes = [1], strides = [1]} : vector<16xi32> to vector<1xi32>
      %squeeze3A_247 = vector.extract %slice3A_246[0] : i32 from vector<1xi32>
      %mul3A_248 = arith.constant 16 : i32
      %mul3A_249 = arith.muli %scan3A_61, %mul3A_248 : i32
      %add3A_250 = arith.constant 10 : i32
      %add3A_251 = arith.addi %mul3A_249, %add3A_250 : i32
      %dma_start3A_252 = arith.constant 0 : i32
      %dma_start3A_253 = tpu.memref_slice %arg12[%add3A_251, %dma_start3A_252] : memref<256x64xf32, #tpu.memory_space<vmem>> -> memref<1x64xf32, #tpu.memory_space<vmem>>
      %dma_start3A_254 = tpu.memref_squeeze %dma_start3A_253 : memref<1x64xf32, #tpu.memory_space<vmem>> -> memref<64xf32, #tpu.memory_space<vmem>>
      %dma_start3A_255 = arith.constant 0 : i32
      %dma_start3A_256 = tpu.memref_slice %arg5[%squeeze3A_247, %dma_start3A_255] : memref<1000000x64xf32, #tpu.memory_space<hbm>> -> memref<1x64xf32, #tpu.memory_space<hbm>>
      %dma_start3A_257 = tpu.memref_squeeze %dma_start3A_256 : memref<1x64xf32, #tpu.memory_space<hbm>> -> memref<64xf32, #tpu.memory_space<hbm>>
      %dma_start3A_258 = arith.constant 0 : i32
      %dma_start3A_259 = tpu.memref_slice %arg12[%add3A_251, %dma_start3A_258] : memref<256x64xf32, #tpu.memory_space<vmem>> -> memref<1x64xf32, #tpu.memory_space<vmem>>
      %dma_start3A_260 = tpu.memref_squeeze %dma_start3A_259 : memref<1x64xf32, #tpu.memory_space<vmem>> -> memref<64xf32, #tpu.memory_space<vmem>>
      %dma_start3A_261 = arith.constant 0 : i32
      %dma_start3A_262 = tpu.memref_slice %arg5[%squeeze3A_247, %dma_start3A_261] : memref<1000000x64xf32, #tpu.memory_space<hbm>> -> memref<1x64xf32, #tpu.memory_space<hbm>>
      %dma_start3A_263 = tpu.memref_squeeze %dma_start3A_262 : memref<1x64xf32, #tpu.memory_space<hbm>> -> memref<64xf32, #tpu.memory_space<hbm>>
      tpu.enqueue_dma source(%dma_start3A_263 : memref<64xf32, #tpu.memory_space<hbm>>) target(%dma_start3A_260 : memref<64xf32, #tpu.memory_space<vmem>>) target_semaphore(%arg15 : memref<!tpu.dma_semaphore, #tpu.memory_space<semaphore_mem>>)
      %slice3A_264 = vector.extract_strided_slice %get3A_68 {offsets = [11], sizes = [1], strides = [1]} : vector<16xi32> to vector<1xi32>
      %squeeze3A_265 = vector.extract %slice3A_264[0] : i32 from vector<1xi32>
      %mul3A_266 = arith.constant 16 : i32
      %mul3A_267 = arith.muli %scan3A_61, %mul3A_266 : i32
      %add3A_268 = arith.constant 11 : i32
      %add3A_269 = arith.addi %mul3A_267, %add3A_268 : i32
      %dma_start3A_270 = arith.constant 0 : i32
      %dma_start3A_271 = tpu.memref_slice %arg12[%add3A_269, %dma_start3A_270] : memref<256x64xf32, #tpu.memory_space<vmem>> -> memref<1x64xf32, #tpu.memory_space<vmem>>
      %dma_start3A_272 = tpu.memref_squeeze %dma_start3A_271 : memref<1x64xf32, #tpu.memory_space<vmem>> -> memref<64xf32, #tpu.memory_space<vmem>>
      %dma_start3A_273 = arith.constant 0 : i32
      %dma_start3A_274 = tpu.memref_slice %arg5[%squeeze3A_265, %dma_start3A_273] : memref<1000000x64xf32, #tpu.memory_space<hbm>> -> memref<1x64xf32, #tpu.memory_space<hbm>>
      %dma_start3A_275 = tpu.memref_squeeze %dma_start3A_274 : memref<1x64xf32, #tpu.memory_space<hbm>> -> memref<64xf32, #tpu.memory_space<hbm>>
      %dma_start3A_276 = arith.constant 0 : i32
      %dma_start3A_277 = tpu.memref_slice %arg12[%add3A_269, %dma_start3A_276] : memref<256x64xf32, #tpu.memory_space<vmem>> -> memref<1x64xf32, #tpu.memory_space<vmem>>
      %dma_start3A_278 = tpu.memref_squeeze %dma_start3A_277 : memref<1x64xf32, #tpu.memory_space<vmem>> -> memref<64xf32, #tpu.memory_space<vmem>>
      %dma_start3A_279 = arith.constant 0 : i32
      %dma_start3A_280 = tpu.memref_slice %arg5[%squeeze3A_265, %dma_start3A_279] : memref<1000000x64xf32, #tpu.memory_space<hbm>> -> memref<1x64xf32, #tpu.memory_space<hbm>>
      %dma_start3A_281 = tpu.memref_squeeze %dma_start3A_280 : memref<1x64xf32, #tpu.memory_space<hbm>> -> memref<64xf32, #tpu.memory_space<hbm>>
      tpu.enqueue_dma source(%dma_start3A_281 : memref<64xf32, #tpu.memory_space<hbm>>) target(%dma_start3A_278 : memref<64xf32, #tpu.memory_space<vmem>>) target_semaphore(%arg15 : memref<!tpu.dma_semaphore, #tpu.memory_space<semaphore_mem>>)
      %slice3A_282 = vector.extract_strided_slice %get3A_68 {offsets = [12], sizes = [1], strides = [1]} : vector<16xi32> to vector<1xi32>
      %squeeze3A_283 = vector.extract %slice3A_282[0] : i32 from vector<1xi32>
      %mul3A_284 = arith.constant 16 : i32
      %mul3A_285 = arith.muli %scan3A_61, %mul3A_284 : i32
      %add3A_286 = arith.constant 12 : i32
      %add3A_287 = arith.addi %mul3A_285, %add3A_286 : i32
      %dma_start3A_288 = arith.constant 0 : i32
      %dma_start3A_289 = tpu.memref_slice %arg12[%add3A_287, %dma_start3A_288] : memref<256x64xf32, #tpu.memory_space<vmem>> -> memref<1x64xf32, #tpu.memory_space<vmem>>
      %dma_start3A_290 = tpu.memref_squeeze %dma_start3A_289 : memref<1x64xf32, #tpu.memory_space<vmem>> -> memref<64xf32, #tpu.memory_space<vmem>>
      %dma_start3A_291 = arith.constant 0 : i32
      %dma_start3A_292 = tpu.memref_slice %arg5[%squeeze3A_283, %dma_start3A_291] : memref<1000000x64xf32, #tpu.memory_space<hbm>> -> memref<1x64xf32, #tpu.memory_space<hbm>>
      %dma_start3A_293 = tpu.memref_squeeze %dma_start3A_292 : memref<1x64xf32, #tpu.memory_space<hbm>> -> memref<64xf32, #tpu.memory_space<hbm>>
      %dma_start3A_294 = arith.constant 0 : i32
      %dma_start3A_295 = tpu.memref_slice %arg12[%add3A_287, %dma_start3A_294] : memref<256x64xf32, #tpu.memory_space<vmem>> -> memref<1x64xf32, #tpu.memory_space<vmem>>
      %dma_start3A_296 = tpu.memref_squeeze %dma_start3A_295 : memref<1x64xf32, #tpu.memory_space<vmem>> -> memref<64xf32, #tpu.memory_space<vmem>>
      %dma_start3A_297 = arith.constant 0 : i32
      %dma_start3A_298 = tpu.memref_slice %arg5[%squeeze3A_283, %dma_start3A_297] : memref<1000000x64xf32, #tpu.memory_space<hbm>> -> memref<1x64xf32, #tpu.memory_space<hbm>>
      %dma_start3A_299 = tpu.memref_squeeze %dma_start3A_298 : memref<1x64xf32, #tpu.memory_space<hbm>> -> memref<64xf32, #tpu.memory_space<hbm>>
      tpu.enqueue_dma source(%dma_start3A_299 : memref<64xf32, #tpu.memory_space<hbm>>) target(%dma_start3A_296 : memref<64xf32, #tpu.memory_space<vmem>>) target_semaphore(%arg15 : memref<!tpu.dma_semaphore, #tpu.memory_space<semaphore_mem>>)
      %slice3A_300 = vector.extract_strided_slice %get3A_68 {offsets = [13], sizes = [1], strides = [1]} : vector<16xi32> to vector<1xi32>
      %squeeze3A_301 = vector.extract %slice3A_300[0] : i32 from vector<1xi32>
      %mul3A_302 = arith.constant 16 : i32
      %mul3A_303 = arith.muli %scan3A_61, %mul3A_302 : i32
      %add3A_304 = arith.constant 13 : i32
      %add3A_305 = arith.addi %mul3A_303, %add3A_304 : i32
      %dma_start3A_306 = arith.constant 0 : i32
      %dma_start3A_307 = tpu.memref_slice %arg12[%add3A_305, %dma_start3A_306] : memref<256x64xf32, #tpu.memory_space<vmem>> -> memref<1x64xf32, #tpu.memory_space<vmem>>
      %dma_start3A_308 = tpu.memref_squeeze %dma_start3A_307 : memref<1x64xf32, #tpu.memory_space<vmem>> -> memref<64xf32, #tpu.memory_space<vmem>>
      %dma_start3A_309 = arith.constant 0 : i32
      %dma_start3A_310 = tpu.memref_slice %arg5[%squeeze3A_301, %dma_start3A_309] : memref<1000000x64xf32, #tpu.memory_space<hbm>> -> memref<1x64xf32, #tpu.memory_space<hbm>>
      %dma_start3A_311 = tpu.memref_squeeze %dma_start3A_310 : memref<1x64xf32, #tpu.memory_space<hbm>> -> memref<64xf32, #tpu.memory_space<hbm>>
      %dma_start3A_312 = arith.constant 0 : i32
      %dma_start3A_313 = tpu.memref_slice %arg12[%add3A_305, %dma_start3A_312] : memref<256x64xf32, #tpu.memory_space<vmem>> -> memref<1x64xf32, #tpu.memory_space<vmem>>
      %dma_start3A_314 = tpu.memref_squeeze %dma_start3A_313 : memref<1x64xf32, #tpu.memory_space<vmem>> -> memref<64xf32, #tpu.memory_space<vmem>>
      %dma_start3A_315 = arith.constant 0 : i32
      %dma_start3A_316 = tpu.memref_slice %arg5[%squeeze3A_301, %dma_start3A_315] : memref<1000000x64xf32, #tpu.memory_space<hbm>> -> memref<1x64xf32, #tpu.memory_space<hbm>>
      %dma_start3A_317 = tpu.memref_squeeze %dma_start3A_316 : memref<1x64xf32, #tpu.memory_space<hbm>> -> memref<64xf32, #tpu.memory_space<hbm>>
      tpu.enqueue_dma source(%dma_start3A_317 : memref<64xf32, #tpu.memory_space<hbm>>) target(%dma_start3A_314 : memref<64xf32, #tpu.memory_space<vmem>>) target_semaphore(%arg15 : memref<!tpu.dma_semaphore, #tpu.memory_space<semaphore_mem>>)
      %slice3A_318 = vector.extract_strided_slice %get3A_68 {offsets = [14], sizes = [1], strides = [1]} : vector<16xi32> to vector<1xi32>
      %squeeze3A_319 = vector.extract %slice3A_318[0] : i32 from vector<1xi32>
      %mul3A_320 = arith.constant 16 : i32
      %mul3A_321 = arith.muli %scan3A_61, %mul3A_320 : i32
      %add3A_322 = arith.constant 14 : i32
      %add3A_323 = arith.addi %mul3A_321, %add3A_322 : i32
      %dma_start3A_324 = arith.constant 0 : i32
      %dma_start3A_325 = tpu.memref_slice %arg12[%add3A_323, %dma_start3A_324] : memref<256x64xf32, #tpu.memory_space<vmem>> -> memref<1x64xf32, #tpu.memory_space<vmem>>
      %dma_start3A_326 = tpu.memref_squeeze %dma_start3A_325 : memref<1x64xf32, #tpu.memory_space<vmem>> -> memref<64xf32, #tpu.memory_space<vmem>>
      %dma_start3A_327 = arith.constant 0 : i32
      %dma_start3A_328 = tpu.memref_slice %arg5[%squeeze3A_319, %dma_start3A_327] : memref<1000000x64xf32, #tpu.memory_space<hbm>> -> memref<1x64xf32, #tpu.memory_space<hbm>>
      %dma_start3A_329 = tpu.memref_squeeze %dma_start3A_328 : memref<1x64xf32, #tpu.memory_space<hbm>> -> memref<64xf32, #tpu.memory_space<hbm>>
      %dma_start3A_330 = arith.constant 0 : i32
      %dma_start3A_331 = tpu.memref_slice %arg12[%add3A_323, %dma_start3A_330] : memref<256x64xf32, #tpu.memory_space<vmem>> -> memref<1x64xf32, #tpu.memory_space<vmem>>
      %dma_start3A_332 = tpu.memref_squeeze %dma_start3A_331 : memref<1x64xf32, #tpu.memory_space<vmem>> -> memref<64xf32, #tpu.memory_space<vmem>>
      %dma_start3A_333 = arith.constant 0 : i32
      %dma_start3A_334 = tpu.memref_slice %arg5[%squeeze3A_319, %dma_start3A_333] : memref<1000000x64xf32, #tpu.memory_space<hbm>> -> memref<1x64xf32, #tpu.memory_space<hbm>>
      %dma_start3A_335 = tpu.memref_squeeze %dma_start3A_334 : memref<1x64xf32, #tpu.memory_space<hbm>> -> memref<64xf32, #tpu.memory_space<hbm>>
      tpu.enqueue_dma source(%dma_start3A_335 : memref<64xf32, #tpu.memory_space<hbm>>) target(%dma_start3A_332 : memref<64xf32, #tpu.memory_space<vmem>>) target_semaphore(%arg15 : memref<!tpu.dma_semaphore, #tpu.memory_space<semaphore_mem>>)
      %slice3A_336 = vector.extract_strided_slice %get3A_68 {offsets = [15], sizes = [1], strides = [1]} : vector<16xi32> to vector<1xi32>
      %squeeze3A_337 = vector.extract %slice3A_336[0] : i32 from vector<1xi32>
      %mul3A_338 = arith.constant 16 : i32
      %mul3A_339 = arith.muli %scan3A_61, %mul3A_338 : i32
      %add3A_340 = arith.constant 15 : i32
      %add3A_341 = arith.addi %mul3A_339, %add3A_340 : i32
      %dma_start3A_342 = arith.constant 0 : i32
      %dma_start3A_343 = tpu.memref_slice %arg12[%add3A_341, %dma_start3A_342] : memref<256x64xf32, #tpu.memory_space<vmem>> -> memref<1x64xf32, #tpu.memory_space<vmem>>
      %dma_start3A_344 = tpu.memref_squeeze %dma_start3A_343 : memref<1x64xf32, #tpu.memory_space<vmem>> -> memref<64xf32, #tpu.memory_space<vmem>>
      %dma_start3A_345 = arith.constant 0 : i32
      %dma_start3A_346 = tpu.memref_slice %arg5[%squeeze3A_337, %dma_start3A_345] : memref<1000000x64xf32, #tpu.memory_space<hbm>> -> memref<1x64xf32, #tpu.memory_space<hbm>>
      %dma_start3A_347 = tpu.memref_squeeze %dma_start3A_346 : memref<1x64xf32, #tpu.memory_space<hbm>> -> memref<64xf32, #tpu.memory_space<hbm>>
      %dma_start3A_348 = arith.constant 0 : i32
      %dma_start3A_349 = tpu.memref_slice %arg12[%add3A_341, %dma_start3A_348] : memref<256x64xf32, #tpu.memory_space<vmem>> -> memref<1x64xf32, #tpu.memory_space<vmem>>
      %dma_start3A_350 = tpu.memref_squeeze %dma_start3A_349 : memref<1x64xf32, #tpu.memory_space<vmem>> -> memref<64xf32, #tpu.memory_space<vmem>>
      %dma_start3A_351 = arith.constant 0 : i32
      %dma_start3A_352 = tpu.memref_slice %arg5[%squeeze3A_337, %dma_start3A_351] : memref<1000000x64xf32, #tpu.memory_space<hbm>> -> memref<1x64xf32, #tpu.memory_space<hbm>>
      %dma_start3A_353 = tpu.memref_squeeze %dma_start3A_352 : memref<1x64xf32, #tpu.memory_space<hbm>> -> memref<64xf32, #tpu.memory_space<hbm>>
      tpu.enqueue_dma source(%dma_start3A_353 : memref<64xf32, #tpu.memory_space<hbm>>) target(%dma_start3A_350 : memref<64xf32, #tpu.memory_space<vmem>>) target_semaphore(%arg15 : memref<!tpu.dma_semaphore, #tpu.memory_space<semaphore_mem>>)
      %scan3A_354 = arith.constant 0 : i32
      scf.yield %scan3A_354 : i32
    }
    %scan3A_22 = arith.constant 16 : i32
    %dma_wait3A = arith.constant 0 : i32
    %dma_wait3A_23 = arith.constant 0 : i32
    %dma_wait3A_24 = tpu.memref_slice %arg4[%dma_wait3A, %dma_wait3A_23] : memref<1000000x64xf32, #tpu.memory_space<hbm>> -> memref<256x64xf32, #tpu.memory_space<hbm>>
    %dma_wait3A_25 = arith.constant 0 : i32
    %dma_wait3A_26 = arith.constant 0 : i32
    %dma_wait3A_27 = tpu.memref_slice %arg4[%dma_wait3A_25, %dma_wait3A_26] : memref<1000000x64xf32, #tpu.memory_space<hbm>> -> memref<256x64xf32, #tpu.memory_space<hbm>>
    tpu.wait_dma2 semaphore(%arg13 : memref<!tpu.dma_semaphore, #tpu.memory_space<semaphore_mem>>) src(%dma_wait3A_27 : memref<256x64xf32, #tpu.memory_space<hbm>>) dst(%arg10 : memref<256x64xf32, #tpu.memory_space<vmem>>)
    %add3A_28 = arith.constant 0 : i32
    %add3A_29 = arith.addi %mul3A_2, %add3A_28 : i32
    "tpu.region"() ({
      %run_scoped3A = tpu.sem_alloc : memref<!tpu.dma_semaphore, #tpu.memory_space<semaphore_mem>>
      %dma_start3A = arith.constant 0 : i32
      %dma_start3A_61 = tpu.memref_slice %arg6[%add3A_29, %dma_start3A] : memref<16384x64xf32, #tpu.memory_space<hbm>> -> memref<256x64xf32, #tpu.memory_space<hbm>>
      %dma_start3A_62 = arith.constant 0 : i32
      %dma_start3A_63 = tpu.memref_slice %arg6[%add3A_29, %dma_start3A_62] : memref<16384x64xf32, #tpu.memory_space<hbm>> -> memref<256x64xf32, #tpu.memory_space<hbm>>
      tpu.enqueue_dma source(%arg10 : memref<256x64xf32, #tpu.memory_space<vmem>>) target(%dma_start3A_63 : memref<256x64xf32, #tpu.memory_space<hbm>>) target_semaphore(%run_scoped3A : memref<!tpu.dma_semaphore, #tpu.memory_space<semaphore_mem>>)
      %dma_wait3A_64 = arith.constant 0 : i32
      %dma_wait3A_65 = tpu.memref_slice %arg6[%add3A_29, %dma_wait3A_64] : memref<16384x64xf32, #tpu.memory_space<hbm>> -> memref<256x64xf32, #tpu.memory_space<hbm>>
      %dma_wait3A_66 = arith.constant 0 : i32
      %dma_wait3A_67 = tpu.memref_slice %arg6[%add3A_29, %dma_wait3A_66] : memref<16384x64xf32, #tpu.memory_space<hbm>> -> memref<256x64xf32, #tpu.memory_space<hbm>>
      tpu.wait_dma2 semaphore(%run_scoped3A : memref<!tpu.dma_semaphore, #tpu.memory_space<semaphore_mem>>) src(%arg10 : memref<256x64xf32, #tpu.memory_space<vmem>>) dst(%dma_wait3A_67 : memref<256x64xf32, #tpu.memory_space<hbm>>)
      tpu.yield
    }) : () -> ()
    %scan3A_30 = arith.constant 0 : i32
    %scan3A_31 = arith.constant 0 : i32
    %scan3A_32 = arith.constant 16 : i32
    %scan3A_33 = arith.addi %scan3A_31, %scan3A_32 : i32
    %scan3A_34 = arith.constant 1 : i32
    %scan3A_35 = scf.for %scan3A_61 = %scan3A_31 to %scan3A_33 step %scan3A_34 iter_args(%scan3A_62 = %scan3A_30) -> (i32)  : i32 {
      %mul3A_63 = arith.constant 16 : i32
      %mul3A_64 = arith.muli %scan3A_61, %mul3A_63 : i32
      %add3A_65 = arith.constant 256 : i32
      %add3A_66 = arith.addi %add3A_65, %mul3A_64 : i32
      %get3A = arith.index_cast %add3A_66 : i32 to index
      %get3A_67 = tpu.vector_load %arg9[%get3A] {strides = array<i32>} : memref<512xi32, #tpu.memory_space<vmem>>, vector<16xi32>,
      %get3A_68 = vector.shape_cast %get3A_67 : vector<16xi32> to vector<16xi32>
      %slice3A = vector.extract_strided_slice %get3A_68 {offsets = [0], sizes = [1], strides = [1]} : vector<16xi32> to vector<1xi32>
      %squeeze3A = vector.extract %slice3A[0] : i32 from vector<1xi32>
      %mul3A_69 = arith.constant 16 : i32
      %mul3A_70 = arith.muli %scan3A_61, %mul3A_69 : i32
      %add3A_71 = arith.constant 0 : i32
      %add3A_72 = arith.addi %mul3A_70, %add3A_71 : i32
      %dma_start3A = arith.constant 0 : i32
      %dma_start3A_73 = tpu.memref_slice %arg10[%add3A_72, %dma_start3A] : memref<256x64xf32, #tpu.memory_space<vmem>> -> memref<1x64xf32, #tpu.memory_space<vmem>>
      %dma_start3A_74 = tpu.memref_squeeze %dma_start3A_73 : memref<1x64xf32, #tpu.memory_space<vmem>> -> memref<64xf32, #tpu.memory_space<vmem>>
      %dma_start3A_75 = arith.constant 0 : i32
      %dma_start3A_76 = tpu.memref_slice %arg5[%squeeze3A, %dma_start3A_75] : memref<1000000x64xf32, #tpu.memory_space<hbm>> -> memref<1x64xf32, #tpu.memory_space<hbm>>
      %dma_start3A_77 = tpu.memref_squeeze %dma_start3A_76 : memref<1x64xf32, #tpu.memory_space<hbm>> -> memref<64xf32, #tpu.memory_space<hbm>>
      %dma_start3A_78 = arith.constant 0 : i32
      %dma_start3A_79 = tpu.memref_slice %arg10[%add3A_72, %dma_start3A_78] : memref<256x64xf32, #tpu.memory_space<vmem>> -> memref<1x64xf32, #tpu.memory_space<vmem>>
      %dma_start3A_80 = tpu.memref_squeeze %dma_start3A_79 : memref<1x64xf32, #tpu.memory_space<vmem>> -> memref<64xf32, #tpu.memory_space<vmem>>
      %dma_start3A_81 = arith.constant 0 : i32
      %dma_start3A_82 = tpu.memref_slice %arg5[%squeeze3A, %dma_start3A_81] : memref<1000000x64xf32, #tpu.memory_space<hbm>> -> memref<1x64xf32, #tpu.memory_space<hbm>>
      %dma_start3A_83 = tpu.memref_squeeze %dma_start3A_82 : memref<1x64xf32, #tpu.memory_space<hbm>> -> memref<64xf32, #tpu.memory_space<hbm>>
      tpu.enqueue_dma source(%dma_start3A_83 : memref<64xf32, #tpu.memory_space<hbm>>) target(%dma_start3A_80 : memref<64xf32, #tpu.memory_space<vmem>>) target_semaphore(%arg13 : memref<!tpu.dma_semaphore, #tpu.memory_space<semaphore_mem>>)
      %slice3A_84 = vector.extract_strided_slice %get3A_68 {offsets = [1], sizes = [1], strides = [1]} : vector<16xi32> to vector<1xi32>
      %squeeze3A_85 = vector.extract %slice3A_84[0] : i32 from vector<1xi32>
      %mul3A_86 = arith.constant 16 : i32
      %mul3A_87 = arith.muli %scan3A_61, %mul3A_86 : i32
      %add3A_88 = arith.constant 1 : i32
      %add3A_89 = arith.addi %mul3A_87, %add3A_88 : i32
      %dma_start3A_90 = arith.constant 0 : i32
      %dma_start3A_91 = tpu.memref_slice %arg10[%add3A_89, %dma_start3A_90] : memref<256x64xf32, #tpu.memory_space<vmem>> -> memref<1x64xf32, #tpu.memory_space<vmem>>
      %dma_start3A_92 = tpu.memref_squeeze %dma_start3A_91 : memref<1x64xf32, #tpu.memory_space<vmem>> -> memref<64xf32, #tpu.memory_space<vmem>>
      %dma_start3A_93 = arith.constant 0 : i32
      %dma_start3A_94 = tpu.memref_slice %arg5[%squeeze3A_85, %dma_start3A_93] : memref<1000000x64xf32, #tpu.memory_space<hbm>> -> memref<1x64xf32, #tpu.memory_space<hbm>>
      %dma_start3A_95 = tpu.memref_squeeze %dma_start3A_94 : memref<1x64xf32, #tpu.memory_space<hbm>> -> memref<64xf32, #tpu.memory_space<hbm>>
      %dma_start3A_96 = arith.constant 0 : i32
      %dma_start3A_97 = tpu.memref_slice %arg10[%add3A_89, %dma_start3A_96] : memref<256x64xf32, #tpu.memory_space<vmem>> -> memref<1x64xf32, #tpu.memory_space<vmem>>
      %dma_start3A_98 = tpu.memref_squeeze %dma_start3A_97 : memref<1x64xf32, #tpu.memory_space<vmem>> -> memref<64xf32, #tpu.memory_space<vmem>>
      %dma_start3A_99 = arith.constant 0 : i32
      %dma_start3A_100 = tpu.memref_slice %arg5[%squeeze3A_85, %dma_start3A_99] : memref<1000000x64xf32, #tpu.memory_space<hbm>> -> memref<1x64xf32, #tpu.memory_space<hbm>>
      %dma_start3A_101 = tpu.memref_squeeze %dma_start3A_100 : memref<1x64xf32, #tpu.memory_space<hbm>> -> memref<64xf32, #tpu.memory_space<hbm>>
      tpu.enqueue_dma source(%dma_start3A_101 : memref<64xf32, #tpu.memory_space<hbm>>) target(%dma_start3A_98 : memref<64xf32, #tpu.memory_space<vmem>>) target_semaphore(%arg13 : memref<!tpu.dma_semaphore, #tpu.memory_space<semaphore_mem>>)
      %slice3A_102 = vector.extract_strided_slice %get3A_68 {offsets = [2], sizes = [1], strides = [1]} : vector<16xi32> to vector<1xi32>
      %squeeze3A_103 = vector.extract %slice3A_102[0] : i32 from vector<1xi32>
      %mul3A_104 = arith.constant 16 : i32
      %mul3A_105 = arith.muli %scan3A_61, %mul3A_104 : i32
      %add3A_106 = arith.constant 2 : i32
      %add3A_107 = arith.addi %mul3A_105, %add3A_106 : i32
      %dma_start3A_108 = arith.constant 0 : i32
      %dma_start3A_109 = tpu.memref_slice %arg10[%add3A_107, %dma_start3A_108] : memref<256x64xf32, #tpu.memory_space<vmem>> -> memref<1x64xf32, #tpu.memory_space<vmem>>
      %dma_start3A_110 = tpu.memref_squeeze %dma_start3A_109 : memref<1x64xf32, #tpu.memory_space<vmem>> -> memref<64xf32, #tpu.memory_space<vmem>>
      %dma_start3A_111 = arith.constant 0 : i32
      %dma_start3A_112 = tpu.memref_slice %arg5[%squeeze3A_103, %dma_start3A_111] : memref<1000000x64xf32, #tpu.memory_space<hbm>> -> memref<1x64xf32, #tpu.memory_space<hbm>>
      %dma_start3A_113 = tpu.memref_squeeze %dma_start3A_112 : memref<1x64xf32, #tpu.memory_space<hbm>> -> memref<64xf32, #tpu.memory_space<hbm>>
      %dma_start3A_114 = arith.constant 0 : i32
      %dma_start3A_115 = tpu.memref_slice %arg10[%add3A_107, %dma_start3A_114] : memref<256x64xf32, #tpu.memory_space<vmem>> -> memref<1x64xf32, #tpu.memory_space<vmem>>
      %dma_start3A_116 = tpu.memref_squeeze %dma_start3A_115 : memref<1x64xf32, #tpu.memory_space<vmem>> -> memref<64xf32, #tpu.memory_space<vmem>>
      %dma_start3A_117 = arith.constant 0 : i32
      %dma_start3A_118 = tpu.memref_slice %arg5[%squeeze3A_103, %dma_start3A_117] : memref<1000000x64xf32, #tpu.memory_space<hbm>> -> memref<1x64xf32, #tpu.memory_space<hbm>>
      %dma_start3A_119 = tpu.memref_squeeze %dma_start3A_118 : memref<1x64xf32, #tpu.memory_space<hbm>> -> memref<64xf32, #tpu.memory_space<hbm>>
      tpu.enqueue_dma source(%dma_start3A_119 : memref<64xf32, #tpu.memory_space<hbm>>) target(%dma_start3A_116 : memref<64xf32, #tpu.memory_space<vmem>>) target_semaphore(%arg13 : memref<!tpu.dma_semaphore, #tpu.memory_space<semaphore_mem>>)
      %slice3A_120 = vector.extract_strided_slice %get3A_68 {offsets = [3], sizes = [1], strides = [1]} : vector<16xi32> to vector<1xi32>
      %squeeze3A_121 = vector.extract %slice3A_120[0] : i32 from vector<1xi32>
      %mul3A_122 = arith.constant 16 : i32
      %mul3A_123 = arith.muli %scan3A_61, %mul3A_122 : i32
      %add3A_124 = arith.constant 3 : i32
      %add3A_125 = arith.addi %mul3A_123, %add3A_124 : i32
      %dma_start3A_126 = arith.constant 0 : i32
      %dma_start3A_127 = tpu.memref_slice %arg10[%add3A_125, %dma_start3A_126] : memref<256x64xf32, #tpu.memory_space<vmem>> -> memref<1x64xf32, #tpu.memory_space<vmem>>
      %dma_start3A_128 = tpu.memref_squeeze %dma_start3A_127 : memref<1x64xf32, #tpu.memory_space<vmem>> -> memref<64xf32, #tpu.memory_space<vmem>>
      %dma_start3A_129 = arith.constant 0 : i32
      %dma_start3A_130 = tpu.memref_slice %arg5[%squeeze3A_121, %dma_start3A_129] : memref<1000000x64xf32, #tpu.memory_space<hbm>> -> memref<1x64xf32, #tpu.memory_space<hbm>>
      %dma_start3A_131 = tpu.memref_squeeze %dma_start3A_130 : memref<1x64xf32, #tpu.memory_space<hbm>> -> memref<64xf32, #tpu.memory_space<hbm>>
      %dma_start3A_132 = arith.constant 0 : i32
      %dma_start3A_133 = tpu.memref_slice %arg10[%add3A_125, %dma_start3A_132] : memref<256x64xf32, #tpu.memory_space<vmem>> -> memref<1x64xf32, #tpu.memory_space<vmem>>
      %dma_start3A_134 = tpu.memref_squeeze %dma_start3A_133 : memref<1x64xf32, #tpu.memory_space<vmem>> -> memref<64xf32, #tpu.memory_space<vmem>>
      %dma_start3A_135 = arith.constant 0 : i32
      %dma_start3A_136 = tpu.memref_slice %arg5[%squeeze3A_121, %dma_start3A_135] : memref<1000000x64xf32, #tpu.memory_space<hbm>> -> memref<1x64xf32, #tpu.memory_space<hbm>>
      %dma_start3A_137 = tpu.memref_squeeze %dma_start3A_136 : memref<1x64xf32, #tpu.memory_space<hbm>> -> memref<64xf32, #tpu.memory_space<hbm>>
      tpu.enqueue_dma source(%dma_start3A_137 : memref<64xf32, #tpu.memory_space<hbm>>) target(%dma_start3A_134 : memref<64xf32, #tpu.memory_space<vmem>>) target_semaphore(%arg13 : memref<!tpu.dma_semaphore, #tpu.memory_space<semaphore_mem>>)
      %slice3A_138 = vector.extract_strided_slice %get3A_68 {offsets = [4], sizes = [1], strides = [1]} : vector<16xi32> to vector<1xi32>
      %squeeze3A_139 = vector.extract %slice3A_138[0] : i32 from vector<1xi32>
      %mul3A_140 = arith.constant 16 : i32
      %mul3A_141 = arith.muli %scan3A_61, %mul3A_140 : i32
      %add3A_142 = arith.constant 4 : i32
      %add3A_143 = arith.addi %mul3A_141, %add3A_142 : i32
      %dma_start3A_144 = arith.constant 0 : i32
      %dma_start3A_145 = tpu.memref_slice %arg10[%add3A_143, %dma_start3A_144] : memref<256x64xf32, #tpu.memory_space<vmem>> -> memref<1x64xf32, #tpu.memory_space<vmem>>
      %dma_start3A_146 = tpu.memref_squeeze %dma_start3A_145 : memref<1x64xf32, #tpu.memory_space<vmem>> -> memref<64xf32, #tpu.memory_space<vmem>>
      %dma_start3A_147 = arith.constant 0 : i32
      %dma_start3A_148 = tpu.memref_slice %arg5[%squeeze3A_139, %dma_start3A_147] : memref<1000000x64xf32, #tpu.memory_space<hbm>> -> memref<1x64xf32, #tpu.memory_space<hbm>>
      %dma_start3A_149 = tpu.memref_squeeze %dma_start3A_148 : memref<1x64xf32, #tpu.memory_space<hbm>> -> memref<64xf32, #tpu.memory_space<hbm>>
      %dma_start3A_150 = arith.constant 0 : i32
      %dma_start3A_151 = tpu.memref_slice %arg10[%add3A_143, %dma_start3A_150] : memref<256x64xf32, #tpu.memory_space<vmem>> -> memref<1x64xf32, #tpu.memory_space<vmem>>
      %dma_start3A_152 = tpu.memref_squeeze %dma_start3A_151 : memref<1x64xf32, #tpu.memory_space<vmem>> -> memref<64xf32, #tpu.memory_space<vmem>>
      %dma_start3A_153 = arith.constant 0 : i32
      %dma_start3A_154 = tpu.memref_slice %arg5[%squeeze3A_139, %dma_start3A_153] : memref<1000000x64xf32, #tpu.memory_space<hbm>> -> memref<1x64xf32, #tpu.memory_space<hbm>>
      %dma_start3A_155 = tpu.memref_squeeze %dma_start3A_154 : memref<1x64xf32, #tpu.memory_space<hbm>> -> memref<64xf32, #tpu.memory_space<hbm>>
      tpu.enqueue_dma source(%dma_start3A_155 : memref<64xf32, #tpu.memory_space<hbm>>) target(%dma_start3A_152 : memref<64xf32, #tpu.memory_space<vmem>>) target_semaphore(%arg13 : memref<!tpu.dma_semaphore, #tpu.memory_space<semaphore_mem>>)
      %slice3A_156 = vector.extract_strided_slice %get3A_68 {offsets = [5], sizes = [1], strides = [1]} : vector<16xi32> to vector<1xi32>
      %squeeze3A_157 = vector.extract %slice3A_156[0] : i32 from vector<1xi32>
      %mul3A_158 = arith.constant 16 : i32
      %mul3A_159 = arith.muli %scan3A_61, %mul3A_158 : i32
      %add3A_160 = arith.constant 5 : i32
      %add3A_161 = arith.addi %mul3A_159, %add3A_160 : i32
      %dma_start3A_162 = arith.constant 0 : i32
      %dma_start3A_163 = tpu.memref_slice %arg10[%add3A_161, %dma_start3A_162] : memref<256x64xf32, #tpu.memory_space<vmem>> -> memref<1x64xf32, #tpu.memory_space<vmem>>
      %dma_start3A_164 = tpu.memref_squeeze %dma_start3A_163 : memref<1x64xf32, #tpu.memory_space<vmem>> -> memref<64xf32, #tpu.memory_space<vmem>>
      %dma_start3A_165 = arith.constant 0 : i32
      %dma_start3A_166 = tpu.memref_slice %arg5[%squeeze3A_157, %dma_start3A_165] : memref<1000000x64xf32, #tpu.memory_space<hbm>> -> memref<1x64xf32, #tpu.memory_space<hbm>>
      %dma_start3A_167 = tpu.memref_squeeze %dma_start3A_166 : memref<1x64xf32, #tpu.memory_space<hbm>> -> memref<64xf32, #tpu.memory_space<hbm>>
      %dma_start3A_168 = arith.constant 0 : i32
      %dma_start3A_169 = tpu.memref_slice %arg10[%add3A_161, %dma_start3A_168] : memref<256x64xf32, #tpu.memory_space<vmem>> -> memref<1x64xf32, #tpu.memory_space<vmem>>
      %dma_start3A_170 = tpu.memref_squeeze %dma_start3A_169 : memref<1x64xf32, #tpu.memory_space<vmem>> -> memref<64xf32, #tpu.memory_space<vmem>>
      %dma_start3A_171 = arith.constant 0 : i32
      %dma_start3A_172 = tpu.memref_slice %arg5[%squeeze3A_157, %dma_start3A_171] : memref<1000000x64xf32, #tpu.memory_space<hbm>> -> memref<1x64xf32, #tpu.memory_space<hbm>>
      %dma_start3A_173 = tpu.memref_squeeze %dma_start3A_172 : memref<1x64xf32, #tpu.memory_space<hbm>> -> memref<64xf32, #tpu.memory_space<hbm>>
      tpu.enqueue_dma source(%dma_start3A_173 : memref<64xf32, #tpu.memory_space<hbm>>) target(%dma_start3A_170 : memref<64xf32, #tpu.memory_space<vmem>>) target_semaphore(%arg13 : memref<!tpu.dma_semaphore, #tpu.memory_space<semaphore_mem>>)
      %slice3A_174 = vector.extract_strided_slice %get3A_68 {offsets = [6], sizes = [1], strides = [1]} : vector<16xi32> to vector<1xi32>
      %squeeze3A_175 = vector.extract %slice3A_174[0] : i32 from vector<1xi32>
      %mul3A_176 = arith.constant 16 : i32
      %mul3A_177 = arith.muli %scan3A_61, %mul3A_176 : i32
      %add3A_178 = arith.constant 6 : i32
      %add3A_179 = arith.addi %mul3A_177, %add3A_178 : i32
      %dma_start3A_180 = arith.constant 0 : i32
      %dma_start3A_181 = tpu.memref_slice %arg10[%add3A_179, %dma_start3A_180] : memref<256x64xf32, #tpu.memory_space<vmem>> -> memref<1x64xf32, #tpu.memory_space<vmem>>
      %dma_start3A_182 = tpu.memref_squeeze %dma_start3A_181 : memref<1x64xf32, #tpu.memory_space<vmem>> -> memref<64xf32, #tpu.memory_space<vmem>>
      %dma_start3A_183 = arith.constant 0 : i32
      %dma_start3A_184 = tpu.memref_slice %arg5[%squeeze3A_175, %dma_start3A_183] : memref<1000000x64xf32, #tpu.memory_space<hbm>> -> memref<1x64xf32, #tpu.memory_space<hbm>>
      %dma_start3A_185 = tpu.memref_squeeze %dma_start3A_184 : memref<1x64xf32, #tpu.memory_space<hbm>> -> memref<64xf32, #tpu.memory_space<hbm>>
      %dma_start3A_186 = arith.constant 0 : i32
      %dma_start3A_187 = tpu.memref_slice %arg10[%add3A_179, %dma_start3A_186] : memref<256x64xf32, #tpu.memory_space<vmem>> -> memref<1x64xf32, #tpu.memory_space<vmem>>
      %dma_start3A_188 = tpu.memref_squeeze %dma_start3A_187 : memref<1x64xf32, #tpu.memory_space<vmem>> -> memref<64xf32, #tpu.memory_space<vmem>>
      %dma_start3A_189 = arith.constant 0 : i32
      %dma_start3A_190 = tpu.memref_slice %arg5[%squeeze3A_175, %dma_start3A_189] : memref<1000000x64xf32, #tpu.memory_space<hbm>> -> memref<1x64xf32, #tpu.memory_space<hbm>>
      %dma_start3A_191 = tpu.memref_squeeze %dma_start3A_190 : memref<1x64xf32, #tpu.memory_space<hbm>> -> memref<64xf32, #tpu.memory_space<hbm>>
      tpu.enqueue_dma source(%dma_start3A_191 : memref<64xf32, #tpu.memory_space<hbm>>) target(%dma_start3A_188 : memref<64xf32, #tpu.memory_space<vmem>>) target_semaphore(%arg13 : memref<!tpu.dma_semaphore, #tpu.memory_space<semaphore_mem>>)
      %slice3A_192 = vector.extract_strided_slice %get3A_68 {offsets = [7], sizes = [1], strides = [1]} : vector<16xi32> to vector<1xi32>
      %squeeze3A_193 = vector.extract %slice3A_192[0] : i32 from vector<1xi32>
      %mul3A_194 = arith.constant 16 : i32
      %mul3A_195 = arith.muli %scan3A_61, %mul3A_194 : i32
      %add3A_196 = arith.constant 7 : i32
      %add3A_197 = arith.addi %mul3A_195, %add3A_196 : i32
      %dma_start3A_198 = arith.constant 0 : i32
      %dma_start3A_199 = tpu.memref_slice %arg10[%add3A_197, %dma_start3A_198] : memref<256x64xf32, #tpu.memory_space<vmem>> -> memref<1x64xf32, #tpu.memory_space<vmem>>
      %dma_start3A_200 = tpu.memref_squeeze %dma_start3A_199 : memref<1x64xf32, #tpu.memory_space<vmem>> -> memref<64xf32, #tpu.memory_space<vmem>>
      %dma_start3A_201 = arith.constant 0 : i32
      %dma_start3A_202 = tpu.memref_slice %arg5[%squeeze3A_193, %dma_start3A_201] : memref<1000000x64xf32, #tpu.memory_space<hbm>> -> memref<1x64xf32, #tpu.memory_space<hbm>>
      %dma_start3A_203 = tpu.memref_squeeze %dma_start3A_202 : memref<1x64xf32, #tpu.memory_space<hbm>> -> memref<64xf32, #tpu.memory_space<hbm>>
      %dma_start3A_204 = arith.constant 0 : i32
      %dma_start3A_205 = tpu.memref_slice %arg10[%add3A_197, %dma_start3A_204] : memref<256x64xf32, #tpu.memory_space<vmem>> -> memref<1x64xf32, #tpu.memory_space<vmem>>
      %dma_start3A_206 = tpu.memref_squeeze %dma_start3A_205 : memref<1x64xf32, #tpu.memory_space<vmem>> -> memref<64xf32, #tpu.memory_space<vmem>>
      %dma_start3A_207 = arith.constant 0 : i32
      %dma_start3A_208 = tpu.memref_slice %arg5[%squeeze3A_193, %dma_start3A_207] : memref<1000000x64xf32, #tpu.memory_space<hbm>> -> memref<1x64xf32, #tpu.memory_space<hbm>>
      %dma_start3A_209 = tpu.memref_squeeze %dma_start3A_208 : memref<1x64xf32, #tpu.memory_space<hbm>> -> memref<64xf32, #tpu.memory_space<hbm>>
      tpu.enqueue_dma source(%dma_start3A_209 : memref<64xf32, #tpu.memory_space<hbm>>) target(%dma_start3A_206 : memref<64xf32, #tpu.memory_space<vmem>>) target_semaphore(%arg13 : memref<!tpu.dma_semaphore, #tpu.memory_space<semaphore_mem>>)
      %slice3A_210 = vector.extract_strided_slice %get3A_68 {offsets = [8], sizes = [1], strides = [1]} : vector<16xi32> to vector<1xi32>
      %squeeze3A_211 = vector.extract %slice3A_210[0] : i32 from vector<1xi32>
      %mul3A_212 = arith.constant 16 : i32
      %mul3A_213 = arith.muli %scan3A_61, %mul3A_212 : i32
      %add3A_214 = arith.constant 8 : i32
      %add3A_215 = arith.addi %mul3A_213, %add3A_214 : i32
      %dma_start3A_216 = arith.constant 0 : i32
      %dma_start3A_217 = tpu.memref_slice %arg10[%add3A_215, %dma_start3A_216] : memref<256x64xf32, #tpu.memory_space<vmem>> -> memref<1x64xf32, #tpu.memory_space<vmem>>
      %dma_start3A_218 = tpu.memref_squeeze %dma_start3A_217 : memref<1x64xf32, #tpu.memory_space<vmem>> -> memref<64xf32, #tpu.memory_space<vmem>>
      %dma_start3A_219 = arith.constant 0 : i32
      %dma_start3A_220 = tpu.memref_slice %arg5[%squeeze3A_211, %dma_start3A_219] : memref<1000000x64xf32, #tpu.memory_space<hbm>> -> memref<1x64xf32, #tpu.memory_space<hbm>>
      %dma_start3A_221 = tpu.memref_squeeze %dma_start3A_220 : memref<1x64xf32, #tpu.memory_space<hbm>> -> memref<64xf32, #tpu.memory_space<hbm>>
      %dma_start3A_222 = arith.constant 0 : i32
      %dma_start3A_223 = tpu.memref_slice %arg10[%add3A_215, %dma_start3A_222] : memref<256x64xf32, #tpu.memory_space<vmem>> -> memref<1x64xf32, #tpu.memory_space<vmem>>
      %dma_start3A_224 = tpu.memref_squeeze %dma_start3A_223 : memref<1x64xf32, #tpu.memory_space<vmem>> -> memref<64xf32, #tpu.memory_space<vmem>>
      %dma_start3A_225 = arith.constant 0 : i32
      %dma_start3A_226 = tpu.memref_slice %arg5[%squeeze3A_211, %dma_start3A_225] : memref<1000000x64xf32, #tpu.memory_space<hbm>> -> memref<1x64xf32, #tpu.memory_space<hbm>>
      %dma_start3A_227 = tpu.memref_squeeze %dma_start3A_226 : memref<1x64xf32, #tpu.memory_space<hbm>> -> memref<64xf32, #tpu.memory_space<hbm>>
      tpu.enqueue_dma source(%dma_start3A_227 : memref<64xf32, #tpu.memory_space<hbm>>) target(%dma_start3A_224 : memref<64xf32, #tpu.memory_space<vmem>>) target_semaphore(%arg13 : memref<!tpu.dma_semaphore, #tpu.memory_space<semaphore_mem>>)
      %slice3A_228 = vector.extract_strided_slice %get3A_68 {offsets = [9], sizes = [1], strides = [1]} : vector<16xi32> to vector<1xi32>
      %squeeze3A_229 = vector.extract %slice3A_228[0] : i32 from vector<1xi32>
      %mul3A_230 = arith.constant 16 : i32
      %mul3A_231 = arith.muli %scan3A_61, %mul3A_230 : i32
      %add3A_232 = arith.constant 9 : i32
      %add3A_233 = arith.addi %mul3A_231, %add3A_232 : i32
      %dma_start3A_234 = arith.constant 0 : i32
      %dma_start3A_235 = tpu.memref_slice %arg10[%add3A_233, %dma_start3A_234] : memref<256x64xf32, #tpu.memory_space<vmem>> -> memref<1x64xf32, #tpu.memory_space<vmem>>
      %dma_start3A_236 = tpu.memref_squeeze %dma_start3A_235 : memref<1x64xf32, #tpu.memory_space<vmem>> -> memref<64xf32, #tpu.memory_space<vmem>>
      %dma_start3A_237 = arith.constant 0 : i32
      %dma_start3A_238 = tpu.memref_slice %arg5[%squeeze3A_229, %dma_start3A_237] : memref<1000000x64xf32, #tpu.memory_space<hbm>> -> memref<1x64xf32, #tpu.memory_space<hbm>>
      %dma_start3A_239 = tpu.memref_squeeze %dma_start3A_238 : memref<1x64xf32, #tpu.memory_space<hbm>> -> memref<64xf32, #tpu.memory_space<hbm>>
      %dma_start3A_240 = arith.constant 0 : i32
      %dma_start3A_241 = tpu.memref_slice %arg10[%add3A_233, %dma_start3A_240] : memref<256x64xf32, #tpu.memory_space<vmem>> -> memref<1x64xf32, #tpu.memory_space<vmem>>
      %dma_start3A_242 = tpu.memref_squeeze %dma_start3A_241 : memref<1x64xf32, #tpu.memory_space<vmem>> -> memref<64xf32, #tpu.memory_space<vmem>>
      %dma_start3A_243 = arith.constant 0 : i32
      %dma_start3A_244 = tpu.memref_slice %arg5[%squeeze3A_229, %dma_start3A_243] : memref<1000000x64xf32, #tpu.memory_space<hbm>> -> memref<1x64xf32, #tpu.memory_space<hbm>>
      %dma_start3A_245 = tpu.memref_squeeze %dma_start3A_244 : memref<1x64xf32, #tpu.memory_space<hbm>> -> memref<64xf32, #tpu.memory_space<hbm>>
      tpu.enqueue_dma source(%dma_start3A_245 : memref<64xf32, #tpu.memory_space<hbm>>) target(%dma_start3A_242 : memref<64xf32, #tpu.memory_space<vmem>>) target_semaphore(%arg13 : memref<!tpu.dma_semaphore, #tpu.memory_space<semaphore_mem>>)
      %slice3A_246 = vector.extract_strided_slice %get3A_68 {offsets = [10], sizes = [1], strides = [1]} : vector<16xi32> to vector<1xi32>
      %squeeze3A_247 = vector.extract %slice3A_246[0] : i32 from vector<1xi32>
      %mul3A_248 = arith.constant 16 : i32
      %mul3A_249 = arith.muli %scan3A_61, %mul3A_248 : i32
      %add3A_250 = arith.constant 10 : i32
      %add3A_251 = arith.addi %mul3A_249, %add3A_250 : i32
      %dma_start3A_252 = arith.constant 0 : i32
      %dma_start3A_253 = tpu.memref_slice %arg10[%add3A_251, %dma_start3A_252] : memref<256x64xf32, #tpu.memory_space<vmem>> -> memref<1x64xf32, #tpu.memory_space<vmem>>
      %dma_start3A_254 = tpu.memref_squeeze %dma_start3A_253 : memref<1x64xf32, #tpu.memory_space<vmem>> -> memref<64xf32, #tpu.memory_space<vmem>>
      %dma_start3A_255 = arith.constant 0 : i32
      %dma_start3A_256 = tpu.memref_slice %arg5[%squeeze3A_247, %dma_start3A_255] : memref<1000000x64xf32, #tpu.memory_space<hbm>> -> memref<1x64xf32, #tpu.memory_space<hbm>>
      %dma_start3A_257 = tpu.memref_squeeze %dma_start3A_256 : memref<1x64xf32, #tpu.memory_space<hbm>> -> memref<64xf32, #tpu.memory_space<hbm>>
      %dma_start3A_258 = arith.constant 0 : i32
      %dma_start3A_259 = tpu.memref_slice %arg10[%add3A_251, %dma_start3A_258] : memref<256x64xf32, #tpu.memory_space<vmem>> -> memref<1x64xf32, #tpu.memory_space<vmem>>
      %dma_start3A_260 = tpu.memref_squeeze %dma_start3A_259 : memref<1x64xf32, #tpu.memory_space<vmem>> -> memref<64xf32, #tpu.memory_space<vmem>>
      %dma_start3A_261 = arith.constant 0 : i32
      %dma_start3A_262 = tpu.memref_slice %arg5[%squeeze3A_247, %dma_start3A_261] : memref<1000000x64xf32, #tpu.memory_space<hbm>> -> memref<1x64xf32, #tpu.memory_space<hbm>>
      %dma_start3A_263 = tpu.memref_squeeze %dma_start3A_262 : memref<1x64xf32, #tpu.memory_space<hbm>> -> memref<64xf32, #tpu.memory_space<hbm>>
      tpu.enqueue_dma source(%dma_start3A_263 : memref<64xf32, #tpu.memory_space<hbm>>) target(%dma_start3A_260 : memref<64xf32, #tpu.memory_space<vmem>>) target_semaphore(%arg13 : memref<!tpu.dma_semaphore, #tpu.memory_space<semaphore_mem>>)
      %slice3A_264 = vector.extract_strided_slice %get3A_68 {offsets = [11], sizes = [1], strides = [1]} : vector<16xi32> to vector<1xi32>
      %squeeze3A_265 = vector.extract %slice3A_264[0] : i32 from vector<1xi32>
      %mul3A_266 = arith.constant 16 : i32
      %mul3A_267 = arith.muli %scan3A_61, %mul3A_266 : i32
      %add3A_268 = arith.constant 11 : i32
      %add3A_269 = arith.addi %mul3A_267, %add3A_268 : i32
      %dma_start3A_270 = arith.constant 0 : i32
      %dma_start3A_271 = tpu.memref_slice %arg10[%add3A_269, %dma_start3A_270] : memref<256x64xf32, #tpu.memory_space<vmem>> -> memref<1x64xf32, #tpu.memory_space<vmem>>
      %dma_start3A_272 = tpu.memref_squeeze %dma_start3A_271 : memref<1x64xf32, #tpu.memory_space<vmem>> -> memref<64xf32, #tpu.memory_space<vmem>>
      %dma_start3A_273 = arith.constant 0 : i32
      %dma_start3A_274 = tpu.memref_slice %arg5[%squeeze3A_265, %dma_start3A_273] : memref<1000000x64xf32, #tpu.memory_space<hbm>> -> memref<1x64xf32, #tpu.memory_space<hbm>>
      %dma_start3A_275 = tpu.memref_squeeze %dma_start3A_274 : memref<1x64xf32, #tpu.memory_space<hbm>> -> memref<64xf32, #tpu.memory_space<hbm>>
      %dma_start3A_276 = arith.constant 0 : i32
      %dma_start3A_277 = tpu.memref_slice %arg10[%add3A_269, %dma_start3A_276] : memref<256x64xf32, #tpu.memory_space<vmem>> -> memref<1x64xf32, #tpu.memory_space<vmem>>
      %dma_start3A_278 = tpu.memref_squeeze %dma_start3A_277 : memref<1x64xf32, #tpu.memory_space<vmem>> -> memref<64xf32, #tpu.memory_space<vmem>>
      %dma_start3A_279 = arith.constant 0 : i32
      %dma_start3A_280 = tpu.memref_slice %arg5[%squeeze3A_265, %dma_start3A_279] : memref<1000000x64xf32, #tpu.memory_space<hbm>> -> memref<1x64xf32, #tpu.memory_space<hbm>>
      %dma_start3A_281 = tpu.memref_squeeze %dma_start3A_280 : memref<1x64xf32, #tpu.memory_space<hbm>> -> memref<64xf32, #tpu.memory_space<hbm>>
      tpu.enqueue_dma source(%dma_start3A_281 : memref<64xf32, #tpu.memory_space<hbm>>) target(%dma_start3A_278 : memref<64xf32, #tpu.memory_space<vmem>>) target_semaphore(%arg13 : memref<!tpu.dma_semaphore, #tpu.memory_space<semaphore_mem>>)
      %slice3A_282 = vector.extract_strided_slice %get3A_68 {offsets = [12], sizes = [1], strides = [1]} : vector<16xi32> to vector<1xi32>
      %squeeze3A_283 = vector.extract %slice3A_282[0] : i32 from vector<1xi32>
      %mul3A_284 = arith.constant 16 : i32
      %mul3A_285 = arith.muli %scan3A_61, %mul3A_284 : i32
      %add3A_286 = arith.constant 12 : i32
      %add3A_287 = arith.addi %mul3A_285, %add3A_286 : i32
      %dma_start3A_288 = arith.constant 0 : i32
      %dma_start3A_289 = tpu.memref_slice %arg10[%add3A_287, %dma_start3A_288] : memref<256x64xf32, #tpu.memory_space<vmem>> -> memref<1x64xf32, #tpu.memory_space<vmem>>
      %dma_start3A_290 = tpu.memref_squeeze %dma_start3A_289 : memref<1x64xf32, #tpu.memory_space<vmem>> -> memref<64xf32, #tpu.memory_space<vmem>>
      %dma_start3A_291 = arith.constant 0 : i32
      %dma_start3A_292 = tpu.memref_slice %arg5[%squeeze3A_283, %dma_start3A_291] : memref<1000000x64xf32, #tpu.memory_space<hbm>> -> memref<1x64xf32, #tpu.memory_space<hbm>>
      %dma_start3A_293 = tpu.memref_squeeze %dma_start3A_292 : memref<1x64xf32, #tpu.memory_space<hbm>> -> memref<64xf32, #tpu.memory_space<hbm>>
      %dma_start3A_294 = arith.constant 0 : i32
      %dma_start3A_295 = tpu.memref_slice %arg10[%add3A_287, %dma_start3A_294] : memref<256x64xf32, #tpu.memory_space<vmem>> -> memref<1x64xf32, #tpu.memory_space<vmem>>
      %dma_start3A_296 = tpu.memref_squeeze %dma_start3A_295 : memref<1x64xf32, #tpu.memory_space<vmem>> -> memref<64xf32, #tpu.memory_space<vmem>>
      %dma_start3A_297 = arith.constant 0 : i32
      %dma_start3A_298 = tpu.memref_slice %arg5[%squeeze3A_283, %dma_start3A_297] : memref<1000000x64xf32, #tpu.memory_space<hbm>> -> memref<1x64xf32, #tpu.memory_space<hbm>>
      %dma_start3A_299 = tpu.memref_squeeze %dma_start3A_298 : memref<1x64xf32, #tpu.memory_space<hbm>> -> memref<64xf32, #tpu.memory_space<hbm>>
      tpu.enqueue_dma source(%dma_start3A_299 : memref<64xf32, #tpu.memory_space<hbm>>) target(%dma_start3A_296 : memref<64xf32, #tpu.memory_space<vmem>>) target_semaphore(%arg13 : memref<!tpu.dma_semaphore, #tpu.memory_space<semaphore_mem>>)
      %slice3A_300 = vector.extract_strided_slice %get3A_68 {offsets = [13], sizes = [1], strides = [1]} : vector<16xi32> to vector<1xi32>
      %squeeze3A_301 = vector.extract %slice3A_300[0] : i32 from vector<1xi32>
      %mul3A_302 = arith.constant 16 : i32
      %mul3A_303 = arith.muli %scan3A_61, %mul3A_302 : i32
      %add3A_304 = arith.constant 13 : i32
      %add3A_305 = arith.addi %mul3A_303, %add3A_304 : i32
      %dma_start3A_306 = arith.constant 0 : i32
      %dma_start3A_307 = tpu.memref_slice %arg10[%add3A_305, %dma_start3A_306] : memref<256x64xf32, #tpu.memory_space<vmem>> -> memref<1x64xf32, #tpu.memory_space<vmem>>
      %dma_start3A_308 = tpu.memref_squeeze %dma_start3A_307 : memref<1x64xf32, #tpu.memory_space<vmem>> -> memref<64xf32, #tpu.memory_space<vmem>>
      %dma_start3A_309 = arith.constant 0 : i32
      %dma_start3A_310 = tpu.memref_slice %arg5[%squeeze3A_301, %dma_start3A_309] : memref<1000000x64xf32, #tpu.memory_space<hbm>> -> memref<1x64xf32, #tpu.memory_space<hbm>>
      %dma_start3A_311 = tpu.memref_squeeze %dma_start3A_310 : memref<1x64xf32, #tpu.memory_space<hbm>> -> memref<64xf32, #tpu.memory_space<hbm>>
      %dma_start3A_312 = arith.constant 0 : i32
      %dma_start3A_313 = tpu.memref_slice %arg10[%add3A_305, %dma_start3A_312] : memref<256x64xf32, #tpu.memory_space<vmem>> -> memref<1x64xf32, #tpu.memory_space<vmem>>
      %dma_start3A_314 = tpu.memref_squeeze %dma_start3A_313 : memref<1x64xf32, #tpu.memory_space<vmem>> -> memref<64xf32, #tpu.memory_space<vmem>>
      %dma_start3A_315 = arith.constant 0 : i32
      %dma_start3A_316 = tpu.memref_slice %arg5[%squeeze3A_301, %dma_start3A_315] : memref<1000000x64xf32, #tpu.memory_space<hbm>> -> memref<1x64xf32, #tpu.memory_space<hbm>>
      %dma_start3A_317 = tpu.memref_squeeze %dma_start3A_316 : memref<1x64xf32, #tpu.memory_space<hbm>> -> memref<64xf32, #tpu.memory_space<hbm>>
      tpu.enqueue_dma source(%dma_start3A_317 : memref<64xf32, #tpu.memory_space<hbm>>) target(%dma_start3A_314 : memref<64xf32, #tpu.memory_space<vmem>>) target_semaphore(%arg13 : memref<!tpu.dma_semaphore, #tpu.memory_space<semaphore_mem>>)
      %slice3A_318 = vector.extract_strided_slice %get3A_68 {offsets = [14], sizes = [1], strides = [1]} : vector<16xi32> to vector<1xi32>
      %squeeze3A_319 = vector.extract %slice3A_318[0] : i32 from vector<1xi32>
      %mul3A_320 = arith.constant 16 : i32
      %mul3A_321 = arith.muli %scan3A_61, %mul3A_320 : i32
      %add3A_322 = arith.constant 14 : i32
      %add3A_323 = arith.addi %mul3A_321, %add3A_322 : i32
      %dma_start3A_324 = arith.constant 0 : i32
      %dma_start3A_325 = tpu.memref_slice %arg10[%add3A_323, %dma_start3A_324] : memref<256x64xf32, #tpu.memory_space<vmem>> -> memref<1x64xf32, #tpu.memory_space<vmem>>
      %dma_start3A_326 = tpu.memref_squeeze %dma_start3A_325 : memref<1x64xf32, #tpu.memory_space<vmem>> -> memref<64xf32, #tpu.memory_space<vmem>>
      %dma_start3A_327 = arith.constant 0 : i32
      %dma_start3A_328 = tpu.memref_slice %arg5[%squeeze3A_319, %dma_start3A_327] : memref<1000000x64xf32, #tpu.memory_space<hbm>> -> memref<1x64xf32, #tpu.memory_space<hbm>>
      %dma_start3A_329 = tpu.memref_squeeze %dma_start3A_328 : memref<1x64xf32, #tpu.memory_space<hbm>> -> memref<64xf32, #tpu.memory_space<hbm>>
      %dma_start3A_330 = arith.constant 0 : i32
      %dma_start3A_331 = tpu.memref_slice %arg10[%add3A_323, %dma_start3A_330] : memref<256x64xf32, #tpu.memory_space<vmem>> -> memref<1x64xf32, #tpu.memory_space<vmem>>
      %dma_start3A_332 = tpu.memref_squeeze %dma_start3A_331 : memref<1x64xf32, #tpu.memory_space<vmem>> -> memref<64xf32, #tpu.memory_space<vmem>>
      %dma_start3A_333 = arith.constant 0 : i32
      %dma_start3A_334 = tpu.memref_slice %arg5[%squeeze3A_319, %dma_start3A_333] : memref<1000000x64xf32, #tpu.memory_space<hbm>> -> memref<1x64xf32, #tpu.memory_space<hbm>>
      %dma_start3A_335 = tpu.memref_squeeze %dma_start3A_334 : memref<1x64xf32, #tpu.memory_space<hbm>> -> memref<64xf32, #tpu.memory_space<hbm>>
      tpu.enqueue_dma source(%dma_start3A_335 : memref<64xf32, #tpu.memory_space<hbm>>) target(%dma_start3A_332 : memref<64xf32, #tpu.memory_space<vmem>>) target_semaphore(%arg13 : memref<!tpu.dma_semaphore, #tpu.memory_space<semaphore_mem>>)
      %slice3A_336 = vector.extract_strided_slice %get3A_68 {offsets = [15], sizes = [1], strides = [1]} : vector<16xi32> to vector<1xi32>
      %squeeze3A_337 = vector.extract %slice3A_336[0] : i32 from vector<1xi32>
      %mul3A_338 = arith.constant 16 : i32
      %mul3A_339 = arith.muli %scan3A_61, %mul3A_338 : i32
      %add3A_340 = arith.constant 15 : i32
      %add3A_341 = arith.addi %mul3A_339, %add3A_340 : i32
      %dma_start3A_342 = arith.constant 0 : i32
      %dma_start3A_343 = tpu.memref_slice %arg10[%add3A_341, %dma_start3A_342] : memref<256x64xf32, #tpu.memory_space<vmem>> -> memref<1x64xf32, #tpu.memory_space<vmem>>
      %dma_start3A_344 = tpu.memref_squeeze %dma_start3A_343 : memref<1x64xf32, #tpu.memory_space<vmem>> -> memref<64xf32, #tpu.memory_space<vmem>>
      %dma_start3A_345 = arith.constant 0 : i32
      %dma_start3A_346 = tpu.memref_slice %arg5[%squeeze3A_337, %dma_start3A_345] : memref<1000000x64xf32, #tpu.memory_space<hbm>> -> memref<1x64xf32, #tpu.memory_space<hbm>>
      %dma_start3A_347 = tpu.memref_squeeze %dma_start3A_346 : memref<1x64xf32, #tpu.memory_space<hbm>> -> memref<64xf32, #tpu.memory_space<hbm>>
      %dma_start3A_348 = arith.constant 0 : i32
      %dma_start3A_349 = tpu.memref_slice %arg10[%add3A_341, %dma_start3A_348] : memref<256x64xf32, #tpu.memory_space<vmem>> -> memref<1x64xf32, #tpu.memory_space<vmem>>
      %dma_start3A_350 = tpu.memref_squeeze %dma_start3A_349 : memref<1x64xf32, #tpu.memory_space<vmem>> -> memref<64xf32, #tpu.memory_space<vmem>>
      %dma_start3A_351 = arith.constant 0 : i32
      %dma_start3A_352 = tpu.memref_slice %arg5[%squeeze3A_337, %dma_start3A_351] : memref<1000000x64xf32, #tpu.memory_space<hbm>> -> memref<1x64xf32, #tpu.memory_space<hbm>>
      %dma_start3A_353 = tpu.memref_squeeze %dma_start3A_352 : memref<1x64xf32, #tpu.memory_space<hbm>> -> memref<64xf32, #tpu.memory_space<hbm>>
      tpu.enqueue_dma source(%dma_start3A_353 : memref<64xf32, #tpu.memory_space<hbm>>) target(%dma_start3A_350 : memref<64xf32, #tpu.memory_space<vmem>>) target_semaphore(%arg13 : memref<!tpu.dma_semaphore, #tpu.memory_space<semaphore_mem>>)
      %scan3A_354 = arith.constant 0 : i32
      scf.yield %scan3A_354 : i32
    }
    %scan3A_36 = arith.constant 16 : i32
    %dma_wait3A_37 = arith.constant 0 : i32
    %dma_wait3A_38 = arith.constant 0 : i32
    %dma_wait3A_39 = tpu.memref_slice %arg4[%dma_wait3A_37, %dma_wait3A_38] : memref<1000000x64xf32, #tpu.memory_space<hbm>> -> memref<256x64xf32, #tpu.memory_space<hbm>>
    %dma_wait3A_40 = arith.constant 0 : i32
    %dma_wait3A_41 = arith.constant 0 : i32
    %dma_wait3A_42 = tpu.memref_slice %arg4[%dma_wait3A_40, %dma_wait3A_41] : memref<1000000x64xf32, #tpu.memory_space<hbm>> -> memref<256x64xf32, #tpu.memory_space<hbm>>
    tpu.wait_dma2 semaphore(%arg14 : memref<!tpu.dma_semaphore, #tpu.memory_space<semaphore_mem>>) src(%dma_wait3A_42 : memref<256x64xf32, #tpu.memory_space<hbm>>) dst(%arg11 : memref<256x64xf32, #tpu.memory_space<vmem>>)
    %add3A_43 = arith.constant 256 : i32
    %add3A_44 = arith.addi %mul3A_2, %add3A_43 : i32
    "tpu.region"() ({
      %run_scoped3A = tpu.sem_alloc : memref<!tpu.dma_semaphore, #tpu.memory_space<semaphore_mem>>
      %dma_start3A = arith.constant 0 : i32
      %dma_start3A_61 = tpu.memref_slice %arg6[%add3A_44, %dma_start3A] : memref<16384x64xf32, #tpu.memory_space<hbm>> -> memref<256x64xf32, #tpu.memory_space<hbm>>
      %dma_start3A_62 = arith.constant 0 : i32
      %dma_start3A_63 = tpu.memref_slice %arg6[%add3A_44, %dma_start3A_62] : memref<16384x64xf32, #tpu.memory_space<hbm>> -> memref<256x64xf32, #tpu.memory_space<hbm>>
      tpu.enqueue_dma source(%arg11 : memref<256x64xf32, #tpu.memory_space<vmem>>) target(%dma_start3A_63 : memref<256x64xf32, #tpu.memory_space<hbm>>) target_semaphore(%run_scoped3A : memref<!tpu.dma_semaphore, #tpu.memory_space<semaphore_mem>>)
      %dma_wait3A_64 = arith.constant 0 : i32
      %dma_wait3A_65 = tpu.memref_slice %arg6[%add3A_44, %dma_wait3A_64] : memref<16384x64xf32, #tpu.memory_space<hbm>> -> memref<256x64xf32, #tpu.memory_space<hbm>>
      %dma_wait3A_66 = arith.constant 0 : i32
      %dma_wait3A_67 = tpu.memref_slice %arg6[%add3A_44, %dma_wait3A_66] : memref<16384x64xf32, #tpu.memory_space<hbm>> -> memref<256x64xf32, #tpu.memory_space<hbm>>
      tpu.wait_dma2 semaphore(%run_scoped3A : memref<!tpu.dma_semaphore, #tpu.memory_space<semaphore_mem>>) src(%arg11 : memref<256x64xf32, #tpu.memory_space<vmem>>) dst(%dma_wait3A_67 : memref<256x64xf32, #tpu.memory_space<hbm>>)
      tpu.yield
    }) : () -> ()
    %dma_wait3A_45 = arith.constant 0 : i32
    %dma_wait3A_46 = arith.constant 0 : i32
    %dma_wait3A_47 = tpu.memref_slice %arg4[%dma_wait3A_45, %dma_wait3A_46] : memref<1000000x64xf32, #tpu.memory_space<hbm>> -> memref<256x64xf32, #tpu.memory_space<hbm>>
    %dma_wait3A_48 = arith.constant 0 : i32
    %dma_wait3A_49 = arith.constant 0 : i32
    %dma_wait3A_50 = tpu.memref_slice %arg4[%dma_wait3A_48, %dma_wait3A_49] : memref<1000000x64xf32, #tpu.memory_space<hbm>> -> memref<256x64xf32, #tpu.memory_space<hbm>>
    tpu.wait_dma2 semaphore(%arg15 : memref<!tpu.dma_semaphore, #tpu.memory_space<semaphore_mem>>) src(%dma_wait3A_50 : memref<256x64xf32, #tpu.memory_space<hbm>>) dst(%arg12 : memref<256x64xf32, #tpu.memory_space<vmem>>)
    %add3A_51 = arith.constant 0 : i32
    %add3A_52 = arith.addi %mul3A_2, %add3A_51 : i32
    "tpu.region"() ({
      %run_scoped3A = tpu.sem_alloc : memref<!tpu.dma_semaphore, #tpu.memory_space<semaphore_mem>>
      %dma_start3A = arith.constant 0 : i32
      %dma_start3A_61 = tpu.memref_slice %arg7[%add3A_52, %dma_start3A] : memref<16384x64xf32, #tpu.memory_space<hbm>> -> memref<256x64xf32, #tpu.memory_space<hbm>>
      %dma_start3A_62 = arith.constant 0 : i32
      %dma_start3A_63 = tpu.memref_slice %arg7[%add3A_52, %dma_start3A_62] : memref<16384x64xf32, #tpu.memory_space<hbm>> -> memref<256x64xf32, #tpu.memory_space<hbm>>
      tpu.enqueue_dma source(%arg12 : memref<256x64xf32, #tpu.memory_space<vmem>>) target(%dma_start3A_63 : memref<256x64xf32, #tpu.memory_space<hbm>>) target_semaphore(%run_scoped3A : memref<!tpu.dma_semaphore, #tpu.memory_space<semaphore_mem>>)
      %dma_wait3A_64 = arith.constant 0 : i32
      %dma_wait3A_65 = tpu.memref_slice %arg7[%add3A_52, %dma_wait3A_64] : memref<16384x64xf32, #tpu.memory_space<hbm>> -> memref<256x64xf32, #tpu.memory_space<hbm>>
      %dma_wait3A_66 = arith.constant 0 : i32
      %dma_wait3A_67 = tpu.memref_slice %arg7[%add3A_52, %dma_wait3A_66] : memref<16384x64xf32, #tpu.memory_space<hbm>> -> memref<256x64xf32, #tpu.memory_space<hbm>>
      tpu.wait_dma2 semaphore(%run_scoped3A : memref<!tpu.dma_semaphore, #tpu.memory_space<semaphore_mem>>) src(%arg12 : memref<256x64xf32, #tpu.memory_space<vmem>>) dst(%dma_wait3A_67 : memref<256x64xf32, #tpu.memory_space<hbm>>)
      tpu.yield
    }) : () -> ()
    %dma_wait3A_53 = arith.constant 0 : i32
    %dma_wait3A_54 = arith.constant 0 : i32
    %dma_wait3A_55 = tpu.memref_slice %arg4[%dma_wait3A_53, %dma_wait3A_54] : memref<1000000x64xf32, #tpu.memory_space<hbm>> -> memref<256x64xf32, #tpu.memory_space<hbm>>
    %dma_wait3A_56 = arith.constant 0 : i32
    %dma_wait3A_57 = arith.constant 0 : i32
    %dma_wait3A_58 = tpu.memref_slice %arg4[%dma_wait3A_56, %dma_wait3A_57] : memref<1000000x64xf32, #tpu.memory_space<hbm>> -> memref<256x64xf32, #tpu.memory_space<hbm>>
    tpu.wait_dma2 semaphore(%arg13 : memref<!tpu.dma_semaphore, #tpu.memory_space<semaphore_mem>>) src(%dma_wait3A_58 : memref<256x64xf32, #tpu.memory_space<hbm>>) dst(%arg10 : memref<256x64xf32, #tpu.memory_space<vmem>>)
    %add3A_59 = arith.constant 256 : i32
    %add3A_60 = arith.addi %mul3A_2, %add3A_59 : i32
    "tpu.region"() ({
      %run_scoped3A = tpu.sem_alloc : memref<!tpu.dma_semaphore, #tpu.memory_space<semaphore_mem>>
      %dma_start3A = arith.constant 0 : i32
      %dma_start3A_61 = tpu.memref_slice %arg7[%add3A_60, %dma_start3A] : memref<16384x64xf32, #tpu.memory_space<hbm>> -> memref<256x64xf32, #tpu.memory_space<hbm>>
      %dma_start3A_62 = arith.constant 0 : i32
      %dma_start3A_63 = tpu.memref_slice %arg7[%add3A_60, %dma_start3A_62] : memref<16384x64xf32, #tpu.memory_space<hbm>> -> memref<256x64xf32, #tpu.memory_space<hbm>>
      tpu.enqueue_dma source(%arg10 : memref<256x64xf32, #tpu.memory_space<vmem>>) target(%dma_start3A_63 : memref<256x64xf32, #tpu.memory_space<hbm>>) target_semaphore(%run_scoped3A : memref<!tpu.dma_semaphore, #tpu.memory_space<semaphore_mem>>)
      %dma_wait3A_64 = arith.constant 0 : i32
      %dma_wait3A_65 = tpu.memref_slice %arg7[%add3A_60, %dma_wait3A_64] : memref<16384x64xf32, #tpu.memory_space<hbm>> -> memref<256x64xf32, #tpu.memory_space<hbm>>
      %dma_wait3A_66 = arith.constant 0 : i32
      %dma_wait3A_67 = tpu.memref_slice %arg7[%add3A_60, %dma_wait3A_66] : memref<16384x64xf32, #tpu.memory_space<hbm>> -> memref<256x64xf32, #tpu.memory_space<hbm>>
      tpu.wait_dma2 semaphore(%run_scoped3A : memref<!tpu.dma_semaphore, #tpu.memory_space<semaphore_mem>>) src(%arg10 : memref<256x64xf32, #tpu.memory_space<vmem>>) dst(%dma_wait3A_67 : memref<256x64xf32, #tpu.memory_space<hbm>>)
      tpu.yield
    }) : () -> ()
    return
  }
}

module attributes {stable_mosaic.version = 14 : i64} {
  func.func @_mlp_body(%arg0: i32, %arg1: memref<2048x64xf32, #tpu.memory_space<vmem>>, %arg2: memref<2048x64xf32, #tpu.memory_space<vmem>>, %arg3: memref<64x512xf32, #tpu.memory_space<vmem>>, %arg4: memref<64x512xf32, #tpu.memory_space<vmem>>, %arg5: memref<1x512xf32, #tpu.memory_space<vmem>>, %arg6: memref<512x256xf32, #tpu.memory_space<vmem>>, %arg7: memref<1x256xf32, #tpu.memory_space<vmem>>, %arg8: memref<1x256xf32, #tpu.memory_space<vmem>>, %arg9: memref<1xf32, #tpu.memory_space<smem>>, %arg10: memref<2048xf32, #tpu.memory_space<vmem>>) attributes {dimension_semantics = [#tpu.dimension_semantics<arbitrary>], iteration_bounds = array<i64: 8>, scalar_prefetch = 0 : i64, scratch_operands = 0 : i64, tpu.core_type = #tpu.core_type<tc>, window_params = [{transform_indices = @transform_0, window_bounds = array<i64: 2048, 64>}, {transform_indices = @transform_1, window_bounds = array<i64: 2048, 64>}, {pipeline_mode = #tpu.pipeline_mode<synchronous>, transform_indices = @transform_2, window_bounds = array<i64: 64, 512>}, {pipeline_mode = #tpu.pipeline_mode<synchronous>, transform_indices = @transform_3, window_bounds = array<i64: 64, 512>}, {pipeline_mode = #tpu.pipeline_mode<synchronous>, transform_indices = @transform_4, window_bounds = array<i64: 1, 512>}, {pipeline_mode = #tpu.pipeline_mode<synchronous>, transform_indices = @transform_5, window_bounds = array<i64: 512, 256>}, {pipeline_mode = #tpu.pipeline_mode<synchronous>, transform_indices = @transform_6, window_bounds = array<i64: 1, 256>}, {pipeline_mode = #tpu.pipeline_mode<synchronous>, transform_indices = @transform_7, window_bounds = array<i64: 1, 256>}, {transform_indices = @transform_8, window_bounds = array<i64: 1>}, {transform_indices = @transform_9, window_bounds = array<i64: 2048>}]} {
    %get3A = arith.constant 0 : index
    %get3A_0 = arith.constant 0 : index
    %get3A_1 = vector.load %arg1[%get3A, %get3A_0] : memref<2048x64xf32, #tpu.memory_space<vmem>>, vector<2048x64xf32>
    %get3A_2 = arith.constant 0 : index
    %get3A_3 = arith.constant 0 : index
    %get3A_4 = vector.load %arg3[%get3A_2, %get3A_3] : memref<64x512xf32, #tpu.memory_space<vmem>>, vector<64x512xf32>
    %dot_general3A = arith.constant dense<0.000000e+00> : vector<2048x512xf32>
    %dot_general3A_5 = tpu.matmul %get3A_1, %get3A_4, %dot_general3A {dimension_numbers = #tpu.dot_dimension_numbers<[1], [0], [0], [1], [0, 0, 1, 1], [], []>, transpose_lhs_hint = false} : vector<2048x64xf32>, vector<64x512xf32>, vector<2048x512xf32> -> vector<2048x512xf32>
    %get3A_6 = arith.constant 0 : index
    %get3A_7 = arith.constant 0 : index
    %get3A_8 = vector.load %arg2[%get3A_6, %get3A_7] : memref<2048x64xf32, #tpu.memory_space<vmem>>, vector<2048x64xf32>
    %get3A_9 = arith.constant 0 : index
    %get3A_10 = arith.constant 0 : index
    %get3A_11 = vector.load %arg4[%get3A_9, %get3A_10] : memref<64x512xf32, #tpu.memory_space<vmem>>, vector<64x512xf32>
    %dot_general3A_12 = arith.constant dense<0.000000e+00> : vector<2048x512xf32>
    %dot_general3A_13 = tpu.matmul %get3A_8, %get3A_11, %dot_general3A_12 {dimension_numbers = #tpu.dot_dimension_numbers<[1], [0], [0], [1], [0, 0, 1, 1], [], []>, transpose_lhs_hint = false} : vector<2048x64xf32>, vector<64x512xf32>, vector<2048x512xf32> -> vector<2048x512xf32>
    %add3A = arith.addf %dot_general3A_5, %dot_general3A_13 : vector<2048x512xf32>
    %get3A_14 = arith.constant 0 : index
    %get3A_15 = arith.constant 0 : index
    %get3A_16 = vector.load %arg5[%get3A_14, %get3A_15] : memref<1x512xf32, #tpu.memory_space<vmem>>, vector<1x512xf32>
    %add3A_17 = vector.broadcast %get3A_16 : vector<1x512xf32> to vector<2048x512xf32>
    %add3A_18 = arith.addf %add3A, %add3A_17 : vector<2048x512xf32>
    %max3A = arith.constant 0.000000e+00 : f32
    %max3A_19 = vector.broadcast %max3A : f32 to vector<2048x512xf32>
    %max3A_20 = arith.maximumf %add3A_18, %max3A_19 : vector<2048x512xf32>
    %get3A_21 = arith.constant 0 : index
    %get3A_22 = arith.constant 0 : index
    %get3A_23 = vector.load %arg6[%get3A_21, %get3A_22] : memref<512x256xf32, #tpu.memory_space<vmem>>, vector<512x256xf32>
    %dot_general3A_24 = arith.constant dense<0.000000e+00> : vector<2048x256xf32>
    %dot_general3A_25 = tpu.matmul %max3A_20, %get3A_23, %dot_general3A_24 {dimension_numbers = #tpu.dot_dimension_numbers<[1], [0], [0], [1], [0, 0, 1, 1], [], []>, transpose_lhs_hint = false} : vector<2048x512xf32>, vector<512x256xf32>, vector<2048x256xf32> -> vector<2048x256xf32>
    %get3A_26 = arith.constant 0 : index
    %get3A_27 = arith.constant 0 : index
    %get3A_28 = vector.load %arg7[%get3A_26, %get3A_27] : memref<1x256xf32, #tpu.memory_space<vmem>>, vector<1x256xf32>
    %add3A_29 = vector.broadcast %get3A_28 : vector<1x256xf32> to vector<2048x256xf32>
    %add3A_30 = arith.addf %dot_general3A_25, %add3A_29 : vector<2048x256xf32>
    %max3A_31 = arith.constant 0.000000e+00 : f32
    %max3A_32 = vector.broadcast %max3A_31 : f32 to vector<2048x256xf32>
    %max3A_33 = arith.maximumf %add3A_30, %max3A_32 : vector<2048x256xf32>
    %get3A_34 = arith.constant 0 : index
    %get3A_35 = arith.constant 0 : index
    %get3A_36 = vector.load %arg8[%get3A_34, %get3A_35] : memref<1x256xf32, #tpu.memory_space<vmem>>, vector<1x256xf32>
    %mul3A = vector.broadcast %get3A_36 : vector<1x256xf32> to vector<2048x256xf32>
    %mul3A_37 = arith.mulf %max3A_33, %mul3A : vector<2048x256xf32>
    %reduce_sum3A = arith.constant dense<0.000000e+00> : vector<2048xf32>
    %reduce_sum3A_38 = vector.multi_reduction <add>, %mul3A_37, %reduce_sum3A [1] : vector<2048x256xf32> to vector<2048xf32>
    %get3A_39 = arith.constant 0 : index
    %get3A_40 = memref.load %arg9[%get3A_39] : memref<1xf32, #tpu.memory_space<smem>>
    %add3A_41 = vector.broadcast %get3A_40 : f32 to vector<2048xf32>
    %add3A_42 = arith.addf %reduce_sum3A_38, %add3A_41 : vector<2048xf32>
    %swap3A = arith.constant 0 : index
    %swap3A_43 = vector.load %arg10[%swap3A] : memref<2048xf32, #tpu.memory_space<vmem>>, vector<2048xf32>
    tpu.vector_store %arg10[%swap3A], %add3A_42 {strides = array<i32>} : memref<2048xf32, #tpu.memory_space<vmem>>, vector<2048xf32>,
    return
  }
  func.func @transform_0(%arg0: i32) -> (i32, i32) {
    %c0_i32 = arith.constant 0 : i32
    %c0_i32_0 = arith.constant 0 : i32
    return %arg0, %c0_i32 : i32, i32
  }
  func.func @transform_1(%arg0: i32) -> (i32, i32) {
    %c0_i32 = arith.constant 0 : i32
    %c0_i32_0 = arith.constant 0 : i32
    return %arg0, %c0_i32 : i32, i32
  }
  func.func @transform_2(%arg0: i32) -> (i32, i32) {
    %c0_i32 = arith.constant 0 : i32
    %c0_i32_0 = arith.constant 0 : i32
    %c0_i32_1 = arith.constant 0 : i32
    return %c0_i32, %c0_i32_0 : i32, i32
  }
  func.func @transform_3(%arg0: i32) -> (i32, i32) {
    %c0_i32 = arith.constant 0 : i32
    %c0_i32_0 = arith.constant 0 : i32
    %c0_i32_1 = arith.constant 0 : i32
    return %c0_i32, %c0_i32_0 : i32, i32
  }
  func.func @transform_4(%arg0: i32) -> (i32, i32) {
    %c0_i32 = arith.constant 0 : i32
    %c0_i32_0 = arith.constant 0 : i32
    %c0_i32_1 = arith.constant 0 : i32
    return %c0_i32, %c0_i32_0 : i32, i32
  }
  func.func @transform_5(%arg0: i32) -> (i32, i32) {
    %c0_i32 = arith.constant 0 : i32
    %c0_i32_0 = arith.constant 0 : i32
    %c0_i32_1 = arith.constant 0 : i32
    return %c0_i32, %c0_i32_0 : i32, i32
  }
  func.func @transform_6(%arg0: i32) -> (i32, i32) {
    %c0_i32 = arith.constant 0 : i32
    %c0_i32_0 = arith.constant 0 : i32
    %c0_i32_1 = arith.constant 0 : i32
    return %c0_i32, %c0_i32_0 : i32, i32
  }
  func.func @transform_7(%arg0: i32) -> (i32, i32) {
    %c0_i32 = arith.constant 0 : i32
    %c0_i32_0 = arith.constant 0 : i32
    %c0_i32_1 = arith.constant 0 : i32
    return %c0_i32, %c0_i32_0 : i32, i32
  }
  func.func @transform_8(%arg0: i32) -> i32 {
    %c0_i32 = arith.constant 0 : i32
    %c0_i32_0 = arith.constant 0 : i32
    return %c0_i32 : i32
  }
  func.func @transform_9(%arg0: i32) -> i32 {
    %c0_i32 = arith.constant 0 : i32
    return %arg0 : i32
  }
}

</mosaic_0001>

<sc_bundles>
// kernel: kernel.4.cloned.1.call-start
scs
__scs_entry_jumppad:
0x0: {  	(pc) =	sbr.rel $0x88, $3  }
0x1: {  	(tag) =	ssettag $0x0;
	lr =	simm.s32 $0x1  }
0x2: {  	[smem:$0x3F97] =	sst lr;
	_ =	strace $0xD0000000  }
0x3: {  	_ = 	snop  }
0x4: {  	_ = 	snop  }
0x5: {  	_ = 	snop  }
0x6: {  	_ = 	snop  }
0x7: {  	_ = 	snop  }
__scs_overlays_trampoline_lowered:
0x8: {  	[smem:$0x3FA6] =	sst s0  }
0x9: {  	[smem:$0x3FA7] =	sst s1  }
0xa: {  	[smem:$0x3FA8] =	sst s2  }
0xb: {  	[smem:$0x3FA9] =	sst s3  }
0xc: {  	[smem:$0x3FAA] =	sst s4  }
0xd: {  	[smem:$0x3FAB] =	sst s5  }
0xe: {  	[smem:$0x3FAC] =	sst s6  }
0xf: {  	[smem:$0x3FAD] =	sst s7  }
0x10: {  	[smem:$0x3FAE] =	sst s8  }
0x11: {  	[smem:$0x3FAF] =	sst s9;
	s0 =	simm.s32 @!p0 $0x0  }
0x12: {  	s1 =	sld [smem:$0x3F95];
	s0 =	simm.s32 @p0 $0x1  }
0x13: {  	[smem:$0x3FB0] =	sst s0;
	s0 =	simm.s32 @!p1 $0x0  }
0x14: {  	s2 =	sld [smem:$0x3F94];
	s0 =	simm.s32 @p1 $0x1  }
0x15: {  	[smem:$0x3FB1] =	sst s0;
	s0 =	simm.s32 @!p2 $0x0  }
0x16: {  	s3 =	sld [smem:$0x3FDB];
	s0 =	simm.s32 @p2 $0x1  }
0x17: {  	s4 =	simm.s32 $0x1BF5;
	[smem:$0x3FB3] =	sst s0  }
0x18: {  	s0 =	sld [smem:$0x3F96];
	_ =	swait.ge [sflag:s4], $0x0  }
0x19: {  	s7 =	sld [smem:$0x3F97]  }
0x1a: {  	s8 =	sadd.s32 $0xFFFFE003, lr  }
0x1b: {  	s9 =	sadd.s32 $0xFFFFFEF7, lr;
	s5 =	simm.s32 $0xFFFFFFFF;
	p2 =	slt.u32 s8, $0xFFFFF086  }
0x1c: {  	p1 =	slt.u32 s9, $0xF7A;
	s5 =	simm.s32 @!p2 $0x0  }
0x1d: {  	s5 =	simm.s32 @p1 $0x1;
	p0 =	seq.s32 s7, s2  }
0x1e: {  	s7 =	smul.u32 @!p0 $0xF7A, s2;
	p2 =	seq.s32 @!p0 s5, $0x0  }
0x1f: {  	s9 =	smul.u32 $0xF7A, s1;
	s8 =	simm.s32 @!p0 $0x1BF5;
	p2 =	por !p2, p0  }
0x20: {  	[sflag:s8] =	ssyncset.s32 @!p0 $0xFFFFF086;
	s6 =	sadd.s32 @!p0 s3, s7;
	s7 =	simm.s32 @!p0 $0x108  }
0x21: {  	s3 =	sadd.s32 s3, s9;
	s6 =	sadd.s32 @!p0 $0x88, s6;
	s7 =	simm.s32 @p2 $0x1082  }
0x22: {  	[simem:s7], [sflag:s8] =	dma.local @!p0 [hbm:s6], $0xF7A  }
0x23: {  	s9 =	sor.u32 $0xD0000000, s2;
	s6 =	simm.s32 $0x108;
	_ =	swait.ge @!p0 [sflag:s8], $0x0  }
0x24: {  	s3 =	sadd.s32 $0x88, s3;
	s6 =	simm.s32 @!p1 $0x1082;
	[sflag:s4] =	ssyncset.s32 $0xFFFFF086  }
0x25: {  	[simem:s6], [sflag:s4] =	dma.local [hbm:s3], $0xF7A  }
0x26: {  	[smem:$0x3F97] =	sst s1;
	(tag) =	ssettag s2;
	_ =	strace s9  }
0x27: {  	s1 =	sld [smem:$0x3FA7]  }
0x28: {  	s2 =	sld [smem:$0x3FA8]  }
0x29: {  	s4 =	sld [smem:$0x3FAA]  }
0x2a: {  	p0 =	seq.s32 s5, $0x0;
	s5 =	sld [smem:$0x3FAB]  }
0x2b: {  	s6 =	sld [smem:$0x3FAC]  }
0x2c: {  	s7 =	sld [smem:$0x3FAD]  }
0x2d: {  	s3 =	simm.s32 $0x108;
	s8 =	sld [smem:$0x3FAE]  }
0x2e: {  	s3 =	simm.s32 @!p0 $0x1082;
	s9 =	sld [smem:$0x3FAF]  }
0x2f: {  	lr =	sadd.s32 s0, s3;
	s0 =	sld [smem:$0x3FA6]  }
0x30: {  	s3 =	sld [smem:$0x3FA9]  }
0x31: {  	[smem:$0x3FB2] =	sst s10  }
0x32: {  	s10 =	sld [smem:$0x3FB0];
	_ =	sdelay $0x3  }
0x33: {  	p0 =	seq.s32 s10, $0x1;
	s10 =	sld [smem:$0x3FB2];
	_ =	sdelay $0x3  }
0x34: {  	[smem:$0x3FB2] =	sst s10  }
0x35: {  	s10 =	sld [smem:$0x3FB1];
	_ =	sdelay $0x3  }
0x36: {  	p1 =	seq.s32 s10, $0x1;
	s10 =	sld [smem:$0x3FB2];
	_ =	sdelay $0x3  }
0x37: {  	[smem:$0x3FB2] =	sst s10  }
0x38: {  	s10 =	sld [smem:$0x3FB3]  }
0x39: {  	_ = 	snop;
	(pc) =	sbr.ind lr, $3  }
0x3a: {  	_ = 	snop  }
0x3b: {  	_ = 	snop  }
0x3c: {  	p2 =	seq.s32 s10, $0x1;
	s10 =	sld [smem:$0x3FB2]  }
0x3d: {  	_ =	shalt  }
0x3e: {  	_ =	shalt  }
0x3f: {  	_ =	shalt  }
0x40: {  	_ =	shalt  }
0x41: {  	_ =	shalt  }
0x42: {  	_ =	shalt  }
0x43: {  	_ =	shalt  }
0x44: {  	_ =	shalt  }
0x45: {  	_ =	shalt  }
0x46: {  	_ =	shalt  }
0x47: {  	_ =	shalt  }
0x48: {  	_ =	shalt  }
0x49: {  	_ =	shalt  }
0x4a: {  	_ =	shalt  }
0x4b: {  	_ =	shalt  }
0x4c: {  	_ =	shalt  }
0x4d: {  	_ =	shalt  }
0x4e: {  	_ =	shalt  }
0x4f: {  	_ =	shalt  }
0x50: {  	_ =	shalt  }
0x51: {  	_ =	shalt  }
0x52: {  	_ =	shalt  }
0x53: {  	_ =	shalt  }
0x54: {  	_ =	shalt  }
0x55: {  	_ =	shalt  }
0x56: {  	_ =	shalt  }
0x57: {  	_ =	shalt  }
0x58: {  	_ =	shalt  }
0x59: {  	_ =	shalt  }
0x5a: {  	_ =	shalt  }
0x5b: {  	_ =	shalt  }
0x5c: {  	_ =	shalt  }
0x5d: {  	_ =	shalt  }
0x5e: {  	_ =	shalt  }
0x5f: {  	_ =	shalt  }
0x60: {  	_ =	shalt  }
0x61: {  	_ =	shalt  }
0x62: {  	_ =	shalt  }
0x63: {  	_ =	shalt  }
0x64: {  	_ =	shalt  }
0x65: {  	_ =	shalt  }
0x66: {  	_ =	shalt  }
0x67: {  	_ =	shalt  }
0x68: {  	_ =	shalt  }
0x69: {  	_ =	shalt  }
0x6a: {  	_ =	shalt  }
0x6b: {  	_ =	shalt  }
0x6c: {  	_ =	shalt  }
0x6d: {  	_ =	shalt  }
0x6e: {  	_ =	shalt  }
0x6f: {  	_ =	shalt  }
0x70: {  	_ =	shalt  }
0x71: {  	_ =	shalt  }
0x72: {  	_ =	shalt  }
0x73: {  	_ =	shalt  }
0x74: {  	_ =	shalt  }
0x75: {  	_ =	shalt  }
0x76: {  	_ =	shalt  }
0x77: {  	_ =	shalt  }
0x78: {  	_ =	shalt  }
0x79: {  	_ =	shalt  }
0x7a: {  	_ =	shalt  }
0x7b: {  	_ =	shalt  }
0x7c: {  	_ =	shalt  }
0x7d: {  	_ =	shalt  }
0x7e: {  	_ =	shalt  }
0x7f: {  	_ =	shalt  }
0x80: {  	_ =	shalt  }
0x81: {  	_ =	shalt  }
0x82: {  	_ =	shalt  }
0x83: {  	_ =	shalt  }
0x84: {  	_ =	shalt  }
0x85: {  	_ =	shalt  }
0x86: {  	_ =	shalt  }
0x87: {  	_ =	shalt  }
.Lfunc_end0:
.L_simem_size_0:
called_computation_lowered:
.L_overlay_start_0:
0x88: {  	s2 =	sld [smem:$0x3FD9]  }
0x89: {  	s3 =	sld [smem:$0x3FFE];
	_ =	sdelay $0x1  }
0x8a: {  	s1 =	srdreg.scid  }
0x8b: {  	s0 =	sand.u32 $0x1, s1  }
0x8c: {  	s17 =	sshll.u32 s0, $0xA;
	s2 =	sadd.s32 s3, s2  }
0x8d: {  	s2 =	sadd.s32 s2, s17  }
0x8e: {  	[smem:$0x3FBE] =	sst s2  }
0x8f: {  	_ = 	snop  }
0x90: {  	s2 =	sld [smem:$0x3FC9]  }
0x91: {  	s18 =	sld [smem:$0x3FC8];
	(tm) =	ssettm $0x1  }
0x92: {  	s4 =	sld [smem:$0x3FFB];
	_ =	sdelay $0x3  }
0x93: {  	_ =	strace s4  }
0x94: {  	s4 =	sld [smem:$0x3FFC];
	_ =	sdelay $0x3  }
0x95: {  	_ =	strace s4  }
0x96: {  	s4 =	sld [smem:$0x3FFD];
	_ =	sdelay $0x3  }
0x97: {  	_ =	strace s4  }
0x98: {  	_ =	strace $0x8FFFFFFF  }
0x99: {  	s19 =	sld [smem:$0x3FDB];
	_ =	sdelay $0x1  }
0x9a: {  	s5 =	simm.s32 $_scs_section_size  }
0x9b: {  	s6 =	simm.s32 $_size__tile_overlayer_lowered;
	s7 =	simm.s32 $_tile_overlayer_lowered  }
0x9c: {  	s22 =	simm.s32 $0x1BFF;
	s21 =	sshll.u32 s7, $0x1;
	s4 =	sadd.s32 s5, s19  }
0x9d: {  	s8 =	simm.s32 $0x0;
	s20 =	sshll.u32 s6, $0x1;
	s6 =	sadd.s32 s21, s4  }
0x9e: {  	[timem:s8], [sflag:s22] =	dma.local [hbm:s6], s20  }
0x9f: {  	_ =	swait.ge [sflag:s22], s20  }
0xa0: {  	s5 =	ssub.s32 $0x0, s20;
	[sflag:s22] =	ssyncset.done $0x0  }
0xa1: {  	[sflag:s22] =	ssyncadd.s32 s5;
	_ =	sdelay $0x1  }
0xa2: {  	s23 =	simm.s32 $0x1B8B  }
0xa3: {  	_ =	swait.ge [sflag:s23], $0x1  }
0xa4: {  	[sflag:s23] =	ssyncset.done $0x0  }
0xa5: {  	s25 =	simm.s32 $0x1B8E;
	s24 =	sld [smem:$0x3FFE];
	[sflag:s23] =	ssyncadd.s32 $0xFFFFFFFF  }
0xa6: {  	s26 =	simm.s32 $execute0_lowered;
	[smem:$0x3FD2] =	sst s25  }
0xa7: {  	s6 =	sshll.u32 s26, $0x1;
	_ =	strace $0x80000046;
	[dreg:$0x1] =	wrdreg $0xFFFFFFFF  }
0xa8: {  	s28 =	simm.s32 $_size_execute0_lowered;
	s4 =	sadd.s32 s4, s6;
	[dreg:$0x0] =	wrdreg $0x0  }
0xa9: {  	s6 =	sshll.u32 s28, $0x1;
	[dreg:$0x2] =	wrdreg s4  }
0xaa: {  	[dreg:$0x3] =	wrdreg s6  }
0xab: {  	[dreg:$0x4] =	wrdreg $0xC0  }
0xac: {  	_ =	task [dreg:s8], $0x5FFFF  }
0xad: {  	[dreg:$0x1] =	wrdreg $0xFFFFFFFF  }
0xae: {  	[dreg:$0x0] =	wrdreg $0x60  }
0xaf: {  	[dreg:$0x2] =	wrdreg s2  }
0xb0: {  	[dreg:$0x3] =	wrdreg s18  }
0xb1: {  	[dreg:$0x4] =	wrdreg s24  }
0xb2: {  	[dreg:$0x5] =	wrdreg $0x9  }
0xb3: {  	_ =	task.clear_ibuf [dreg:s8], $0x6FFFF;
	_ =	strace $0x90000046  }
0xb4: {  	s29 =	simm.s32 $0x9;
	_ =	strace $0x80000048  }
0xb5: {  	_ =	swait.ge [sflag:s29], $0x1  }
0xb6: {  	[sflag:s29] =	ssyncadd.s32 $0xFFFFFFFF  }
0xb7: {  	_ =	strace $0x90000048  }
0xb8: {  	_ =	sfence  }
0xb9: {  	s30 =	sld [smem:$0x0];
	_ =	sdelay $0x2  }
0xba: {  	s31 =	sshll.u32 s1, $0xD;
	s1 =	sshrl.u32 s1, $0x2  }
0xbb: {  	s3 =	sand.u32 $0x4000, s31;
	s1 =	sadd.s32 s1, s30  }
0xbc: {  	s0 =	sor.u32 s3, s0;
	s1 =	sshll.u32 s1, $0x11  }
0xbd: {  	s0 =	sor.u32 s1, s0  }
0xbe: {  	s0 =	sadd.s32 $0x8F2B, s0  }
0xbf: {  	[sflag:s0] =	ssyncadd.remote.s32 $0x1  }
0xc0: {  	_ =	sfence.sel $0xFFFF  }
0xc1: {  	[dreg:$0x0] =	wrdreg $0xFFFFFFFF;
	(pc) =	sbr.abs _section_cstart, $3  }
0xc2: {  	[dreg:$0x1] =	wrdreg $0xFFFFFFFF  }
0xc3: {  	_ =	task.clear_ibuf [dreg:s8], $0x2FFFF;
	_ =	strace $0x9FFFFFFF  }
0xc4: {  	(tm) =	ssettm $0x7FFFFFFF  }
0xc5: {  	_ =	shalt  }
tec
execute0_lowered:
.L_overlay_start_1:
0x0: {  	(tag) =	ssettag $0x1  }
0x1: {  	s0 =	rddreg [dreg:$0x0]  }
0x2: {  	s2 =	rddreg [dreg:$0x1]  }
0x3: {  	s5 =	rddreg [dreg:$0x2]  }
0x4: {  	s1 =	simm.s32 $0x0;
	s6 =	srdreg.scid;
	s7 =	stileid.u32  }
0x5: {  	s14 =	simm.s32 $0x1;
	s16 =	simm.s32 $0x2;
	s18 =	simm.s32 $0x3  }
0x6: {  	s20 =	simm.s32 $0x0;
	[smem:$0x7FF] =	sst s1;
	s6 =	sand.u32 $0x1, s6  }
0x7: {  	s3 =	sadd.s32 $0x1800, s5;
	s7 =	sshll.u32 s7, $0xA;
	s9 =	sshll.u32 s6, $0x9  }
0x8: {  	s4 =	sadd.s32 $0xF43C00, s5;
	s8 =	sadd.s32 $0x1E86000, s5;
	s25 =	sor.u32 s9, s7  }
0x9: {  	s10 =	sadd.s32 $0x1EC6000, s5;
	s24 =	ssub.s32 $0x2, s6;
	s9 =	sshrl.u32 s25, $0x3  }
0xa: {  	_ =	strace $0x80000047;
	s26 =	sshrl.u32 s24, $0x1;
	s0 =	sadd.s32 s0, s9  }
0xb: {  	s11 =	sshll.u32 s25, $0x4;
	s2 =	sadd.s32 s2, s9;
	[dreg:$0x4] =	wrdreg s0  }
0xc: {  	s12 =	ssub.s32 s24, s26;
	s29 =	sadd.s32 s8, s11;
	[dreg:$0x5] =	wrdreg s2  }
0xd: {  	s28 =	sor.u32 $0x1000, s11;
	s31 =	sadd.s32 s10, s11;
	[dreg:$0x6] =	wrdreg s29  }
0xe: {  	s11 =	smax.u32 s12, $0x1;
	s30 =	sadd.s32 s8, s28;
	[dreg:$0x8] =	wrdreg s31  }
0xf: {  	s12 =	simm.s32 $0x4;
	s10 =	sadd.s32 s10, s28;
	[dreg:$0x7] =	wrdreg s30  }
.LBB2_1:
0x10: {  	s0 =	rddreg [dreg:$0x4]  }
0x11: {  	[tilespmem:s1], [sflag:$0x4] =	stream.linear.gather [hbm4b:s0+s1], $0x200, $0x38;
	[tilespmem:$0x18400] =	vst v63  }
0x12: {  	_ =	swait.ge [sflag:s12], $0x200  }
0x13: {  	[sflag:s12] =	ssyncset.done $0x0  }
0x14: {  	s2 =	simm.s32 $0x200;
	s31 =	rddreg [dreg:$0x5];
	[sflag:s12] =	ssyncadd.s32 $0xFFFFFE00  }
0x15: {  	[tilespmem:s2], [sflag:$0x4] =	stream.linear.gather [hbm4b:s31+s1], $0x200, $0x38;
	[tilespmem:$0x18400] =	vst v63  }
0x16: {  	_ =	swait.ge [sflag:s12], $0x200  }
0x17: {  	[sflag:s12] =	ssyncset.done $0x0  }
0x18: {  	[sflag:s12] =	ssyncadd.s32 $0xFFFFFE00  }
0x19: {  	v0 =	vld [tilespmem:s1+$0x0];
	_ =	sdelay $0x4  }
0x1a: {  	v0 =	vshll.u32 v0, $0x4  }
0x1b: {  	(v2sf) =	vpush v0, $0x0  }
0x1c: {  	(v2sf) =	vpush v0, $0x1  }
0x1d: {  	(v2sf) =	vpush v0, $0x2;
	_ =	sdelay $0x1  }
0x1e: {  	(v2sf) =	vpush v0, $0x4;
	_ =	sdelay $0x1  }
0x1f: {  	(v2sf) =	vpush v0, $0x3  }
0x20: {  	(v2sf) =	vpush v0, $0x5  }
0x21: {  	s23 =	simm.s32 $0x2000;
	s22 =	simm.s32 $0x0;
	s24 =	simm.s32 $0x0;
	(v2sf) =	vpush v0, $0x6  }
.LBB2_2:
0x22: {  	p0 =	sne.s32 s23, $0x1E000  }
0x23: {  	s17 =	sadd.s32 $0x480, s22;
	s29 =	sadd.s32 $0x980, s22;
	s25 =	smov.u32 s23  }
0x24: {  	s23 =	sadd.s32 $0x2000, s23;
	s0 =	sadd.s32 $0x780, s22;
	s26 =	sadd.s32 $0xA00, s22;
	(v2sf) =	vpush v0, $0x7  }
0x25: {  	s13 =	sadd.s32 $0x680, s22;
	s30 =	sadd.s32 $0x800, s22;
	s28 =	sadd.s32 $0xA80, s22  }
0x26: {  	s19 =	sadd.s32 $0x400, s22;
	s15 =	sadd.s32 $0x600, s22;
	(v2sf) =	vpush v0, $0x8  }
0x27: {  	s21 =	simm.s32 $0x0;
	s5 =	sadd.s32 $0x700, s22;
	s24 =	sadd.s32 $0x10, s24  }
0x28: {  	s6 =	sadd.s32 $0x500, s22;
	s31 =	sadd.s32 $0x900, s22;
	s2 =	spop (v2sf);
	(v2sf) =	vpush v0, $0x9  }
0x29: {  	s7 =	sand.u32 $0x1FFFFFF0, s2;
	s2 =	sadd.s32 $0x880, s22;
	s8 =	spop (v2sf)  }
0x2a: {  	s7 =	sadd.s32 s3, s7;
	s8 =	sand.u32 $0x1FFFFFF0, s8;
	s9 =	spop (v2sf);
	(v2sf) =	vpush v0, $0xA  }
0x2b: {  	[tilespmem:s19], [sflag:$0x1] =	stream.linear.gather [hbm4b:s7+s21], $0x80, $0x38;
	[tilespmem:$0x18400] =	vst v63  }
0x2c: {  	s7 =	sadd.s32 s3, s8;
	s8 =	sadd.s32 $0x580, s22;
	s19 =	spop (v2sf);
	(v2sf) =	vpush v0, $0xB  }
0x2d: {  	[tilespmem:s17], [sflag:$0x1] =	stream.linear.gather [hbm4b:s7+s21], $0x80, $0x38;
	[tilespmem:$0x18400] =	vst v63  }
0x2e: {  	s7 =	sand.u32 $0x1FFFFFF0, s9;
	s9 =	sand.u32 $0x1FFFFFF0, s19;
	s17 =	spop (v2sf);
	(v2sf) =	vpush v0, $0xC  }
0x2f: {  	s7 =	sadd.s32 s3, s7;
	s17 =	sand.u32 $0x1FFFFFF0, s17;
	s19 =	spop (v2sf)  }
0x30: {  	[tilespmem:s6], [sflag:$0x1] =	stream.linear.gather [hbm4b:s7+s21], $0x80, $0x38;
	(v2sf) =	vpush v0, $0xD;
	[tilespmem:$0x18400] =	vst v63  }
0x31: {  	s6 =	sadd.s32 s3, s17;
	s7 =	sand.u32 $0x1FFFFFF0, s19;
	s17 =	spop (v2sf)  }
0x32: {  	[tilespmem:s8], [sflag:$0x1] =	stream.linear.gather [hbm4b:s6+s21], $0x80, $0x38;
	(v2sf) =	vpush v0, $0xE;
	[tilespmem:$0x18400] =	vst v63  }
0x33: {  	s6 =	sadd.s32 s3, s9;
	s8 =	sand.u32 $0x1FFFFFF0, s17;
	s9 =	spop (v2sf)  }
0x34: {  	[tilespmem:s15], [sflag:$0x1] =	stream.linear.gather [hbm4b:s6+s21], $0x80, $0x38;
	(v2sf) =	vpush v0, $0xF;
	[tilespmem:$0x18400] =	vst v63  }
0x35: {  	s6 =	sadd.s32 s3, s7;
	s7 =	sand.u32 $0x1FFFFFF0, s9;
	s9 =	spop (v2sf)  }
0x36: {  	[tilespmem:s13], [sflag:$0x1] =	stream.linear.gather [hbm4b:s6+s21], $0x80, $0x38;
	[tilespmem:$0x18400] =	vst v63  }
0x37: {  	s6 =	sadd.s32 s3, s8;
	s8 =	sand.u32 $0x1FFFFFF0, s9;
	s9 =	spop (v2sf)  }
0x38: {  	[tilespmem:s5], [sflag:$0x1] =	stream.linear.gather [hbm4b:s6+s21], $0x80, $0x38;
	[tilespmem:$0x18400] =	vst v63  }
0x39: {  	s5 =	sadd.s32 s3, s7;
	s6 =	sand.u32 $0x1FFFFFF0, s9;
	s7 =	spop (v2sf)  }
0x3a: {  	[tilespmem:s0], [sflag:$0x1] =	stream.linear.gather [hbm4b:s5+s21], $0x80, $0x38;
	[tilespmem:$0x18400] =	vst v63  }
0x3b: {  	s0 =	sadd.s32 s3, s8;
	s5 =	sand.u32 $0x1FFFFFF0, s7;
	s7 =	spop (v2sf)  }
0x3c: {  	[tilespmem:s30], [sflag:$0x1] =	stream.linear.gather [hbm4b:s0+s21], $0x80, $0x38;
	[tilespmem:$0x18400] =	vst v63  }
0x3d: {  	s0 =	sadd.s32 s3, s6;
	s6 =	sand.u32 $0x1FFFFFF0, s7;
	s7 =	spop (v2sf)  }
0x3e: {  	[tilespmem:s2], [sflag:$0x1] =	stream.linear.gather [hbm4b:s0+s21], $0x80, $0x38;
	[tilespmem:$0x18400] =	vst v63  }
0x3f: {  	s0 =	sadd.s32 s3, s5;
	s2 =	sand.u32 $0x1FFFFFF0, s7;
	s5 =	spop (v2sf)  }
0x40: {  	[tilespmem:s31], [sflag:$0x1] =	stream.linear.gather [hbm4b:s0+s21], $0x80, $0x38;
	[tilespmem:$0x18400] =	vst v63  }
0x41: {  	s0 =	sadd.s32 s3, s6;
	s5 =	sand.u32 $0x1FFFFFF0, s5;
	s6 =	spop (v2sf)  }
0x42: {  	[tilespmem:s29], [sflag:$0x1] =	stream.linear.gather [hbm4b:s0+s21], $0x80, $0x38;
	[tilespmem:$0x18400] =	vst v63  }
0x43: {  	s0 =	sadd.s32 s3, s2;
	s2 =	sand.u32 $0x1FFFFFF0, s6;
	s6 =	spop (v2sf)  }
0x44: {  	[tilespmem:s26], [sflag:$0x1] =	stream.linear.gather [hbm4b:s0+s21], $0x80, $0x38;
	[tilespmem:$0x18400] =	vst v63  }
0x45: {  	s0 =	sadd.s32 s3, s5;
	s5 =	sand.u32 $0x1FFFFFF0, s6  }
0x46: {  	[tilespmem:s28], [sflag:$0x1] =	stream.linear.gather [hbm4b:s0+s21], $0x80, $0x38;
	[tilespmem:$0x18400] =	vst v63  }
0x47: {  	s2 =	sadd.s32 s3, s2;
	s0 =	sadd.s32 $0xB00, s22  }
0x48: {  	[tilespmem:s0], [sflag:$0x1] =	stream.linear.gather [hbm4b:s2+s21], $0x80, $0x38;
	[tilespmem:$0x18400] =	vst v63  }
0x49: {  	s0 =	sadd.s32 $0xB80, s22;
	s2 =	sadd.s32 s3, s5  }
0x4a: {  	[tilespmem:s0], [sflag:$0x1] =	stream.linear.gather [hbm4b:s2+s21], $0x80, $0x38;
	[tilespmem:$0x18400] =	vst v63  }
0x4b: {  	v0 =	vld [tilespmem:s24+$0x0];
	_ =	sdelay $0x4  }
0x4c: {  	v0 =	vshll.u32 v0, $0x4  }
0x4d: {  	(v2sf) =	vpush v0, $0x0  }
0x4e: {  	(v2sf) =	vpush v0, $0x1  }
0x4f: {  	(v2sf) =	vpush v0, $0x2;
	_ =	sdelay $0x1  }
0x50: {  	(v2sf) =	vpush v0, $0x4  }
.Ltmp0:
0x51: {  	(pc) =	sbr.rel @p0 .LBB2_2-.Ltmp0, $3  }
0x52: {  	(v2sf) =	vpush v0, $0x3  }
0x53: {  	(v2sf) =	vpush v0, $0x5;
	_ =	sdelay $0x1  }
0x54: {  	s22 =	sshra.s32 s25, $0x2;
	(v2sf) =	vpush v0, $0x6  }
0x55: {  	_ =	sdelay $0x1  }
0x56: {  	s2 =	sadd.s32 $0x480, s22;
	s24 =	sadd.s32 $0x980, s22  }
0x57: {  	s5 =	sadd.s32 $0x780, s22;
	s0 =	sadd.s32 $0xA00, s22;
	(v2sf) =	vpush v0, $0x7;
	s6 =	sadd.s32 $0x680, s22  }
0x58: {  	s7 =	sadd.s32 $0x800, s22;
	s23 =	sadd.s32 $0xA80, s22;
	s8 =	sadd.s32 $0x400, s22  }
0x59: {  	s9 =	sadd.s32 $0x600, s22;
	s13 =	sadd.s32 $0x700, s22;
	(v2sf) =	vpush v0, $0x8;
	s15 =	spop (v2sf)  }
0x5a: {  	s17 =	sadd.s32 $0x500, s22;
	s15 =	sand.u32 $0x1FFFFFF0, s15;
	s19 =	spop (v2sf)  }
0x5b: {  	(v2sf) =	vpush v0, $0x9;
	s15 =	sadd.s32 s3, s15;
	s19 =	sand.u32 $0x1FFFFFF0, s19;
	s25 =	spop (v2sf)  }
0x5c: {  	[tilespmem:s8], [sflag:$0x1] =	stream.linear.gather [hbm4b:s15+s21], $0x80, $0x38;
	[tilespmem:$0x18400] =	vst v63  }
0x5d: {  	(v2sf) =	vpush v0, $0xA;
	s26 =	sadd.s32 s3, s19;
	s29 =	sand.u32 $0x1FFFFFF0, s25;
	s28 =	spop (v2sf)  }
0x5e: {  	[tilespmem:s2], [sflag:$0x1] =	stream.linear.gather [hbm4b:s26+s21], $0x80, $0x38;
	[tilespmem:$0x18400] =	vst v63  }
0x5f: {  	s8 =	sadd.s32 $0x900, s22;
	(v2sf) =	vpush v0, $0xB;
	s15 =	sadd.s32 s3, s29;
	s30 =	spop (v2sf)  }
0x60: {  	s2 =	sadd.s32 $0x880, s22;
	s26 =	sadd.s32 $0x580, s22;
	s25 =	sand.u32 $0x1FFFFFF0, s30  }
0x61: {  	(v2sf) =	vpush v0, $0xC;
	[tilespmem:s17], [sflag:$0x1] =	stream.linear.gather [hbm4b:s15+s21], $0x80, $0x38;
	[tilespmem:$0x18400] =	vst v63  }
0x62: {  	s31 =	sand.u32 $0x1FFFFFF0, s28;
	s28 =	spop (v2sf);
	s29 =	sadd.s32 s3, s25  }
0x63: {  	(v2sf) =	vpush v0, $0xD;
	[tilespmem:s26], [sflag:$0x1] =	stream.linear.gather [hbm4b:s29+s21], $0x80, $0x38;
	[tilespmem:$0x18400] =	vst v63  }
0x64: {  	s15 =	sadd.s32 s3, s31;
	s17 =	sand.u32 $0x1FFFFFF0, s28;
	s30 =	spop (v2sf)  }
0x65: {  	(v2sf) =	vpush v0, $0xE;
	[tilespmem:s9], [sflag:$0x1] =	stream.linear.gather [hbm4b:s15+s21], $0x80, $0x38;
	[tilespmem:$0x18400] =	vst v63  }
0x66: {  	s17 =	sadd.s32 s3, s17;
	s31 =	sand.u32 $0x1FFFFFF0, s30;
	s19 =	spop (v2sf)  }
0x67: {  	(v2sf) =	vpush v0, $0xF;
	[tilespmem:s6], [sflag:$0x1] =	stream.linear.gather [hbm4b:s17+s21], $0x80, $0x38;
	[tilespmem:$0x18400] =	vst v63  }
0x68: {  	s25 =	sand.u32 $0x1FFFFFF0, s19;
	s26 =	spop (v2sf);
	s9 =	sadd.s32 s3, s31  }
0x69: {  	[tilespmem:s13], [sflag:$0x1] =	stream.linear.gather [hbm4b:s9+s21], $0x80, $0x38;
	[tilespmem:$0x18400] =	vst v63  }
0x6a: {  	s28 =	sand.u32 $0x1FFFFFF0, s26;
	s6 =	sadd.s32 s3, s25;
	s29 =	spop (v2sf)  }
0x6b: {  	[tilespmem:s5], [sflag:$0x1] =	stream.linear.gather [hbm4b:s6+s21], $0x80, $0x38;
	[tilespmem:$0x18400] =	vst v63  }
0x6c: {  	s9 =	sadd.s32 s3, s28;
	s30 =	sand.u32 $0x1FFFFFF0, s29;
	s31 =	spop (v2sf)  }
0x6d: {  	[tilespmem:s7], [sflag:$0x1] =	stream.linear.gather [hbm4b:s9+s21], $0x80, $0x38;
	[tilespmem:$0x18400] =	vst v63  }
0x6e: {  	s6 =	sand.u32 $0x1FFFFFF0, s31;
	s5 =	sadd.s32 s3, s30;
	s9 =	spop (v2sf)  }
0x6f: {  	[tilespmem:s2], [sflag:$0x1] =	stream.linear.gather [hbm4b:s5+s21], $0x80, $0x38;
	[tilespmem:$0x18400] =	vst v63  }
0x70: {  	s6 =	sadd.s32 s3, s6;
	s13 =	sand.u32 $0x1FFFFFF0, s9;
	s15 =	spop (v2sf)  }
0x71: {  	[tilespmem:s8], [sflag:$0x1] =	stream.linear.gather [hbm4b:s6+s21], $0x80, $0x38;
	[tilespmem:$0x18400] =	vst v63  }
0x72: {  	s2 =	sadd.s32 s3, s13;
	s5 =	sand.u32 $0x1FFFFFF0, s15;
	s17 =	spop (v2sf)  }
0x73: {  	[tilespmem:s24], [sflag:$0x1] =	stream.linear.gather [hbm4b:s2+s21], $0x80, $0x38;
	[tilespmem:$0x18400] =	vst v63  }
0x74: {  	s19 =	sand.u32 $0x1FFFFFF0, s17;
	s5 =	sadd.s32 s3, s5;
	s24 =	spop (v2sf)  }
0x75: {  	[tilespmem:s0], [sflag:$0x1] =	stream.linear.gather [hbm4b:s5+s21], $0x80, $0x38;
	[tilespmem:$0x18400] =	vst v63  }
0x76: {  	s2 =	sadd.s32 s3, s19;
	s25 =	sand.u32 $0x1FFFFFF0, s24;
	s26 =	spop (v2sf)  }
0x77: {  	[tilespmem:s23], [sflag:$0x1] =	stream.linear.gather [hbm4b:s2+s21], $0x80, $0x38;
	[tilespmem:$0x18400] =	vst v63  }
0x78: {  	s29 =	sadd.s32 $0xB00, s22;
	s28 =	sand.u32 $0x1FFFFFF0, s26;
	s0 =	sadd.s32 s3, s25  }
0x79: {  	[tilespmem:s29], [sflag:$0x1] =	stream.linear.gather [hbm4b:s0+s21], $0x80, $0x38;
	[tilespmem:$0x18400] =	vst v63  }
0x7a: {  	s30 =	sadd.s32 $0xB80, s22;
	s31 =	sand.u32 $0xF0, s21;
	s2 =	sadd.s32 s3, s28  }
0x7b: {  	[tilespmem:s30], [sflag:$0x1] =	stream.linear.gather [hbm4b:s2+s21], $0x80, $0x38;
	[tilespmem:$0x18400] =	vst v63  }
0x7c: {  	v0 =	vld [tilespmem:s31+$0x100];
	_ =	sdelay $0x4  }
0x7d: {  	v0 =	vshll.u32 v0, $0x4  }
0x7e: {  	(v2sf) =	vpush v0, $0x0  }
0x7f: {  	(v2sf) =	vpush v0, $0x2  }
0x80: {  	(v2sf) =	vpush v0, $0x1;
	_ =	sdelay $0x1  }
0x81: {  	(v2sf) =	vpush v0, $0x3  }
0x82: {  	(v2sf) =	vpush v0, $0x4;
	_ =	sdelay $0x2  }
0x83: {  	s22 =	simm.s32 $0x2000;
	s24 =	simm.s32 $0x10;
	s23 =	simm.s32 $0x0  }
.LBB2_4:
0x84: {  	p0 =	sne.s32 s22, $0x1E000;
	(v2sf) =	vpush v0, $0x5;
	s0 =	smov.u32 s22;
	s22 =	sadd.s32 $0x2000, s22  }
0x85: {  	s25 =	sshra.s32 s23, $0x2;
	s23 =	smov.u32 s0  }
0x86: {  	s5 =	sadd.s32 $0x8480, s25;
	(v2sf) =	vpush v0, $0x6  }
0x87: {  	s6 =	sadd.s32 $0x8400, s25  }
0x88: {  	s29 =	sadd.s32 $0x8980, s25;
	s28 =	sadd.s32 $0x8A00, s25;
	s26 =	sadd.s32 $0x8A80, s25;
	(v2sf) =	vpush v0, $0x7  }
0x89: {  	s31 =	sadd.s32 $0x8800, s25;
	s0 =	sadd.s32 $0x8880, s25;
	s30 =	sadd.s32 $0x8900, s25  }
0x8a: {  	s7 =	sadd.s32 $0x8700, s25;
	s2 =	sadd.s32 $0x8780, s25;
	s8 =	spop (v2sf);
	(v2sf) =	vpush v0, $0x8  }
0x8b: {  	s9 =	sadd.s32 $0x8500, s25;
	s8 =	sand.u32 $0x1FFFFFF0, s8;
	s13 =	spop (v2sf)  }
0x8c: {  	s15 =	sadd.s32 $0x8680, s25;
	s8 =	sadd.s32 s3, s8;
	s17 =	spop (v2sf);
	(v2sf) =	vpush v0, $0x9  }
0x8d: {  	[tilespmem:s6], [sflag:$0x2] =	stream.linear.gather [hbm4b:s8+s21], $0x80, $0x38;
	[tilespmem:$0x18400] =	vst v63  }
0x8e: {  	s6 =	sand.u32 $0x1FFFFFF0, s17;
	s8 =	sand.u32 $0x1FFFFFF0, s13;
	s13 =	spop (v2sf);
	(v2sf) =	vpush v0, $0xA  }
0x8f: {  	s17 =	sadd.s32 $0x8600, s25;
	s6 =	sadd.s32 s3, s6;
	s19 =	spop (v2sf)  }
0x90: {  	[tilespmem:s5], [sflag:$0x2] =	stream.linear.gather [hbm4b:s6+s21], $0x80, $0x38;
	(v2sf) =	vpush v0, $0xB;
	[tilespmem:$0x18400] =	vst v63  }
0x91: {  	s5 =	sadd.s32 s3, s8;
	s6 =	sand.u32 $0x1FFFFFF0, s13;
	s8 =	sand.u32 $0x1FFFFFF0, s19  }
0x92: {  	[tilespmem:s9], [sflag:$0x2] =	stream.linear.gather [hbm4b:s5+s21], $0x80, $0x38;
	(v2sf) =	vpush v0, $0xC;
	[tilespmem:$0x18400] =	vst v63  }
0x93: {  	s6 =	sadd.s32 s3, s6;
	s5 =	sadd.s32 $0x8580, s25;
	s9 =	spop (v2sf)  }
0x94: {  	[tilespmem:s5], [sflag:$0x2] =	stream.linear.gather [hbm4b:s6+s21], $0x80, $0x38;
	(v2sf) =	vpush v0, $0xD;
	[tilespmem:$0x18400] =	vst v63  }
0x95: {  	s5 =	sadd.s32 s3, s8;
	s6 =	sand.u32 $0x1FFFFFF0, s9;
	s8 =	spop (v2sf)  }
0x96: {  	[tilespmem:s17], [sflag:$0x2] =	stream.linear.gather [hbm4b:s5+s21], $0x80, $0x38;
	(v2sf) =	vpush v0, $0xE;
	[tilespmem:$0x18400] =	vst v63  }
0x97: {  	s5 =	sadd.s32 s3, s6;
	s6 =	sand.u32 $0x1FFFFFF0, s8;
	s8 =	spop (v2sf)  }
0x98: {  	[tilespmem:s15], [sflag:$0x2] =	stream.linear.gather [hbm4b:s5+s21], $0x80, $0x38;
	(v2sf) =	vpush v0, $0xF;
	[tilespmem:$0x18400] =	vst v63  }
0x99: {  	s5 =	sadd.s32 s3, s6;
	s6 =	sand.u32 $0x1FFFFFF0, s8;
	s8 =	spop (v2sf)  }
0x9a: {  	[tilespmem:s7], [sflag:$0x2] =	stream.linear.gather [hbm4b:s5+s21], $0x80, $0x38;
	[tilespmem:$0x18400] =	vst v63  }
0x9b: {  	s5 =	sadd.s32 s3, s6;
	s6 =	sand.u32 $0x1FFFFFF0, s8;
	s7 =	spop (v2sf)  }
0x9c: {  	[tilespmem:s2], [sflag:$0x2] =	stream.linear.gather [hbm4b:s5+s21], $0x80, $0x38;
	[tilespmem:$0x18400] =	vst v63  }
0x9d: {  	s2 =	sadd.s32 s3, s6;
	s5 =	sand.u32 $0x1FFFFFF0, s7;
	s6 =	spop (v2sf)  }
0x9e: {  	[tilespmem:s31], [sflag:$0x2] =	stream.linear.gather [hbm4b:s2+s21], $0x80, $0x38;
	[tilespmem:$0x18400] =	vst v63  }
0x9f: {  	s2 =	sadd.s32 s3, s5;
	s5 =	sand.u32 $0x1FFFFFF0, s6;
	s6 =	spop (v2sf)  }
0xa0: {  	[tilespmem:s0], [sflag:$0x2] =	stream.linear.gather [hbm4b:s2+s21], $0x80, $0x38;
	[tilespmem:$0x18400] =	vst v63  }
0xa1: {  	s0 =	sadd.s32 s3, s5;
	s2 =	sand.u32 $0x1FFFFFF0, s6;
	s5 =	spop (v2sf)  }
0xa2: {  	[tilespmem:s30], [sflag:$0x2] =	stream.linear.gather [hbm4b:s0+s21], $0x80, $0x38;
	[tilespmem:$0x18400] =	vst v63  }
0xa3: {  	s0 =	sadd.s32 s3, s2;
	s2 =	sand.u32 $0x1FFFFFF0, s5;
	s5 =	spop (v2sf)  }
0xa4: {  	[tilespmem:s29], [sflag:$0x2] =	stream.linear.gather [hbm4b:s0+s21], $0x80, $0x38;
	[tilespmem:$0x18400] =	vst v63  }
0xa5: {  	s0 =	sadd.s32 s3, s2;
	s2 =	sand.u32 $0x1FFFFFF0, s5;
	s5 =	spop (v2sf)  }
0xa6: {  	[tilespmem:s28], [sflag:$0x2] =	stream.linear.gather [hbm4b:s0+s21], $0x80, $0x38;
	[tilespmem:$0x18400] =	vst v63  }
0xa7: {  	s0 =	sadd.s32 s3, s2;
	s2 =	sand.u32 $0x1FFFFFF0, s5;
	s5 =	spop (v2sf)  }
0xa8: {  	[tilespmem:s26], [sflag:$0x2] =	stream.linear.gather [hbm4b:s0+s21], $0x80, $0x38;
	[tilespmem:$0x18400] =	vst v63  }
0xa9: {  	s2 =	sadd.s32 s3, s2;
	s0 =	sadd.s32 $0x8B00, s25;
	s5 =	sand.u32 $0x1FFFFFF0, s5  }
0xaa: {  	[tilespmem:s0], [sflag:$0x2] =	stream.linear.gather [hbm4b:s2+s21], $0x80, $0x38;
	[tilespmem:$0x18400] =	vst v63  }
0xab: {  	s5 =	sadd.s32 s3, s5;
	s0 =	sand.u32 $0xF0, s24;
	s2 =	sadd.s32 $0x8B80, s25  }
0xac: {  	[tilespmem:s2], [sflag:$0x2] =	stream.linear.gather [hbm4b:s5+s21], $0x80, $0x38;
	[tilespmem:$0x18400] =	vst v63  }
0xad: {  	v0 =	vld [tilespmem:s0+$0x100];
	_ =	sdelay $0x4  }
0xae: {  	v0 =	vshll.u32 v0, $0x4  }
0xaf: {  	(v2sf) =	vpush v0, $0x0  }
0xb0: {  	(v2sf) =	vpush v0, $0x2  }
0xb1: {  	(v2sf) =	vpush v0, $0x1;
	_ =	sdelay $0x1  }
.Ltmp1:
0xb2: {  	(v2sf) =	vpush v0, $0x3;
	(pc) =	sbr.rel @p0 .LBB2_4-.Ltmp1, $2  }
0xb3: {  	(v2sf) =	vpush v0, $0x4;
	_ =	sdelay $0x2  }
0xb4: {  	s24 =	sadd.s32 $0x10, s24  }
0xb5: {  	(v2sf) =	vpush v0, $0x5;
	_ =	sdelay $0x1  }
0xb6: {  	s22 =	sshra.s32 s23, $0x2;
	(v2sf) =	vpush v0, $0x6  }
0xb7: {  	s5 =	sadd.s32 $0x8480, s22;
	s6 =	sadd.s32 $0x8400, s22  }
0xb8: {  	s2 =	sadd.s32 $0x8980, s22;
	s23 =	sadd.s32 $0x8A00, s22;
	s0 =	sadd.s32 $0x8A80, s22;
	(v2sf) =	vpush v0, $0x7  }
0xb9: {  	s7 =	sadd.s32 $0x8800, s22;
	s8 =	sadd.s32 $0x8880, s22;
	s9 =	sadd.s32 $0x8900, s22  }
0xba: {  	s13 =	sadd.s32 $0x8700, s22;
	s15 =	sadd.s32 $0x8780, s22;
	s17 =	spop (v2sf);
	(v2sf) =	vpush v0, $0x8  }
0xbb: {  	s19 =	sadd.s32 $0x8500, s22;
	s17 =	sand.u32 $0x1FFFFFF0, s17;
	s24 =	spop (v2sf)  }
0xbc: {  	s25 =	sadd.s32 $0x8680, s22;
	s17 =	sadd.s32 s3, s17;
	s26 =	spop (v2sf);
	(v2sf) =	vpush v0, $0x9  }
0xbd: {  	[tilespmem:s6], [sflag:$0x2] =	stream.linear.gather [hbm4b:s17+s21], $0x80, $0x38;
	[tilespmem:$0x18400] =	vst v63  }
0xbe: {  	s30 =	sand.u32 $0x1FFFFFF0, s24;
	s29 =	sand.u32 $0x1FFFFFF0, s26;
	s31 =	spop (v2sf);
	(v2sf) =	vpush v0, $0xA  }
0xbf: {  	s24 =	sadd.s32 $0x8580, s22;
	s6 =	sadd.s32 s3, s29;
	s28 =	spop (v2sf)  }
0xc0: {  	[tilespmem:s5], [sflag:$0x2] =	stream.linear.gather [hbm4b:s6+s21], $0x80, $0x38;
	(v2sf) =	vpush v0, $0xB;
	[tilespmem:$0x18400] =	vst v63  }
0xc1: {  	s26 =	sadd.s32 $0x8600, s22;
	s29 =	sadd.s32 s3, s30;
	s30 =	sand.u32 $0x1FFFFFF0, s31  }
0xc2: {  	(v2sf) =	vpush v0, $0xC;
	[tilespmem:s19], [sflag:$0x2] =	stream.linear.gather [hbm4b:s29+s21], $0x80, $0x38;
	[tilespmem:$0x18400] =	vst v63  }
0xc3: {  	s31 =	sand.u32 $0x1FFFFFF0, s28;
	s6 =	sadd.s32 s3, s30;
	s28 =	spop (v2sf)  }
0xc4: {  	[tilespmem:s24], [sflag:$0x2] =	stream.linear.gather [hbm4b:s6+s21], $0x80, $0x38;
	(v2sf) =	vpush v0, $0xD;
	[tilespmem:$0x18400] =	vst v63  }
0xc5: {  	s29 =	sadd.s32 s3, s31;
	s30 =	sand.u32 $0x1FFFFFF0, s28;
	s31 =	spop (v2sf)  }
0xc6: {  	(v2sf) =	vpush v0, $0xE;
	[tilespmem:s26], [sflag:$0x2] =	stream.linear.gather [hbm4b:s29+s21], $0x80, $0x38;
	[tilespmem:$0x18400] =	vst v63  }
0xc7: {  	s6 =	sadd.s32 s3, s30;
	s19 =	sand.u32 $0x1FFFFFF0, s31;
	s24 =	spop (v2sf)  }
0xc8: {  	(v2sf) =	vpush v0, $0xF;
	[tilespmem:s25], [sflag:$0x2] =	stream.linear.gather [hbm4b:s6+s21], $0x80, $0x38;
	[tilespmem:$0x18400] =	vst v63  }
0xc9: {  	s26 =	sand.u32 $0x1FFFFFF0, s24;
	s25 =	sadd.s32 s3, s19;
	s28 =	spop (v2sf)  }
0xca: {  	[tilespmem:s13], [sflag:$0x2] =	stream.linear.gather [hbm4b:s25+s21], $0x80, $0x38;
	[tilespmem:$0x18400] =	vst v63  }
0xcb: {  	s29 =	sadd.s32 s3, s26;
	s30 =	sand.u32 $0x1FFFFFF0, s28;
	s31 =	spop (v2sf)  }
0xcc: {  	[tilespmem:s15], [sflag:$0x2] =	stream.linear.gather [hbm4b:s29+s21], $0x80, $0x38;
	[tilespmem:$0x18400] =	vst v63  }
0xcd: {  	s17 =	sadd.s32 s3, s30;
	s19 =	sand.u32 $0x1FFFFFF0, s31;
	s24 =	spop (v2sf)  }
0xce: {  	[tilespmem:s7], [sflag:$0x2] =	stream.linear.gather [hbm4b:s17+s21], $0x80, $0x38;
	[tilespmem:$0x18400] =	vst v63  }
0xcf: {  	s25 =	sadd.s32 s3, s19;
	s26 =	sand.u32 $0x1FFFFFF0, s24;
	s28 =	spop (v2sf)  }
0xd0: {  	[tilespmem:s8], [sflag:$0x2] =	stream.linear.gather [hbm4b:s25+s21], $0x80, $0x38;
	[tilespmem:$0x18400] =	vst v63  }
0xd1: {  	s29 =	sadd.s32 s3, s26;
	s30 =	sand.u32 $0x1FFFFFF0, s28;
	s31 =	spop (v2sf)  }
0xd2: {  	[tilespmem:s9], [sflag:$0x2] =	stream.linear.gather [hbm4b:s29+s21], $0x80, $0x38;
	[tilespmem:$0x18400] =	vst v63  }
0xd3: {  	s8 =	sadd.s32 s3, s30;
	s9 =	sand.u32 $0x1FFFFFF0, s31;
	s13 =	spop (v2sf)  }
0xd4: {  	[tilespmem:s2], [sflag:$0x2] =	stream.linear.gather [hbm4b:s8+s21], $0x80, $0x38;
	[tilespmem:$0x18400] =	vst v63  }
0xd5: {  	s15 =	sadd.s32 s3, s9;
	s17 =	sand.u32 $0x1FFFFFF0, s13;
	s19 =	spop (v2sf)  }
0xd6: {  	[tilespmem:s23], [sflag:$0x2] =	stream.linear.gather [hbm4b:s15+s21], $0x80, $0x38;
	[tilespmem:$0x18400] =	vst v63  }
0xd7: {  	s24 =	sand.u32 $0x1FFFFFF0, s19;
	s25 =	spop (v2sf);
	s23 =	sadd.s32 s3, s17  }
0xd8: {  	[tilespmem:s0], [sflag:$0x2] =	stream.linear.gather [hbm4b:s23+s21], $0x80, $0x38;
	[tilespmem:$0x18400] =	vst v63  }
0xd9: {  	s26 =	sadd.s32 $0x8B00, s22;
	s28 =	sadd.s32 s3, s24;
	s29 =	sand.u32 $0x1FFFFFF0, s25  }
0xda: {  	[tilespmem:s26], [sflag:$0x2] =	stream.linear.gather [hbm4b:s28+s21], $0x80, $0x38;
	[tilespmem:$0x18400] =	vst v63  }
0xdb: {  	s30 =	sadd.s32 $0x8B80, s22;
	s22 =	simm.s32 $0x200;
	s31 =	sadd.s32 s3, s29  }
0xdc: {  	[tilespmem:s30], [sflag:$0x2] =	stream.linear.gather [hbm4b:s31+s21], $0x80, $0x38;
	[tilespmem:$0x18400] =	vst v63  }
0xdd: {  	v0 =	vld [tilespmem:s22+$0x0];
	_ =	sdelay $0x4  }
0xde: {  	v0 =	vshll.u32 v0, $0x4  }
0xdf: {  	(v2sf) =	vpush v0, $0x0  }
0xe0: {  	(v2sf) =	vpush v0, $0x1  }
0xe1: {  	(v2sf) =	vpush v0, $0x2;
	_ =	sdelay $0x1  }
0xe2: {  	(v2sf) =	vpush v0, $0x4;
	_ =	sdelay $0x1  }
0xe3: {  	(v2sf) =	vpush v0, $0x3  }
0xe4: {  	(v2sf) =	vpush v0, $0x5  }
0xe5: {  	s23 =	simm.s32 $0x2000;
	s21 =	simm.s32 $0x0;
	(v2sf) =	vpush v0, $0x6  }
.LBB2_6:
0xe6: {  	p0 =	sne.s32 s23, $0x1E000  }
0xe7: {  	s5 =	sadd.s32 $0x10480, s21;
	s28 =	sadd.s32 $0x10980, s21;
	s24 =	smov.u32 s23  }
0xe8: {  	s23 =	sadd.s32 $0x2000, s23;
	s30 =	sadd.s32 $0x10780, s21;
	s25 =	sadd.s32 $0x10A00, s21;
	(v2sf) =	vpush v0, $0x7  }
0xe9: {  	s13 =	sadd.s32 $0x10680, s21;
	s0 =	sadd.s32 $0x10800, s21;
	s26 =	sadd.s32 $0x10A80, s21  }
0xea: {  	s6 =	sadd.s32 $0x10400, s21;
	s7 =	sadd.s32 $0x10600, s21;
	(v2sf) =	vpush v0, $0x8  }
0xeb: {  	s8 =	sadd.s32 $0x10700, s21;
	s22 =	sadd.s32 $0x10, s22  }
0xec: {  	s9 =	sadd.s32 $0x10500, s21;
	s29 =	sadd.s32 $0x10900, s21;
	s2 =	spop (v2sf);
	(v2sf) =	vpush v0, $0x9  }
0xed: {  	s15 =	sand.u32 $0x1FFFFFF0, s2;
	s2 =	sadd.s32 $0x10880, s21;
	s17 =	spop (v2sf)  }
0xee: {  	s15 =	sadd.s32 s4, s15;
	s17 =	sand.u32 $0x1FFFFFF0, s17;
	s19 =	spop (v2sf);
	(v2sf) =	vpush v0, $0xA  }
0xef: {  	[tilespmem:s6], [sflag:$0x3] =	stream.linear.gather [hbm4b:s15+s1], $0x80, $0x38;
	[tilespmem:$0x18400] =	vst v63  }
0xf0: {  	s6 =	sadd.s32 s4, s17;
	s15 =	sadd.s32 $0x10580, s21;
	s17 =	spop (v2sf);
	(v2sf) =	vpush v0, $0xB  }
0xf1: {  	[tilespmem:s5], [sflag:$0x3] =	stream.linear.gather [hbm4b:s6+s1], $0x80, $0x38;
	[tilespmem:$0x18400] =	vst v63  }
0xf2: {  	s5 =	sand.u32 $0x1FFFFFF0, s19;
	s6 =	sand.u32 $0x1FFFFFF0, s17;
	s17 =	spop (v2sf);
	(v2sf) =	vpush v0, $0xC  }
0xf3: {  	s5 =	sadd.s32 s4, s5;
	s17 =	sand.u32 $0x1FFFFFF0, s17;
	s19 =	spop (v2sf)  }
0xf4: {  	[tilespmem:s9], [sflag:$0x3] =	stream.linear.gather [hbm4b:s5+s1], $0x80, $0x38;
	(v2sf) =	vpush v0, $0xD;
	[tilespmem:$0x18400] =	vst v63  }
0xf5: {  	s5 =	sadd.s32 s4, s17;
	s9 =	sand.u32 $0x1FFFFFF0, s19;
	s17 =	spop (v2sf)  }
0xf6: {  	[tilespmem:s15], [sflag:$0x3] =	stream.linear.gather [hbm4b:s5+s1], $0x80, $0x38;
	(v2sf) =	vpush v0, $0xE;
	[tilespmem:$0x18400] =	vst v63  }
0xf7: {  	s5 =	sadd.s32 s4, s6;
	s6 =	sand.u32 $0x1FFFFFF0, s17;
	s15 =	spop (v2sf)  }
0xf8: {  	[tilespmem:s7], [sflag:$0x3] =	stream.linear.gather [hbm4b:s5+s1], $0x80, $0x38;
	(v2sf) =	vpush v0, $0xF;
	[tilespmem:$0x18400] =	vst v63  }
0xf9: {  	s5 =	sadd.s32 s4, s9;
	s7 =	sand.u32 $0x1FFFFFF0, s15;
	s9 =	spop (v2sf)  }
0xfa: {  	[tilespmem:s13], [sflag:$0x3] =	stream.linear.gather [hbm4b:s5+s1], $0x80, $0x38;
	[tilespmem:$0x18400] =	vst v63  }
0xfb: {  	s5 =	sadd.s32 s4, s6;
	s6 =	sand.u32 $0x1FFFFFF0, s9;
	s9 =	spop (v2sf)  }
0xfc: {  	[tilespmem:s8], [sflag:$0x3] =	stream.linear.gather [hbm4b:s5+s1], $0x80, $0x38;
	[tilespmem:$0x18400] =	vst v63  }
0xfd: {  	s5 =	sadd.s32 s4, s7;
	s7 =	sand.u32 $0x1FFFFFF0, s9;
	s8 =	spop (v2sf)  }
0xfe: {  	[tilespmem:s30], [sflag:$0x3] =	stream.linear.gather [hbm4b:s5+s1], $0x80, $0x38;
	[tilespmem:$0x18400] =	vst v63  }
0xff: {  	s5 =	sadd.s32 s4, s6;
	s6 =	sand.u32 $0x1FFFFFF0, s8;
	s8 =	spop (v2sf)  }
0x100: {  	[tilespmem:s0], [sflag:$0x3] =	stream.linear.gather [hbm4b:s5+s1], $0x80, $0x38;
	[tilespmem:$0x18400] =	vst v63  }
0x101: {  	s0 =	sadd.s32 s4, s7;
	s5 =	sand.u32 $0x1FFFFFF0, s8;
	s7 =	spop (v2sf)  }
0x102: {  	[tilespmem:s2], [sflag:$0x3] =	stream.linear.gather [hbm4b:s0+s1], $0x80, $0x38;
	[tilespmem:$0x18400] =	vst v63  }
0x103: {  	s0 =	sadd.s32 s4, s6;
	s2 =	sand.u32 $0x1FFFFFF0, s7;
	s6 =	spop (v2sf)  }
0x104: {  	[tilespmem:s29], [sflag:$0x3] =	stream.linear.gather [hbm4b:s0+s1], $0x80, $0x38;
	[tilespmem:$0x18400] =	vst v63  }
0x105: {  	s0 =	sadd.s32 s4, s5;
	s5 =	sand.u32 $0x1FFFFFF0, s6;
	s6 =	spop (v2sf)  }
0x106: {  	[tilespmem:s28], [sflag:$0x3] =	stream.linear.gather [hbm4b:s0+s1], $0x80, $0x38;
	[tilespmem:$0x18400] =	vst v63  }
0x107: {  	s0 =	sadd.s32 s4, s2;
	s2 =	sand.u32 $0x1FFFFFF0, s6;
	s6 =	spop (v2sf)  }
0x108: {  	[tilespmem:s25], [sflag:$0x3] =	stream.linear.gather [hbm4b:s0+s1], $0x80, $0x38;
	[tilespmem:$0x18400] =	vst v63  }
0x109: {  	s0 =	sadd.s32 s4, s5;
	s5 =	sand.u32 $0x1FFFFFF0, s6  }
0x10a: {  	[tilespmem:s26], [sflag:$0x3] =	stream.linear.gather [hbm4b:s0+s1], $0x80, $0x38;
	[tilespmem:$0x18400] =	vst v63  }
0x10b: {  	s2 =	sadd.s32 s4, s2;
	s0 =	sadd.s32 $0x10B00, s21  }
0x10c: {  	[tilespmem:s0], [sflag:$0x3] =	stream.linear.gather [hbm4b:s2+s1], $0x80, $0x38;
	[tilespmem:$0x18400] =	vst v63  }
0x10d: {  	s0 =	sadd.s32 $0x10B80, s21;
	s2 =	sadd.s32 s4, s5  }
0x10e: {  	[tilespmem:s0], [sflag:$0x3] =	stream.linear.gather [hbm4b:s2+s1], $0x80, $0x38;
	[tilespmem:$0x18400] =	vst v63  }
0x10f: {  	v0 =	vld [tilespmem:s22+$0x0];
	_ =	sdelay $0x4  }
0x110: {  	v0 =	vshll.u32 v0, $0x4  }
0x111: {  	(v2sf) =	vpush v0, $0x0  }
0x112: {  	(v2sf) =	vpush v0, $0x1  }
0x113: {  	(v2sf) =	vpush v0, $0x2;
	_ =	sdelay $0x1  }
0x114: {  	(v2sf) =	vpush v0, $0x4  }
.Ltmp2:
0x115: {  	(pc) =	sbr.rel @p0 .LBB2_6-.Ltmp2, $3  }
0x116: {  	(v2sf) =	vpush v0, $0x3  }
0x117: {  	(v2sf) =	vpush v0, $0x5;
	_ =	sdelay $0x1  }
0x118: {  	s21 =	sshra.s32 s24, $0x2;
	(v2sf) =	vpush v0, $0x6  }
0x119: {  	_ =	sdelay $0x1  }
0x11a: {  	s2 =	sadd.s32 $0x10480, s21;
	s23 =	sadd.s32 $0x10980, s21  }
0x11b: {  	s5 =	sadd.s32 $0x10780, s21;
	s0 =	sadd.s32 $0x10A00, s21;
	(v2sf) =	vpush v0, $0x7;
	s6 =	sadd.s32 $0x10680, s21  }
0x11c: {  	s7 =	sadd.s32 $0x10800, s21;
	s22 =	sadd.s32 $0x10A80, s21;
	s8 =	sadd.s32 $0x10400, s21  }
0x11d: {  	s9 =	sadd.s32 $0x10600, s21;
	s13 =	sadd.s32 $0x10700, s21;
	(v2sf) =	vpush v0, $0x8;
	s15 =	spop (v2sf)  }
0x11e: {  	s17 =	sadd.s32 $0x10500, s21;
	s15 =	sand.u32 $0x1FFFFFF0, s15;
	s19 =	spop (v2sf)  }
0x11f: {  	(v2sf) =	vpush v0, $0x9;
	s15 =	sadd.s32 s4, s15;
	s19 =	sand.u32 $0x1FFFFFF0, s19;
	s24 =	spop (v2sf)  }
0x120: {  	[tilespmem:s8], [sflag:$0x3] =	stream.linear.gather [hbm4b:s15+s1], $0x80, $0x38;
	[tilespmem:$0x18400] =	vst v63  }
0x121: {  	s25 =	sadd.s32 $0x10580, s21;
	(v2sf) =	vpush v0, $0xA;
	s29 =	sadd.s32 s4, s19;
	s30 =	spop (v2sf)  }
0x122: {  	[tilespmem:s2], [sflag:$0x3] =	stream.linear.gather [hbm4b:s29+s1], $0x80, $0x38;
	[tilespmem:$0x18400] =	vst v63  }
0x123: {  	s8 =	sadd.s32 $0x10900, s21;
	s26 =	sand.u32 $0x1FFFFFF0, s24;
	(v2sf) =	vpush v0, $0xB;
	s28 =	spop (v2sf)  }
0x124: {  	s15 =	sadd.s32 s4, s26;
	s2 =	sadd.s32 $0x10880, s21;
	s24 =	sand.u32 $0x1FFFFFF0, s28  }
0x125: {  	(v2sf) =	vpush v0, $0xC;
	[tilespmem:s17], [sflag:$0x3] =	stream.linear.gather [hbm4b:s15+s1], $0x80, $0x38;
	[tilespmem:$0x18400] =	vst v63  }
0x126: {  	s29 =	sand.u32 $0x1FFFFFF0, s30;
	s30 =	spop (v2sf);
	s26 =	sadd.s32 s4, s24  }
0x127: {  	(v2sf) =	vpush v0, $0xD;
	[tilespmem:s25], [sflag:$0x3] =	stream.linear.gather [hbm4b:s26+s1], $0x80, $0x38;
	[tilespmem:$0x18400] =	vst v63  }
0x128: {  	s15 =	sadd.s32 s4, s29;
	s17 =	sand.u32 $0x1FFFFFF0, s30;
	s28 =	spop (v2sf)  }
0x129: {  	(v2sf) =	vpush v0, $0xE;
	[tilespmem:s9], [sflag:$0x3] =	stream.linear.gather [hbm4b:s15+s1], $0x80, $0x38;
	[tilespmem:$0x18400] =	vst v63  }
0x12a: {  	s17 =	sadd.s32 s4, s17;
	s29 =	sand.u32 $0x1FFFFFF0, s28;
	s30 =	spop (v2sf)  }
0x12b: {  	(v2sf) =	vpush v0, $0xF;
	[tilespmem:s6], [sflag:$0x3] =	stream.linear.gather [hbm4b:s17+s1], $0x80, $0x38;
	[tilespmem:$0x18400] =	vst v63  }
0x12c: {  	s19 =	sand.u32 $0x1FFFFFF0, s30;
	s24 =	spop (v2sf);
	s9 =	sadd.s32 s4, s29  }
0x12d: {  	[tilespmem:s13], [sflag:$0x3] =	stream.linear.gather [hbm4b:s9+s1], $0x80, $0x38;
	[tilespmem:$0x18400] =	vst v63  }
0x12e: {  	s25 =	sand.u32 $0x1FFFFFF0, s24;
	s6 =	sadd.s32 s4, s19;
	s26 =	spop (v2sf)  }
0x12f: {  	[tilespmem:s5], [sflag:$0x3] =	stream.linear.gather [hbm4b:s6+s1], $0x80, $0x38;
	[tilespmem:$0x18400] =	vst v63  }
0x130: {  	s9 =	sadd.s32 s4, s25;
	s28 =	sand.u32 $0x1FFFFFF0, s26;
	s29 =	spop (v2sf)  }
0x131: {  	[tilespmem:s7], [sflag:$0x3] =	stream.linear.gather [hbm4b:s9+s1], $0x80, $0x38;
	[tilespmem:$0x18400] =	vst v63  }
0x132: {  	s6 =	sand.u32 $0x1FFFFFF0, s29;
	s5 =	sadd.s32 s4, s28;
	s30 =	spop (v2sf)  }
0x133: {  	[tilespmem:s2], [sflag:$0x3] =	stream.linear.gather [hbm4b:s5+s1], $0x80, $0x38;
	[tilespmem:$0x18400] =	vst v63  }
0x134: {  	s6 =	sadd.s32 s4, s6;
	s9 =	sand.u32 $0x1FFFFFF0, s30;
	s13 =	spop (v2sf)  }
0x135: {  	[tilespmem:s8], [sflag:$0x3] =	stream.linear.gather [hbm4b:s6+s1], $0x80, $0x38;
	[tilespmem:$0x18400] =	vst v63  }
0x136: {  	s2 =	sadd.s32 s4, s9;
	s5 =	sand.u32 $0x1FFFFFF0, s13;
	s15 =	spop (v2sf)  }
0x137: {  	[tilespmem:s23], [sflag:$0x3] =	stream.linear.gather [hbm4b:s2+s1], $0x80, $0x38;
	[tilespmem:$0x18400] =	vst v63  }
0x138: {  	s17 =	sand.u32 $0x1FFFFFF0, s15;
	s5 =	sadd.s32 s4, s5;
	s19 =	spop (v2sf)  }
0x139: {  	[tilespmem:s0], [sflag:$0x3] =	stream.linear.gather [hbm4b:s5+s1], $0x80, $0x38;
	[tilespmem:$0x18400] =	vst v63  }
0x13a: {  	s23 =	sand.u32 $0x1FFFFFF0, s19;
	s24 =	spop (v2sf);
	s2 =	sadd.s32 s4, s17  }
0x13b: {  	[tilespmem:s22], [sflag:$0x3] =	stream.linear.gather [hbm4b:s2+s1], $0x80, $0x38;
	[tilespmem:$0x18400] =	vst v63  }
0x13c: {  	s26 =	sadd.s32 $0x10B00, s21;
	s25 =	sand.u32 $0x1FFFFFF0, s24;
	s0 =	sadd.s32 s4, s23  }
0x13d: {  	[tilespmem:s26], [sflag:$0x3] =	stream.linear.gather [hbm4b:s0+s1], $0x80, $0x38;
	[tilespmem:$0x18400] =	vst v63  }
0x13e: {  	s28 =	sadd.s32 $0x10B80, s21;
	s2 =	sadd.s32 s4, s25  }
0x13f: {  	[tilespmem:s28], [sflag:$0x3] =	stream.linear.gather [hbm4b:s2+s1], $0x80, $0x38;
	[tilespmem:$0x18400] =	vst v63  }
0x140: {  	_ =	swait.ge [sflag:s14], $0x8000  }
0x141: {  	s31 =	simm.s32 $0x400;
	[sflag:s14] =	ssyncset.done $0x0  }
0x142: {  	s21 =	simm.s32 $0x0;
	s29 =	rddreg [dreg:$0x6];
	[sflag:s14] =	ssyncadd.s32 $0xFFFF8000  }
0x143: {  	[hbm4b:s29+s21] =	stream.linear.scatter [tilespmem:s31], [sflag:$0x4], $0x8000, $0x38;
	[tilespmem:$0x18400] =	vst v63  }
0x144: {  	_ =	swait.ge [sflag:s12], $0x8000  }
0x145: {  	[sflag:s12] =	ssyncset.done $0x0  }
0x146: {  	s30 =	sand.u32 $0xF0, s21;
	[sflag:s12] =	ssyncadd.s32 $0xFFFF8000  }
0x147: {  	v0 =	vld [tilespmem:s30+$0x300];
	_ =	sdelay $0x4  }
0x148: {  	v0 =	vshll.u32 v0, $0x4  }
0x149: {  	(v2sf) =	vpush v0, $0x0  }
0x14a: {  	(v2sf) =	vpush v0, $0x2  }
0x14b: {  	(v2sf) =	vpush v0, $0x1;
	_ =	sdelay $0x1  }
0x14c: {  	(v2sf) =	vpush v0, $0x3  }
0x14d: {  	(v2sf) =	vpush v0, $0x4;
	_ =	sdelay $0x2  }
0x14e: {  	s23 =	simm.s32 $0x10;
	s22 =	simm.s32 $0x2000  }
.LBB2_8:
0x14f: {  	p0 =	sne.s32 s22, $0x1E000;
	(v2sf) =	vpush v0, $0x5;
	s0 =	smov.u32 s22;
	s22 =	sadd.s32 $0x2000, s22  }
0x150: {  	s24 =	sshra.s32 s21, $0x2;
	s21 =	smov.u32 s0  }
0x151: {  	s5 =	sadd.s32 $0x480, s24;
	(v2sf) =	vpush v0, $0x6  }
0x152: {  	s6 =	sadd.s32 $0x400, s24  }
0x153: {  	s28 =	sadd.s32 $0x980, s24;
	s26 =	sadd.s32 $0xA00, s24;
	s25 =	sadd.s32 $0xA80, s24;
	(v2sf) =	vpush v0, $0x7  }
0x154: {  	s30 =	sadd.s32 $0x800, s24;
	s0 =	sadd.s32 $0x880, s24;
	s29 =	sadd.s32 $0x900, s24  }
0x155: {  	s7 =	sadd.s32 $0x700, s24;
	s2 =	sadd.s32 $0x780, s24;
	s8 =	spop (v2sf);
	(v2sf) =	vpush v0, $0x8  }
0x156: {  	s9 =	sadd.s32 $0x500, s24;
	s8 =	sand.u32 $0x1FFFFFF0, s8;
	s13 =	spop (v2sf)  }
0x157: {  	s15 =	sadd.s32 $0x680, s24;
	s8 =	sadd.s32 s4, s8;
	s17 =	spop (v2sf);
	(v2sf) =	vpush v0, $0x9  }
0x158: {  	[tilespmem:s6], [sflag:$0x1] =	stream.linear.gather [hbm4b:s8+s1], $0x80, $0x38;
	[tilespmem:$0x18400] =	vst v63  }
0x159: {  	s6 =	sand.u32 $0x1FFFFFF0, s17;
	s8 =	sand.u32 $0x1FFFFFF0, s13;
	s13 =	spop (v2sf);
	(v2sf) =	vpush v0, $0xA  }
0x15a: {  	s17 =	sadd.s32 $0x600, s24;
	s6 =	sadd.s32 s4, s6;
	s19 =	spop (v2sf)  }
0x15b: {  	[tilespmem:s5], [sflag:$0x1] =	stream.linear.gather [hbm4b:s6+s1], $0x80, $0x38;
	(v2sf) =	vpush v0, $0xB;
	[tilespmem:$0x18400] =	vst v63  }
0x15c: {  	s5 =	sadd.s32 s4, s8;
	s6 =	sand.u32 $0x1FFFFFF0, s13;
	s8 =	sand.u32 $0x1FFFFFF0, s19  }
0x15d: {  	[tilespmem:s9], [sflag:$0x1] =	stream.linear.gather [hbm4b:s5+s1], $0x80, $0x38;
	(v2sf) =	vpush v0, $0xC;
	[tilespmem:$0x18400] =	vst v63  }
0x15e: {  	s6 =	sadd.s32 s4, s6;
	s5 =	sadd.s32 $0x580, s24;
	s9 =	spop (v2sf)  }
0x15f: {  	[tilespmem:s5], [sflag:$0x1] =	stream.linear.gather [hbm4b:s6+s1], $0x80, $0x38;
	(v2sf) =	vpush v0, $0xD;
	[tilespmem:$0x18400] =	vst v63  }
0x160: {  	s5 =	sadd.s32 s4, s8;
	s6 =	sand.u32 $0x1FFFFFF0, s9;
	s8 =	spop (v2sf)  }
0x161: {  	[tilespmem:s17], [sflag:$0x1] =	stream.linear.gather [hbm4b:s5+s1], $0x80, $0x38;
	(v2sf) =	vpush v0, $0xE;
	[tilespmem:$0x18400] =	vst v63  }
0x162: {  	s5 =	sadd.s32 s4, s6;
	s6 =	sand.u32 $0x1FFFFFF0, s8;
	s8 =	spop (v2sf)  }
0x163: {  	[tilespmem:s15], [sflag:$0x1] =	stream.linear.gather [hbm4b:s5+s1], $0x80, $0x38;
	(v2sf) =	vpush v0, $0xF;
	[tilespmem:$0x18400] =	vst v63  }
0x164: {  	s5 =	sadd.s32 s4, s6;
	s6 =	sand.u32 $0x1FFFFFF0, s8;
	s8 =	spop (v2sf)  }
0x165: {  	[tilespmem:s7], [sflag:$0x1] =	stream.linear.gather [hbm4b:s5+s1], $0x80, $0x38;
	[tilespmem:$0x18400] =	vst v63  }
0x166: {  	s5 =	sadd.s32 s4, s6;
	s6 =	sand.u32 $0x1FFFFFF0, s8;
	s7 =	spop (v2sf)  }
0x167: {  	[tilespmem:s2], [sflag:$0x1] =	stream.linear.gather [hbm4b:s5+s1], $0x80, $0x38;
	[tilespmem:$0x18400] =	vst v63  }
0x168: {  	s2 =	sadd.s32 s4, s6;
	s5 =	sand.u32 $0x1FFFFFF0, s7;
	s6 =	spop (v2sf)  }
0x169: {  	[tilespmem:s30], [sflag:$0x1] =	stream.linear.gather [hbm4b:s2+s1], $0x80, $0x38;
	[tilespmem:$0x18400] =	vst v63  }
0x16a: {  	s2 =	sadd.s32 s4, s5;
	s5 =	sand.u32 $0x1FFFFFF0, s6;
	s6 =	spop (v2sf)  }
0x16b: {  	[tilespmem:s0], [sflag:$0x1] =	stream.linear.gather [hbm4b:s2+s1], $0x80, $0x38;
	[tilespmem:$0x18400] =	vst v63  }
0x16c: {  	s0 =	sadd.s32 s4, s5;
	s2 =	sand.u32 $0x1FFFFFF0, s6;
	s5 =	spop (v2sf)  }
0x16d: {  	[tilespmem:s29], [sflag:$0x1] =	stream.linear.gather [hbm4b:s0+s1], $0x80, $0x38;
	[tilespmem:$0x18400] =	vst v63  }
0x16e: {  	s0 =	sadd.s32 s4, s2;
	s2 =	sand.u32 $0x1FFFFFF0, s5;
	s5 =	spop (v2sf)  }
0x16f: {  	[tilespmem:s28], [sflag:$0x1] =	stream.linear.gather [hbm4b:s0+s1], $0x80, $0x38;
	[tilespmem:$0x18400] =	vst v63  }
0x170: {  	s0 =	sadd.s32 s4, s2;
	s2 =	sand.u32 $0x1FFFFFF0, s5;
	s5 =	spop (v2sf)  }
0x171: {  	[tilespmem:s26], [sflag:$0x1] =	stream.linear.gather [hbm4b:s0+s1], $0x80, $0x38;
	[tilespmem:$0x18400] =	vst v63  }
0x172: {  	s0 =	sadd.s32 s4, s2;
	s2 =	sand.u32 $0x1FFFFFF0, s5;
	s5 =	spop (v2sf)  }
0x173: {  	[tilespmem:s25], [sflag:$0x1] =	stream.linear.gather [hbm4b:s0+s1], $0x80, $0x38;
	[tilespmem:$0x18400] =	vst v63  }
0x174: {  	s2 =	sadd.s32 s4, s2;
	s0 =	sadd.s32 $0xB00, s24;
	s5 =	sand.u32 $0x1FFFFFF0, s5  }
0x175: {  	[tilespmem:s0], [sflag:$0x1] =	stream.linear.gather [hbm4b:s2+s1], $0x80, $0x38;
	[tilespmem:$0x18400] =	vst v63  }
0x176: {  	s5 =	sadd.s32 s4, s5;
	s0 =	sand.u32 $0xF0, s23;
	s2 =	sadd.s32 $0xB80, s24  }
0x177: {  	[tilespmem:s2], [sflag:$0x1] =	stream.linear.gather [hbm4b:s5+s1], $0x80, $0x38;
	[tilespmem:$0x18400] =	vst v63  }
0x178: {  	v0 =	vld [tilespmem:s0+$0x300];
	_ =	sdelay $0x4  }
0x179: {  	v0 =	vshll.u32 v0, $0x4  }
0x17a: {  	(v2sf) =	vpush v0, $0x0  }
0x17b: {  	(v2sf) =	vpush v0, $0x2  }
0x17c: {  	(v2sf) =	vpush v0, $0x1;
	_ =	sdelay $0x1  }
.Ltmp3:
0x17d: {  	(v2sf) =	vpush v0, $0x3;
	(pc) =	sbr.rel @p0 .LBB2_8-.Ltmp3, $2  }
0x17e: {  	(v2sf) =	vpush v0, $0x4;
	_ =	sdelay $0x2  }
0x17f: {  	s23 =	sadd.s32 $0x10, s23  }
0x180: {  	_ =	sdelay $0x5  }
0x181: {  	s0 =	spop (v2sf)  }
0x182: {  	s5 =	spop (v2sf);
	(v2sf) =	vpush v0, $0x5;
	_ =	sdelay $0x1  }
0x183: {  	s6 =	spop (v2sf);
	(v2sf) =	vpush v0, $0x6;
	_ =	sdelay $0x2  }
0x184: {  	s13 =	spop (v2sf);
	(v2sf) =	vpush v0, $0x7  }
0x185: {  	s21 =	sshra.s32 s21, $0x2;
	s0 =	sand.u32 $0x1FFFFFF0, s0  }
0x186: {  	s2 =	sadd.s32 $0x400, s21;
	s0 =	sadd.s32 s4, s0  }
0x187: {  	[tilespmem:s2], [sflag:$0x1] =	stream.linear.gather [hbm4b:s0+s1], $0x80, $0x38;
	[tilespmem:$0x18400] =	vst v63  }
0x188: {  	s0 =	sand.u32 $0x1FFFFFF0, s6;
	s17 =	spop (v2sf);
	(v2sf) =	vpush v0, $0x8  }
0x189: {  	s7 =	sadd.s32 $0x480, s21;
	s8 =	sand.u32 $0x1FFFFFF0, s5;
	s0 =	sadd.s32 s4, s0  }
0x18a: {  	[tilespmem:s7], [sflag:$0x1] =	stream.linear.gather [hbm4b:s0+s1], $0x80, $0x38;
	[tilespmem:$0x18400] =	vst v63  }
0x18b: {  	s9 =	sadd.s32 $0x500, s21;
	s0 =	sadd.s32 s4, s8  }
0x18c: {  	[tilespmem:s9], [sflag:$0x1] =	stream.linear.gather [hbm4b:s0+s1], $0x80, $0x38;
	[tilespmem:$0x18400] =	vst v63  }
0x18d: {  	s0 =	sand.u32 $0x1FFFFFF0, s13  }
0x18e: {  	s15 =	sadd.s32 $0x580, s21;
	s0 =	sadd.s32 s4, s0;
	s22 =	spop (v2sf);
	(v2sf) =	vpush v0, $0x9  }
0x18f: {  	[tilespmem:s15], [sflag:$0x1] =	stream.linear.gather [hbm4b:s0+s1], $0x80, $0x38;
	[tilespmem:$0x18400] =	vst v63  }
0x190: {  	s0 =	sand.u32 $0x1FFFFFF0, s17;
	s24 =	spop (v2sf);
	(v2sf) =	vpush v0, $0xA  }
0x191: {  	s19 =	sadd.s32 $0x600, s21;
	s0 =	sadd.s32 s4, s0  }
0x192: {  	[tilespmem:s19], [sflag:$0x1] =	stream.linear.gather [hbm4b:s0+s1], $0x80, $0x38;
	[tilespmem:$0x18400] =	vst v63  }
0x193: {  	s0 =	sand.u32 $0x1FFFFFF0, s22;
	s26 =	spop (v2sf);
	(v2sf) =	vpush v0, $0xB  }
0x194: {  	s23 =	sadd.s32 $0x680, s21;
	s0 =	sadd.s32 s4, s0  }
0x195: {  	[tilespmem:s23], [sflag:$0x1] =	stream.linear.gather [hbm4b:s0+s1], $0x80, $0x38;
	[tilespmem:$0x18400] =	vst v63  }
0x196: {  	s0 =	sand.u32 $0x1FFFFFF0, s24  }
0x197: {  	s25 =	sadd.s32 $0x700, s21;
	s0 =	sadd.s32 s4, s0;
	s29 =	spop (v2sf)  }
0x198: {  	(v2sf) =	vpush v0, $0xC;
	[tilespmem:s25], [sflag:$0x1] =	stream.linear.gather [hbm4b:s0+s1], $0x80, $0x38;
	[tilespmem:$0x18400] =	vst v63  }
0x199: {  	s0 =	sand.u32 $0x1FFFFFF0, s26  }
0x19a: {  	s28 =	sadd.s32 $0x780, s21;
	s0 =	sadd.s32 s4, s0  }
0x19b: {  	[tilespmem:s28], [sflag:$0x1] =	stream.linear.gather [hbm4b:s0+s1], $0x80, $0x38;
	[tilespmem:$0x18400] =	vst v63  }
0x19c: {  	s0 =	sand.u32 $0x1FFFFFF0, s29  }
0x19d: {  	s30 =	sadd.s32 $0x800, s21;
	s0 =	sadd.s32 s4, s0;
	s2 =	spop (v2sf);
	(v2sf) =	vpush v0, $0xD  }
0x19e: {  	[tilespmem:s30], [sflag:$0x1] =	stream.linear.gather [hbm4b:s0+s1], $0x80, $0x38;
	[tilespmem:$0x18400] =	vst v63  }
0x19f: {  	s0 =	sand.u32 $0x1FFFFFF0, s2;
	s6 =	spop (v2sf);
	(v2sf) =	vpush v0, $0xE  }
0x1a0: {  	s5 =	sadd.s32 $0x880, s21;
	s0 =	sadd.s32 s4, s0  }
0x1a1: {  	[tilespmem:s5], [sflag:$0x1] =	stream.linear.gather [hbm4b:s0+s1], $0x80, $0x38;
	[tilespmem:$0x18400] =	vst v63  }
0x1a2: {  	s8 =	spop (v2sf);
	(v2sf) =	vpush v0, $0xF  }
0x1a3: {  	s0 =	sand.u32 $0x1FFFFFF0, s6  }
0x1a4: {  	s7 =	sadd.s32 $0x900, s21;
	s0 =	sadd.s32 s4, s0  }
0x1a5: {  	[tilespmem:s7], [sflag:$0x1] =	stream.linear.gather [hbm4b:s0+s1], $0x80, $0x38;
	[tilespmem:$0x18400] =	vst v63  }
0x1a6: {  	s0 =	sand.u32 $0x1FFFFFF0, s8  }
0x1a7: {  	s9 =	sadd.s32 $0x980, s21;
	s13 =	spop (v2sf);
	s0 =	sadd.s32 s4, s0  }
0x1a8: {  	[tilespmem:s9], [sflag:$0x1] =	stream.linear.gather [hbm4b:s0+s1], $0x80, $0x38;
	[tilespmem:$0x18400] =	vst v63  }
0x1a9: {  	s0 =	sand.u32 $0x1FFFFFF0, s13  }
0x1aa: {  	s15 =	sadd.s32 $0xA00, s21;
	s0 =	sadd.s32 s4, s0  }
0x1ab: {  	[tilespmem:s15], [sflag:$0x1] =	stream.linear.gather [hbm4b:s0+s1], $0x80, $0x38;
	[tilespmem:$0x18400] =	vst v63  }
0x1ac: {  	s17 =	spop (v2sf)  }
0x1ad: {  	s0 =	sand.u32 $0x1FFFFFF0, s17  }
0x1ae: {  	s19 =	sadd.s32 $0xA80, s21;
	s22 =	spop (v2sf);
	s0 =	sadd.s32 s4, s0  }
0x1af: {  	[tilespmem:s19], [sflag:$0x1] =	stream.linear.gather [hbm4b:s0+s1], $0x80, $0x38;
	[tilespmem:$0x18400] =	vst v63  }
0x1b0: {  	s0 =	sand.u32 $0x1FFFFFF0, s22  }
0x1b1: {  	s23 =	sadd.s32 $0xB00, s21;
	s24 =	spop (v2sf);
	s0 =	sadd.s32 s4, s0  }
0x1b2: {  	[tilespmem:s23], [sflag:$0x1] =	stream.linear.gather [hbm4b:s0+s1], $0x80, $0x38;
	[tilespmem:$0x18400] =	vst v63  }
0x1b3: {  	s0 =	sand.u32 $0x1FFFFFF0, s24  }
0x1b4: {  	s25 =	sadd.s32 $0xB80, s21;
	s0 =	sadd.s32 s4, s0  }
0x1b5: {  	[tilespmem:s25], [sflag:$0x1] =	stream.linear.gather [hbm4b:s0+s1], $0x80, $0x38;
	[tilespmem:$0x18400] =	vst v63  }
0x1b6: {  	_ =	swait.ge [sflag:s16], $0x8000  }
0x1b7: {  	[sflag:s16] =	ssyncset.done $0x0  }
0x1b8: {  	s28 =	simm.s32 $0x8400;
	s26 =	rddreg [dreg:$0x7];
	[sflag:s16] =	ssyncadd.s32 $0xFFFF8000  }
0x1b9: {  	[hbm4b:s26+s1] =	stream.linear.scatter [tilespmem:s28], [sflag:$0x4], $0x8000, $0x38;
	[tilespmem:$0x18400] =	vst v63  }
0x1ba: {  	_ =	swait.ge [sflag:s12], $0x8000  }
0x1bb: {  	[sflag:s12] =	ssyncset.done $0x0  }
0x1bc: {  	[sflag:s12] =	ssyncadd.s32 $0xFFFF8000  }
0x1bd: {  	_ =	swait.ge [sflag:s18], $0x8000  }
0x1be: {  	[sflag:s18] =	ssyncset.done $0x0  }
0x1bf: {  	s30 =	simm.s32 $0x10400;
	s29 =	rddreg [dreg:$0x8];
	[sflag:s18] =	ssyncadd.s32 $0xFFFF8000  }
0x1c0: {  	[hbm4b:s29+s1] =	stream.linear.scatter [tilespmem:s30], [sflag:$0x4], $0x8000, $0x38;
	[tilespmem:$0x18400] =	vst v63  }
0x1c1: {  	_ =	swait.ge [sflag:s12], $0x8000  }
0x1c2: {  	[sflag:s12] =	ssyncset.done $0x0  }
0x1c3: {  	[sflag:s12] =	ssyncadd.s32 $0xFFFF8000  }
0x1c4: {  	s20 =	sadd.s32 $0x1, s20;
	_ =	swait.ge [sflag:s14], $0x8000  }
0x1c5: {  	p0 =	sne.s32 s20, s11;
	[sflag:s14] =	ssyncset.done $0x0  }
.Ltmp4:
0x1c6: {  	[sflag:s14] =	ssyncadd.s32 $0xFFFF8000;
	(pc) =	sbr.rel @p0 .LBB2_1-.Ltmp4, $4  }
0x1c7: {  	[hbm4b:s10+s1] =	stream.linear.scatter [tilespmem:s31], [sflag:$0x4], $0x8000, $0x38;
	[tilespmem:$0x18400] =	vst v63  }
0x1c8: {  	_ =	swait.ge [sflag:s12], $0x8000  }
0x1c9: {  	[sflag:s12] =	ssyncset.done $0x0  }
0x1ca: {  	[sflag:s12] =	ssyncadd.s32 $0xFFFF8000  }
0x1cb: {  	_ =	sfence.sel $0x180000  }
0x1cc: {  	[bflag:$0x0] =	sbarrier.arrive $0xFFFF  }
0x1cd: {  	_ =	strace $0x90000047  }
0x1ce: {  	s0 =	stileid.u32;
	[bflag:$0x2] =	sbarrier.arrive $0xFFFF  }
0x1cf: {  	p0 =	sne.s32 s0, $0x0;
	s0 =	rddreg [dreg:$0x3]  }
0x1d0: {  	s0 =	sadd.s32 @!p0 $0x100000, s0  }
0x1d1: {  	[sflag:s0] =	ssyncadd.tile.s32 @!p0 $0x1;
	_ =	shalt  }
.Lfunc_end2:
_tile_overlayer_lowered:
.L_overlay_start_2:
0x1d2: {  	(tag) =	ssettag $0x2  }
0x1d3: {  	s0 =	rddreg [dreg:$0x0];
	s2 =	stileid.u32  }
0x1d4: {  	s1 =	rddreg [dreg:$0x1];
	p0 =	sne.s32 s2, $0x0  }
0x1d5: {  	s3 =	rddreg [dreg:$0x2];
	[bflag:$0x3] =	sbarrier.arrive $0xFFFF;
	s2 =	simm.s32 @!p0 $0x1C04  }
0x1d6: {  	[timem:s3], [sflag:s2] =	dma.local @!p0 [hbm:s0], s1  }
0x1d7: {  	s0 =	simm.s32 @!p0 $0x4  }
0x1d8: {  	_ =	swait.ge @!p0 [sflag:s0], s1  }
0x1d9: {  	s1 =	ssub.s32 @!p0 $0x0, s1;
	[sflag:s0] =	ssyncset.done @!p0 $0x0  }
0x1da: {  	[sflag:s0] =	ssyncadd.s32 @!p0 s1  }
0x1db: {  	[bflag:$0x3] =	sbarrier.arrive $0xFFFF  }
0x1dc: {  	_ =	shalt  }

</sc_bundles>
